<compile_context>
chip_gen: v7x
topology: tpu7x:2x2x1
jax: 0.10.2.dev20260603
libtpu: 0.0.44.dev20260713+nightly
codegen_flags: <defaults>
</compile_context>

<pallas_src>
import functools

import jax
import jax.numpy as jnp
from jax import lax
from jax.experimental import pallas as pl
from jax.experimental.pallas import tpu as pltpu
from jax.experimental.pallas import tpu_sc as plsc

E = 1_600_000
N = 50_000
LAT = 64

NC, NS = 2, 16
NW = NC * NS
G = 128
NGRP = E // G
KG = 20
NBLK = NGRP // KG
KMAX = -(-NBLK // NW)
EB = KG * G
KGS = 5
NBLKS = NGRP // KGS
KMAXS = -(-NBLKS // NS)
EBS = KGS * G
NROWS = N // NS

E4 = E // 4
N2 = N // 2
BLE = 2000
BLN = 1000

def _mesh():
    return plsc.VectorSubcoreMesh(
        core_axis_name="c", subcore_axis_name="s", num_cores=NC, num_subcores=NS
    )


def _gather_body(xpad, recv2d, send2d, r_out, s_out, idx_v, rows_v, sem):
    c = lax.axis_index("c")
    s = lax.axis_index("s")
    wid = s * NC + c

    def one(idx_hbm, out_hbm, b):
        pltpu.sync_copy(idx_hbm.at[pl.ds(b * KG, KG), :], idx_v)
        descs = []
        for j in range(KG):
            descs.append(
                pltpu.async_copy(
                    xpad.at[idx_v.at[j]], rows_v.at[pl.ds(j * G, G), :], sem
                )
            )
        for d in descs:
            d.wait()
        pltpu.sync_copy(rows_v, out_hbm.at[pl.ds(b * EB, EB), :])

    def body(k, carry):
        b = wid + NW * k

        @pl.when(b < NBLK)
        def _():
            one(recv2d, r_out, b)
            one(send2d, s_out, b)

        return carry

    lax.fori_loop(0, KMAX, body, 0)


@functools.lru_cache(maxsize=None)
def _gather_sc():
    return pl.kernel(
        _gather_body,
        out_type=(
            jax.ShapeDtypeStruct((E, 16), jnp.float32),
            jax.ShapeDtypeStruct((E, 16), jnp.float32),
        ),
        mesh=_mesh(),
        scratch_types=[
            pltpu.VMEM((KG, G), jnp.int32),
            pltpu.VMEM((EB, 16), jnp.float32),
            pltpu.SemaphoreType.DMA,
        ],
        compiler_params=pltpu.CompilerParams(use_tc_tiling_on_sc=False),
    )


def _scatter_body(recv2d, send2d, ue, zeros32, recv_out, sent_out,
                  table, idx_v, vals_v):
    c = lax.axis_index("c")
    s = lax.axis_index("s")
    wid = s * NC + c
    col0 = c * 32

    for idx_hbm, out_hbm in ((recv2d, recv_out), (send2d, sent_out)):
        pltpu.sync_copy(
            zeros32.at[pl.ds(s * NROWS, NROWS), :],
            table.at[pl.ds(s * NROWS, NROWS), :],
        )
        plsc.subcore_barrier()

        def body(k, carry):
            b = s + NS * k

            @pl.when(b < NBLKS)
            def _():
                pltpu.sync_copy(idx_hbm.at[pl.ds(b * KGS, KGS), :], idx_v)
                pltpu.sync_copy(
                    ue.at[pl.ds(b * EBS, EBS), pl.ds(col0, 32)], vals_v
                )
                for j in range(KGS):
                    pltpu.sync_copy(
                        vals_v.at[pl.ds(j * G, G), :],
                        table.at[idx_v.at[j]],
                        add=True,
                    )

            return carry

        lax.fori_loop(0, KMAXS, body, 0)
        plsc.subcore_barrier()
        pltpu.sync_copy(
            table.at[pl.ds(s * NROWS, NROWS), :],
            out_hbm.at[pl.ds(s * NROWS, NROWS), pl.ds(col0, 32)],
        )
        plsc.subcore_barrier()


@functools.lru_cache(maxsize=None)
def _scatter_sc():
    return pl.kernel(
        _scatter_body,
        out_type=(
            jax.ShapeDtypeStruct((N, LAT), jnp.float32),
            jax.ShapeDtypeStruct((N, LAT), jnp.float32),
        ),
        mesh=_mesh(),
        scratch_types=[
            pltpu.VMEM_SHARED((N, 32), jnp.float32),
            pltpu.VMEM((KGS, G), jnp.int32),
            pltpu.VMEM((EBS, 32), jnp.float32),
        ],
        compiler_params=pltpu.CompilerParams(use_tc_tiling_on_sc=False),
    )


def _edge_body(eap, rp, sp, w1, b1, w2, b2, out, agg):
    i = pl.program_id(0)
    xin = jnp.concatenate([eap[...], rp[...], sp[...]], axis=1)
    h = jnp.dot(xin, w1[...], preferred_element_type=jnp.float32) + b1[...]
    h = jnp.maximum(h, 0.0)
    o = jnp.dot(h, w2[...], preferred_element_type=jnp.float32) + b2[...]
    out[...] = o

    @pl.when(i == 0)
    def _():
        agg[...] = jnp.zeros_like(agg)

    agg[...] += jnp.sum(o, axis=0, keepdims=True)


def _edge_mlp(eap, rp, sp, w1, b1, w2, b2):
    nsteps = E4 // BLE
    full = lambda shape: pl.BlockSpec(shape, lambda i: (0, 0))
    return pl.pallas_call(
        _edge_body,
        grid=(nsteps,),
        in_specs=[
            pl.BlockSpec((BLE, 32), lambda i: (i, 0)),
            pl.BlockSpec((BLE, 64), lambda i: (i, 0)),
            pl.BlockSpec((BLE, 64), lambda i: (i, 0)),
            full((160, 256)),
            full((1, 256)),
            full((256, 256)),
            full((1, 256)),
        ],
        out_specs=[
            pl.BlockSpec((BLE, 256), lambda i: (i, 0)),
            full((1, 256)),
        ],
        out_shape=[
            jax.ShapeDtypeStruct((E4, 256), jnp.float32),
            jax.ShapeDtypeStruct((1, 256), jnp.float32),
        ],
    )(eap, rp, sp, w1, b1, w2, b2)


def _node_body(rv, sv, xv, w1, b1, w2, b2, eagg, wge, wgn, bg1e, wg2, bg2,
               out, gout, nacc):
    i = pl.program_id(0)
    xin = jnp.concatenate([rv[...], sv[...], xv[...]], axis=1)
    h = jnp.dot(xin, w1[...], preferred_element_type=jnp.float32) + b1[...]
    h = jnp.maximum(h, 0.0)
    o = jnp.dot(h, w2[...], preferred_element_type=jnp.float32) + b2[...]
    out[...] = o

    @pl.when(i == 0)
    def _():
        nacc[...] = jnp.zeros_like(nacc)

    nacc[...] += jnp.sum(o, axis=0, keepdims=True)

    @pl.when(i == pl.num_programs(0) - 1)
    def _():
        hg = (
            jnp.dot(eagg[...], wge[...], preferred_element_type=jnp.float32)
            + jnp.dot(nacc[...], wgn[...], preferred_element_type=jnp.float32)
            + bg1e[...]
        )
        hg = jnp.maximum(hg, 0.0)
        gout[...] = (
            jnp.dot(hg, wg2[...], preferred_element_type=jnp.float32) + bg2[...]
        )


def _node_mlp(rv, sv, xv, w1, b1, w2, b2, eagg, wge, wgn, bg1e, wg2, bg2):
    nsteps = N2 // BLN
    full = lambda shape: pl.BlockSpec(shape, lambda i: (0, 0))
    return pl.pallas_call(
        _node_body,
        grid=(nsteps,),
        in_specs=[
            pl.BlockSpec((BLN, 128), lambda i: (i, 0)),
            pl.BlockSpec((BLN, 128), lambda i: (i, 0)),
            pl.BlockSpec((BLN, 16), lambda i: (i, 0)),
            full((272, 128)),
            full((1, 128)),
            full((128, 128)),
            full((1, 128)),
            full((1, 256)),
            full((256, LAT)),
            full((128, LAT)),
            full((1, LAT)),
            full((LAT, LAT)),
            full((1, LAT)),
        ],
        out_specs=[
            pl.BlockSpec((BLN, 128), lambda i: (i, 0)),
            full((1, LAT)),
        ],
        out_shape=[
            jax.ShapeDtypeStruct((N2, 128), jnp.float32),
            jax.ShapeDtypeStruct((1, LAT), jnp.float32),
        ],
        scratch_shapes=[pltpu.VMEM((1, 128), jnp.float32)],
    )(rv, sv, xv, w1, b1, w2, b2, eagg, wge, wgn, bg1e, wg2, bg2)


def kernel(x, edge_index, edge_attr, u,
           We1, be1, We2, be2,
           Wn1, bn1, Wn2, bn2,
           Wg1, bg1, Wg2, bg2):
    f32 = jnp.float32
    uval = u[0, 0]
    eye4 = jnp.eye(4, dtype=f32)

    send2d = edge_index[0].astype(jnp.int32).reshape(NGRP, G)
    recv2d = edge_index[1].astype(jnp.int32).reshape(NGRP, G)
    xpad = jnp.pad(x, ((0, 0), (0, 11)))
    ea8 = jnp.pad(edge_attr, ((0, 0), (0, 6)))

    r16, s16 = _gather_sc()(xpad, recv2d, send2d)

    Wa8 = jnp.zeros((8, LAT), f32).at[0:2].set(We1[0:2])
    Wr16 = jnp.zeros((16, LAT), f32).at[0:5].set(We1[2:7])
    Ws16 = jnp.zeros((16, LAT), f32).at[0:5].set(We1[7:12])
    b1e = be1 + uval * We1[12]
    W1 = jnp.concatenate(
        [jnp.kron(eye4, Wa8), jnp.kron(eye4, Wr16), jnp.kron(eye4, Ws16)], axis=0
    )
    b1t = jnp.tile(b1e, 4)[None, :]
    W2 = jnp.kron(eye4, We2)
    b2t = jnp.tile(be2, 4)[None, :]

    uep, eagg = _edge_mlp(
        ea8.reshape(E4, 32), r16.reshape(E4, 64),
        s16.reshape(E4, 64), W1, b1t, W2, b2t,
    )
    ue = uep.reshape(E, LAT)

    zeros32 = jnp.zeros((N, 32), f32)
    recv_agg, sent_agg = _scatter_sc()(recv2d, send2d, ue, zeros32)

    eye2 = jnp.eye(2, dtype=f32)
    Wx8 = jnp.zeros((8, LAT), f32).at[0:5].set(Wn1[128:133])
    b1n = bn1 + uval * Wn1[133]
    W1n = jnp.concatenate(
        [jnp.kron(eye2, Wn1[0:64]), jnp.kron(eye2, Wn1[64:128]),
         jnp.kron(eye2, Wx8)], axis=0
    )
    b1nt = jnp.tile(b1n, 2)[None, :]
    W2n = jnp.kron(eye2, Wn2)
    b2nt = jnp.tile(bn2, 2)[None, :]

    wge = jnp.tile(Wg1[0:64], (4, 1))
    wgn = jnp.tile(Wg1[64:128], (2, 1))
    bg1e = (bg1 + uval * Wg1[128])[None, :]

    xp = jnp.pad(x, ((0, 0), (0, 3))).reshape(N2, 16)
    unp, ug = _node_mlp(
        recv_agg.reshape(N2, 128), sent_agg.reshape(N2, 128), xp,
        W1n, b1nt, W2n, b2nt, eagg, wge, wgn, bg1e, Wg2, bg2[None, :],
    )

    return ue, unp.reshape(N, LAT), ug.reshape(LAT)

# --- scband reference (transcript-rebuilt; emitter-appended) ---
"""Pipeline reference for scband-graph-network-34789235098356 (READ-ONLY COPY).

The authoritative reference and input builder live on the scoring server;
editing this copy changes nothing except your own understanding.
"""

import jax, jax.numpy as jnp
import numpy as np

LATENT = 64
N_NODES = 50000
N_EDGES = 1600000
NODE_DIM = 5
EDGE_DIM = 2
GLOBAL_DIM = 1


def _mlp_params(key, d_in, d_hidden, d_out):
    k1, k2 = jax.random.split(key)
    W1 = jax.random.normal(k1, (d_in, d_hidden), dtype=jnp.float32) * (1.0 / np.sqrt(d_in))
    b1 = jnp.zeros((d_hidden,), dtype=jnp.float32)
    W2 = jax.random.normal(k2, (d_hidden, d_out), dtype=jnp.float32) * (1.0 / np.sqrt(d_hidden))
    b2 = jnp.zeros((d_out,), dtype=jnp.float32)
    return W1, b1, W2, b2


def setup_inputs(seed: int = 0) -> dict:
    key = jax.random.key(seed)
    ks = jax.random.split(key, 8)
    x = jax.random.normal(ks[0], (N_NODES, NODE_DIM), dtype=jnp.float32)
    edge_index = jax.random.randint(ks[1], (2, N_EDGES), 0, N_NODES, dtype=jnp.int64)
    edge_attr = jax.random.normal(ks[2], (N_EDGES, EDGE_DIM), dtype=jnp.float32)
    u = jax.random.normal(ks[3], (1, GLOBAL_DIM), dtype=jnp.float32)
    # EdgeBlock MLP: [edge_attr | recv_nodes | send_nodes | globals]
    We1, be1, We2, be2 = _mlp_params(ks[4], EDGE_DIM + NODE_DIM + NODE_DIM + GLOBAL_DIM, LATENT, LATENT)
    # NodeBlock MLP: [recv_edge_agg | sent_edge_agg | nodes | globals]
    Wn1, bn1, Wn2, bn2 = _mlp_params(ks[5], LATENT + LATENT + NODE_DIM + GLOBAL_DIM, LATENT, LATENT)
    # GlobalBlock MLP: [edge_agg | node_agg | globals]
    Wg1, bg1, Wg2, bg2 = _mlp_params(ks[6], LATENT + LATENT + GLOBAL_DIM, LATENT, LATENT)
    return {
        'x': x, 'edge_index': edge_index, 'edge_attr': edge_attr, 'u': u,
        'We1': We1, 'be1': be1, 'We2': We2, 'be2': be2,
        'Wn1': Wn1, 'bn1': bn1, 'Wn2': Wn2, 'bn2': bn2,
        'Wg1': Wg1, 'bg1': bg1, 'Wg2': Wg2, 'bg2': bg2,
    }


def _mlp(h, W1, b1, W2, b2):
    return jax.nn.relu(h @ W1 + b1) @ W2 + b2


def reference(x, edge_index, edge_attr, u,
              We1, be1, We2, be2,
              Wn1, bn1, Wn2, bn2,
              Wg1, bg1, Wg2, bg2):
    sender = edge_index[0]
    receiver = edge_index[1]
    E = edge_attr.shape[0]
    N = x.shape[0]
    # ---- EdgeBlock ----
    recv_nodes = jnp.take(x, receiver, axis=0)          # broadcast_receiver_nodes_to_edges
    send_nodes = jnp.take(x, sender, axis=0)            # broadcast_sender_nodes_to_edges
    glob_e = jnp.broadcast_to(u, (E, u.shape[1]))       # broadcast_globals_to_edges
    collected_edges = jnp.concatenate([edge_attr, recv_nodes, send_nodes, glob_e], axis=-1)
    updated_edges = _mlp(collected_edges, We1, be1, We2, be2)  # [E, 64]
    # ---- NodeBlock ----
    recv_agg = jax.ops.segment_sum(updated_edges, receiver, num_segments=N)  # ReceivedEdgesToNodesAggregator
    sent_agg = jax.ops.segment_sum(updated_edges, sender, num_segments=N)    # SentEdgesToNodesAggregator
    glob_n = jnp.broadcast_to(u, (N, u.shape[1]))                            # broadcast_globals_to_nodes
    collected_nodes = jnp.concatenate([recv_agg, sent_agg, x, glob_n], axis=-1)
    updated_nodes = _mlp(collected_nodes, Wn1, bn1, Wn2, bn2)  # [N, 64]
    # ---- GlobalBlock ----
    edge_agg = jnp.sum(updated_edges, axis=0)   # EdgesToGlobalsAggregator
    node_agg = jnp.sum(updated_nodes, axis=0)   # NodesToGlobalsAggregator
    collected_globals = jnp.concatenate([edge_agg, node_agg, u[0]], axis=-1)
    updated_globals = _mlp(collected_globals, Wg1, bg1, Wg2, bg2)  # [64]
    return (updated_edges, updated_nodes, updated_globals)

if __name__ == "__main__":
    import jax
    _d = setup_inputs()
    print(jax.jit(kernel)(*tuple(_d.values())))

</pallas_src>

<mosaic_0001>
#map = affine_map<(d0, d1) -> (0, 0)>
module attributes {stable_mosaic.version = 14 : i64} {
  func.func @_gather_body(%arg0: i32, %arg1: i32, %arg2: memref<50000x16xf32, #tpu.memory_space<hbm>>, %arg3: memref<12500x128xi32, #tpu.memory_space<hbm>>, %arg4: memref<12500x128xi32, #tpu.memory_space<hbm>>, %arg5: memref<1600000x16xf32, #tpu.memory_space<hbm>>, %arg6: memref<1600000x16xf32, #tpu.memory_space<hbm>>, %arg7: memref<20x128xi32, #tpu.memory_space<vmem>>, %arg8: memref<2560x16xf32, #tpu.memory_space<vmem>>, %arg9: memref<!tpu.dma_semaphore, #tpu.memory_space<semaphore_mem>>) attributes {dimension_semantics = [#tpu.dimension_semantics<core_parallel>, #tpu.dimension_semantics<subcore_parallel>], iteration_bounds = array<i64: 2, 16>, scalar_prefetch = 0 : i64, scratch_operands = 3 : i64, tpu.core_type = #tpu.core_type<sc_vector_subcore>, window_params = [{transform_indices = #map}, {transform_indices = #map}, {transform_indices = #map}, {transform_indices = #map}, {transform_indices = #map}]} {
    %mul3A = arith.constant 2 : i32
    %mul3A_0 = arith.muli %arg1, %mul3A : i32
    %add3A = arith.addi %mul3A_0, %arg0 : i32
    %scan3A = arith.constant 0 : i32
    %scan3A_1 = arith.constant 0 : i32
    %scan3A_2 = arith.constant 20 : i32
    %scan3A_3 = arith.addi %scan3A_1, %scan3A_2 : i32
    %scan3A_4 = arith.constant 1 : i32
    scf.for %scan3A_6 = %scan3A_1 to %scan3A_3 step %scan3A_4  : i32 {
      %mul3A_7 = arith.constant 32 : i32
      %mul3A_8 = arith.muli %mul3A_7, %scan3A_6 : i32
      %add3A_9 = arith.addi %add3A, %mul3A_8 : i32
      %lt3A = arith.constant 625 : i32
      %lt3A_10 = arith.cmpi slt, %add3A_9, %lt3A : i32
      %convert_element_type3A = arith.extui %lt3A_10 : i1 to i32
      %cond3A = arith.constant 0 : i32
      %cond3A_11 = arith.cmpi ne, %convert_element_type3A, %cond3A : i32
      scf.if %cond3A_11 {
        %mul3A_12 = arith.constant 20 : i32
        %mul3A_13 = arith.muli %add3A_9, %mul3A_12 : i32
        "tpu.region"() ({
          %run_scoped3A = tpu.sem_alloc : memref<!tpu.dma_semaphore, #tpu.memory_space<semaphore_mem>>
          %dma_start3A_818 = arith.constant 0 : i32
          %dma_start3A_819 = tpu.memref_slice %arg3[%mul3A_13, %dma_start3A_818] : memref<12500x128xi32, #tpu.memory_space<hbm>> -> memref<20x128xi32, #tpu.memory_space<hbm>>
          %dma_start3A_820 = arith.constant 0 : i32
          %dma_start3A_821 = tpu.memref_slice %arg3[%mul3A_13, %dma_start3A_820] : memref<12500x128xi32, #tpu.memory_space<hbm>> -> memref<20x128xi32, #tpu.memory_space<hbm>>
          tpu.enqueue_dma source(%dma_start3A_821 : memref<20x128xi32, #tpu.memory_space<hbm>>) target(%arg7 : memref<20x128xi32, #tpu.memory_space<vmem>>) target_semaphore(%run_scoped3A : memref<!tpu.dma_semaphore, #tpu.memory_space<semaphore_mem>>)
          %dma_wait3A_822 = arith.constant 0 : i32
          %dma_wait3A_823 = tpu.memref_slice %arg3[%mul3A_13, %dma_wait3A_822] : memref<12500x128xi32, #tpu.memory_space<hbm>> -> memref<20x128xi32, #tpu.memory_space<hbm>>
          %dma_wait3A_824 = arith.constant 0 : i32
          %dma_wait3A_825 = tpu.memref_slice %arg3[%mul3A_13, %dma_wait3A_824] : memref<12500x128xi32, #tpu.memory_space<hbm>> -> memref<20x128xi32, #tpu.memory_space<hbm>>
          tpu.wait_dma2 semaphore(%run_scoped3A : memref<!tpu.dma_semaphore, #tpu.memory_space<semaphore_mem>>) src(%dma_wait3A_825 : memref<20x128xi32, #tpu.memory_space<hbm>>) dst(%arg7 : memref<20x128xi32, #tpu.memory_space<vmem>>)
          tpu.yield
        }) : () -> ()
        %dma_start3A = arith.constant 0 : i32
        %dma_start3A_14 = arith.constant 0 : i32
        %dma_start3A_15 = arith.constant 0 : i32
        %dma_start3A_16 = tpu.memref_slice %arg8[%dma_start3A_14, %dma_start3A_15] : memref<2560x16xf32, #tpu.memory_space<vmem>> -> memref<128x16xf32, #tpu.memory_space<vmem>>
        %dma_start3A_17 = arith.constant 0 : i32
        %dma_start3A_18 = tpu.memref_slice %arg7[%dma_start3A, %dma_start3A_17] : memref<20x128xi32, #tpu.memory_space<vmem>> -> memref<1x128xi32, #tpu.memory_space<vmem>>
        %dma_start3A_19 = tpu.memref_squeeze %dma_start3A_18 : memref<1x128xi32, #tpu.memory_space<vmem>> -> memref<128xi32, #tpu.memory_space<vmem>>
        %dma_start3A_20 = arith.constant 0 : i32
        %dma_start3A_21 = arith.constant 0 : i32
        %dma_start3A_22 = tpu.memref_slice %arg2[%dma_start3A_20, %dma_start3A_21] : memref<50000x16xf32, #tpu.memory_space<hbm>> -> memref<50000x16xf32, #tpu.memory_space<hbm>>
        tpu.enqueue_indirect_dma source(%dma_start3A_22 : memref<50000x16xf32, #tpu.memory_space<hbm>>) target(%dma_start3A_16 : memref<128x16xf32, #tpu.memory_space<vmem>>) offsets(%dma_start3A_19 : memref<128xi32, #tpu.memory_space<vmem>>) semaphore(%arg9 : memref<!tpu.dma_semaphore, #tpu.memory_space<semaphore_mem>>)
        %dma_start3A_23 = arith.constant 1 : i32
        %dma_start3A_24 = arith.constant 128 : i32
        %dma_start3A_25 = arith.constant 0 : i32
        %dma_start3A_26 = tpu.memref_slice %arg8[%dma_start3A_24, %dma_start3A_25] : memref<2560x16xf32, #tpu.memory_space<vmem>> -> memref<128x16xf32, #tpu.memory_space<vmem>>
        %dma_start3A_27 = arith.constant 0 : i32
        %dma_start3A_28 = tpu.memref_slice %arg7[%dma_start3A_23, %dma_start3A_27] : memref<20x128xi32, #tpu.memory_space<vmem>> -> memref<1x128xi32, #tpu.memory_space<vmem>>
        %dma_start3A_29 = tpu.memref_squeeze %dma_start3A_28 : memref<1x128xi32, #tpu.memory_space<vmem>> -> memref<128xi32, #tpu.memory_space<vmem>>
        %dma_start3A_30 = arith.constant 0 : i32
        %dma_start3A_31 = arith.constant 0 : i32
        %dma_start3A_32 = tpu.memref_slice %arg2[%dma_start3A_30, %dma_start3A_31] : memref<50000x16xf32, #tpu.memory_space<hbm>> -> memref<50000x16xf32, #tpu.memory_space<hbm>>
        tpu.enqueue_indirect_dma source(%dma_start3A_32 : memref<50000x16xf32, #tpu.memory_space<hbm>>) target(%dma_start3A_26 : memref<128x16xf32, #tpu.memory_space<vmem>>) offsets(%dma_start3A_29 : memref<128xi32, #tpu.memory_space<vmem>>) semaphore(%arg9 : memref<!tpu.dma_semaphore, #tpu.memory_space<semaphore_mem>>)
        %dma_start3A_33 = arith.constant 2 : i32
        %dma_start3A_34 = arith.constant 256 : i32
        %dma_start3A_35 = arith.constant 0 : i32
        %dma_start3A_36 = tpu.memref_slice %arg8[%dma_start3A_34, %dma_start3A_35] : memref<2560x16xf32, #tpu.memory_space<vmem>> -> memref<128x16xf32, #tpu.memory_space<vmem>>
        %dma_start3A_37 = arith.constant 0 : i32
        %dma_start3A_38 = tpu.memref_slice %arg7[%dma_start3A_33, %dma_start3A_37] : memref<20x128xi32, #tpu.memory_space<vmem>> -> memref<1x128xi32, #tpu.memory_space<vmem>>
        %dma_start3A_39 = tpu.memref_squeeze %dma_start3A_38 : memref<1x128xi32, #tpu.memory_space<vmem>> -> memref<128xi32, #tpu.memory_space<vmem>>
        %dma_start3A_40 = arith.constant 0 : i32
        %dma_start3A_41 = arith.constant 0 : i32
        %dma_start3A_42 = tpu.memref_slice %arg2[%dma_start3A_40, %dma_start3A_41] : memref<50000x16xf32, #tpu.memory_space<hbm>> -> memref<50000x16xf32, #tpu.memory_space<hbm>>
        tpu.enqueue_indirect_dma source(%dma_start3A_42 : memref<50000x16xf32, #tpu.memory_space<hbm>>) target(%dma_start3A_36 : memref<128x16xf32, #tpu.memory_space<vmem>>) offsets(%dma_start3A_39 : memref<128xi32, #tpu.memory_space<vmem>>) semaphore(%arg9 : memref<!tpu.dma_semaphore, #tpu.memory_space<semaphore_mem>>)
        %dma_start3A_43 = arith.constant 3 : i32
        %dma_start3A_44 = arith.constant 384 : i32
        %dma_start3A_45 = arith.constant 0 : i32
        %dma_start3A_46 = tpu.memref_slice %arg8[%dma_start3A_44, %dma_start3A_45] : memref<2560x16xf32, #tpu.memory_space<vmem>> -> memref<128x16xf32, #tpu.memory_space<vmem>>
        %dma_start3A_47 = arith.constant 0 : i32
        %dma_start3A_48 = tpu.memref_slice %arg7[%dma_start3A_43, %dma_start3A_47] : memref<20x128xi32, #tpu.memory_space<vmem>> -> memref<1x128xi32, #tpu.memory_space<vmem>>
        %dma_start3A_49 = tpu.memref_squeeze %dma_start3A_48 : memref<1x128xi32, #tpu.memory_space<vmem>> -> memref<128xi32, #tpu.memory_space<vmem>>
        %dma_start3A_50 = arith.constant 0 : i32
        %dma_start3A_51 = arith.constant 0 : i32
        %dma_start3A_52 = tpu.memref_slice %arg2[%dma_start3A_50, %dma_start3A_51] : memref<50000x16xf32, #tpu.memory_space<hbm>> -> memref<50000x16xf32, #tpu.memory_space<hbm>>
        tpu.enqueue_indirect_dma source(%dma_start3A_52 : memref<50000x16xf32, #tpu.memory_space<hbm>>) target(%dma_start3A_46 : memref<128x16xf32, #tpu.memory_space<vmem>>) offsets(%dma_start3A_49 : memref<128xi32, #tpu.memory_space<vmem>>) semaphore(%arg9 : memref<!tpu.dma_semaphore, #tpu.memory_space<semaphore_mem>>)
        %dma_start3A_53 = arith.constant 4 : i32
        %dma_start3A_54 = arith.constant 512 : i32
        %dma_start3A_55 = arith.constant 0 : i32
        %dma_start3A_56 = tpu.memref_slice %arg8[%dma_start3A_54, %dma_start3A_55] : memref<2560x16xf32, #tpu.memory_space<vmem>> -> memref<128x16xf32, #tpu.memory_space<vmem>>
        %dma_start3A_57 = arith.constant 0 : i32
        %dma_start3A_58 = tpu.memref_slice %arg7[%dma_start3A_53, %dma_start3A_57] : memref<20x128xi32, #tpu.memory_space<vmem>> -> memref<1x128xi32, #tpu.memory_space<vmem>>
        %dma_start3A_59 = tpu.memref_squeeze %dma_start3A_58 : memref<1x128xi32, #tpu.memory_space<vmem>> -> memref<128xi32, #tpu.memory_space<vmem>>
        %dma_start3A_60 = arith.constant 0 : i32
        %dma_start3A_61 = arith.constant 0 : i32
        %dma_start3A_62 = tpu.memref_slice %arg2[%dma_start3A_60, %dma_start3A_61] : memref<50000x16xf32, #tpu.memory_space<hbm>> -> memref<50000x16xf32, #tpu.memory_space<hbm>>
        tpu.enqueue_indirect_dma source(%dma_start3A_62 : memref<50000x16xf32, #tpu.memory_space<hbm>>) target(%dma_start3A_56 : memref<128x16xf32, #tpu.memory_space<vmem>>) offsets(%dma_start3A_59 : memref<128xi32, #tpu.memory_space<vmem>>) semaphore(%arg9 : memref<!tpu.dma_semaphore, #tpu.memory_space<semaphore_mem>>)
        %dma_start3A_63 = arith.constant 5 : i32
        %dma_start3A_64 = arith.constant 640 : i32
        %dma_start3A_65 = arith.constant 0 : i32
        %dma_start3A_66 = tpu.memref_slice %arg8[%dma_start3A_64, %dma_start3A_65] : memref<2560x16xf32, #tpu.memory_space<vmem>> -> memref<128x16xf32, #tpu.memory_space<vmem>>
        %dma_start3A_67 = arith.constant 0 : i32
        %dma_start3A_68 = tpu.memref_slice %arg7[%dma_start3A_63, %dma_start3A_67] : memref<20x128xi32, #tpu.memory_space<vmem>> -> memref<1x128xi32, #tpu.memory_space<vmem>>
        %dma_start3A_69 = tpu.memref_squeeze %dma_start3A_68 : memref<1x128xi32, #tpu.memory_space<vmem>> -> memref<128xi32, #tpu.memory_space<vmem>>
        %dma_start3A_70 = arith.constant 0 : i32
        %dma_start3A_71 = arith.constant 0 : i32
        %dma_start3A_72 = tpu.memref_slice %arg2[%dma_start3A_70, %dma_start3A_71] : memref<50000x16xf32, #tpu.memory_space<hbm>> -> memref<50000x16xf32, #tpu.memory_space<hbm>>
        tpu.enqueue_indirect_dma source(%dma_start3A_72 : memref<50000x16xf32, #tpu.memory_space<hbm>>) target(%dma_start3A_66 : memref<128x16xf32, #tpu.memory_space<vmem>>) offsets(%dma_start3A_69 : memref<128xi32, #tpu.memory_space<vmem>>) semaphore(%arg9 : memref<!tpu.dma_semaphore, #tpu.memory_space<semaphore_mem>>)
        %dma_start3A_73 = arith.constant 6 : i32
        %dma_start3A_74 = arith.constant 768 : i32
        %dma_start3A_75 = arith.constant 0 : i32
        %dma_start3A_76 = tpu.memref_slice %arg8[%dma_start3A_74, %dma_start3A_75] : memref<2560x16xf32, #tpu.memory_space<vmem>> -> memref<128x16xf32, #tpu.memory_space<vmem>>
        %dma_start3A_77 = arith.constant 0 : i32
        %dma_start3A_78 = tpu.memref_slice %arg7[%dma_start3A_73, %dma_start3A_77] : memref<20x128xi32, #tpu.memory_space<vmem>> -> memref<1x128xi32, #tpu.memory_space<vmem>>
        %dma_start3A_79 = tpu.memref_squeeze %dma_start3A_78 : memref<1x128xi32, #tpu.memory_space<vmem>> -> memref<128xi32, #tpu.memory_space<vmem>>
        %dma_start3A_80 = arith.constant 0 : i32
        %dma_start3A_81 = arith.constant 0 : i32
        %dma_start3A_82 = tpu.memref_slice %arg2[%dma_start3A_80, %dma_start3A_81] : memref<50000x16xf32, #tpu.memory_space<hbm>> -> memref<50000x16xf32, #tpu.memory_space<hbm>>
        tpu.enqueue_indirect_dma source(%dma_start3A_82 : memref<50000x16xf32, #tpu.memory_space<hbm>>) target(%dma_start3A_76 : memref<128x16xf32, #tpu.memory_space<vmem>>) offsets(%dma_start3A_79 : memref<128xi32, #tpu.memory_space<vmem>>) semaphore(%arg9 : memref<!tpu.dma_semaphore, #tpu.memory_space<semaphore_mem>>)
        %dma_start3A_83 = arith.constant 7 : i32
        %dma_start3A_84 = arith.constant 896 : i32
        %dma_start3A_85 = arith.constant 0 : i32
        %dma_start3A_86 = tpu.memref_slice %arg8[%dma_start3A_84, %dma_start3A_85] : memref<2560x16xf32, #tpu.memory_space<vmem>> -> memref<128x16xf32, #tpu.memory_space<vmem>>
        %dma_start3A_87 = arith.constant 0 : i32
        %dma_start3A_88 = tpu.memref_slice %arg7[%dma_start3A_83, %dma_start3A_87] : memref<20x128xi32, #tpu.memory_space<vmem>> -> memref<1x128xi32, #tpu.memory_space<vmem>>
        %dma_start3A_89 = tpu.memref_squeeze %dma_start3A_88 : memref<1x128xi32, #tpu.memory_space<vmem>> -> memref<128xi32, #tpu.memory_space<vmem>>
        %dma_start3A_90 = arith.constant 0 : i32
        %dma_start3A_91 = arith.constant 0 : i32
        %dma_start3A_92 = tpu.memref_slice %arg2[%dma_start3A_90, %dma_start3A_91] : memref<50000x16xf32, #tpu.memory_space<hbm>> -> memref<50000x16xf32, #tpu.memory_space<hbm>>
        tpu.enqueue_indirect_dma source(%dma_start3A_92 : memref<50000x16xf32, #tpu.memory_space<hbm>>) target(%dma_start3A_86 : memref<128x16xf32, #tpu.memory_space<vmem>>) offsets(%dma_start3A_89 : memref<128xi32, #tpu.memory_space<vmem>>) semaphore(%arg9 : memref<!tpu.dma_semaphore, #tpu.memory_space<semaphore_mem>>)
        %dma_start3A_93 = arith.constant 8 : i32
        %dma_start3A_94 = arith.constant 1024 : i32
        %dma_start3A_95 = arith.constant 0 : i32
        %dma_start3A_96 = tpu.memref_slice %arg8[%dma_start3A_94, %dma_start3A_95] : memref<2560x16xf32, #tpu.memory_space<vmem>> -> memref<128x16xf32, #tpu.memory_space<vmem>>
        %dma_start3A_97 = arith.constant 0 : i32
        %dma_start3A_98 = tpu.memref_slice %arg7[%dma_start3A_93, %dma_start3A_97] : memref<20x128xi32, #tpu.memory_space<vmem>> -> memref<1x128xi32, #tpu.memory_space<vmem>>
        %dma_start3A_99 = tpu.memref_squeeze %dma_start3A_98 : memref<1x128xi32, #tpu.memory_space<vmem>> -> memref<128xi32, #tpu.memory_space<vmem>>
        %dma_start3A_100 = arith.constant 0 : i32
        %dma_start3A_101 = arith.constant 0 : i32
        %dma_start3A_102 = tpu.memref_slice %arg2[%dma_start3A_100, %dma_start3A_101] : memref<50000x16xf32, #tpu.memory_space<hbm>> -> memref<50000x16xf32, #tpu.memory_space<hbm>>
        tpu.enqueue_indirect_dma source(%dma_start3A_102 : memref<50000x16xf32, #tpu.memory_space<hbm>>) target(%dma_start3A_96 : memref<128x16xf32, #tpu.memory_space<vmem>>) offsets(%dma_start3A_99 : memref<128xi32, #tpu.memory_space<vmem>>) semaphore(%arg9 : memref<!tpu.dma_semaphore, #tpu.memory_space<semaphore_mem>>)
        %dma_start3A_103 = arith.constant 9 : i32
        %dma_start3A_104 = arith.constant 1152 : i32
        %dma_start3A_105 = arith.constant 0 : i32
        %dma_start3A_106 = tpu.memref_slice %arg8[%dma_start3A_104, %dma_start3A_105] : memref<2560x16xf32, #tpu.memory_space<vmem>> -> memref<128x16xf32, #tpu.memory_space<vmem>>
        %dma_start3A_107 = arith.constant 0 : i32
        %dma_start3A_108 = tpu.memref_slice %arg7[%dma_start3A_103, %dma_start3A_107] : memref<20x128xi32, #tpu.memory_space<vmem>> -> memref<1x128xi32, #tpu.memory_space<vmem>>
        %dma_start3A_109 = tpu.memref_squeeze %dma_start3A_108 : memref<1x128xi32, #tpu.memory_space<vmem>> -> memref<128xi32, #tpu.memory_space<vmem>>
        %dma_start3A_110 = arith.constant 0 : i32
        %dma_start3A_111 = arith.constant 0 : i32
        %dma_start3A_112 = tpu.memref_slice %arg2[%dma_start3A_110, %dma_start3A_111] : memref<50000x16xf32, #tpu.memory_space<hbm>> -> memref<50000x16xf32, #tpu.memory_space<hbm>>
        tpu.enqueue_indirect_dma source(%dma_start3A_112 : memref<50000x16xf32, #tpu.memory_space<hbm>>) target(%dma_start3A_106 : memref<128x16xf32, #tpu.memory_space<vmem>>) offsets(%dma_start3A_109 : memref<128xi32, #tpu.memory_space<vmem>>) semaphore(%arg9 : memref<!tpu.dma_semaphore, #tpu.memory_space<semaphore_mem>>)
        %dma_start3A_113 = arith.constant 10 : i32
        %dma_start3A_114 = arith.constant 1280 : i32
        %dma_start3A_115 = arith.constant 0 : i32
        %dma_start3A_116 = tpu.memref_slice %arg8[%dma_start3A_114, %dma_start3A_115] : memref<2560x16xf32, #tpu.memory_space<vmem>> -> memref<128x16xf32, #tpu.memory_space<vmem>>
        %dma_start3A_117 = arith.constant 0 : i32
        %dma_start3A_118 = tpu.memref_slice %arg7[%dma_start3A_113, %dma_start3A_117] : memref<20x128xi32, #tpu.memory_space<vmem>> -> memref<1x128xi32, #tpu.memory_space<vmem>>
        %dma_start3A_119 = tpu.memref_squeeze %dma_start3A_118 : memref<1x128xi32, #tpu.memory_space<vmem>> -> memref<128xi32, #tpu.memory_space<vmem>>
        %dma_start3A_120 = arith.constant 0 : i32
        %dma_start3A_121 = arith.constant 0 : i32
        %dma_start3A_122 = tpu.memref_slice %arg2[%dma_start3A_120, %dma_start3A_121] : memref<50000x16xf32, #tpu.memory_space<hbm>> -> memref<50000x16xf32, #tpu.memory_space<hbm>>
        tpu.enqueue_indirect_dma source(%dma_start3A_122 : memref<50000x16xf32, #tpu.memory_space<hbm>>) target(%dma_start3A_116 : memref<128x16xf32, #tpu.memory_space<vmem>>) offsets(%dma_start3A_119 : memref<128xi32, #tpu.memory_space<vmem>>) semaphore(%arg9 : memref<!tpu.dma_semaphore, #tpu.memory_space<semaphore_mem>>)
        %dma_start3A_123 = arith.constant 11 : i32
        %dma_start3A_124 = arith.constant 1408 : i32
        %dma_start3A_125 = arith.constant 0 : i32
        %dma_start3A_126 = tpu.memref_slice %arg8[%dma_start3A_124, %dma_start3A_125] : memref<2560x16xf32, #tpu.memory_space<vmem>> -> memref<128x16xf32, #tpu.memory_space<vmem>>
        %dma_start3A_127 = arith.constant 0 : i32
        %dma_start3A_128 = tpu.memref_slice %arg7[%dma_start3A_123, %dma_start3A_127] : memref<20x128xi32, #tpu.memory_space<vmem>> -> memref<1x128xi32, #tpu.memory_space<vmem>>
        %dma_start3A_129 = tpu.memref_squeeze %dma_start3A_128 : memref<1x128xi32, #tpu.memory_space<vmem>> -> memref<128xi32, #tpu.memory_space<vmem>>
        %dma_start3A_130 = arith.constant 0 : i32
        %dma_start3A_131 = arith.constant 0 : i32
        %dma_start3A_132 = tpu.memref_slice %arg2[%dma_start3A_130, %dma_start3A_131] : memref<50000x16xf32, #tpu.memory_space<hbm>> -> memref<50000x16xf32, #tpu.memory_space<hbm>>
        tpu.enqueue_indirect_dma source(%dma_start3A_132 : memref<50000x16xf32, #tpu.memory_space<hbm>>) target(%dma_start3A_126 : memref<128x16xf32, #tpu.memory_space<vmem>>) offsets(%dma_start3A_129 : memref<128xi32, #tpu.memory_space<vmem>>) semaphore(%arg9 : memref<!tpu.dma_semaphore, #tpu.memory_space<semaphore_mem>>)
        %dma_start3A_133 = arith.constant 12 : i32
        %dma_start3A_134 = arith.constant 1536 : i32
        %dma_start3A_135 = arith.constant 0 : i32
        %dma_start3A_136 = tpu.memref_slice %arg8[%dma_start3A_134, %dma_start3A_135] : memref<2560x16xf32, #tpu.memory_space<vmem>> -> memref<128x16xf32, #tpu.memory_space<vmem>>
        %dma_start3A_137 = arith.constant 0 : i32
        %dma_start3A_138 = tpu.memref_slice %arg7[%dma_start3A_133, %dma_start3A_137] : memref<20x128xi32, #tpu.memory_space<vmem>> -> memref<1x128xi32, #tpu.memory_space<vmem>>
        %dma_start3A_139 = tpu.memref_squeeze %dma_start3A_138 : memref<1x128xi32, #tpu.memory_space<vmem>> -> memref<128xi32, #tpu.memory_space<vmem>>
        %dma_start3A_140 = arith.constant 0 : i32
        %dma_start3A_141 = arith.constant 0 : i32
        %dma_start3A_142 = tpu.memref_slice %arg2[%dma_start3A_140, %dma_start3A_141] : memref<50000x16xf32, #tpu.memory_space<hbm>> -> memref<50000x16xf32, #tpu.memory_space<hbm>>
        tpu.enqueue_indirect_dma source(%dma_start3A_142 : memref<50000x16xf32, #tpu.memory_space<hbm>>) target(%dma_start3A_136 : memref<128x16xf32, #tpu.memory_space<vmem>>) offsets(%dma_start3A_139 : memref<128xi32, #tpu.memory_space<vmem>>) semaphore(%arg9 : memref<!tpu.dma_semaphore, #tpu.memory_space<semaphore_mem>>)
        %dma_start3A_143 = arith.constant 13 : i32
        %dma_start3A_144 = arith.constant 1664 : i32
        %dma_start3A_145 = arith.constant 0 : i32
        %dma_start3A_146 = tpu.memref_slice %arg8[%dma_start3A_144, %dma_start3A_145] : memref<2560x16xf32, #tpu.memory_space<vmem>> -> memref<128x16xf32, #tpu.memory_space<vmem>>
        %dma_start3A_147 = arith.constant 0 : i32
        %dma_start3A_148 = tpu.memref_slice %arg7[%dma_start3A_143, %dma_start3A_147] : memref<20x128xi32, #tpu.memory_space<vmem>> -> memref<1x128xi32, #tpu.memory_space<vmem>>
        %dma_start3A_149 = tpu.memref_squeeze %dma_start3A_148 : memref<1x128xi32, #tpu.memory_space<vmem>> -> memref<128xi32, #tpu.memory_space<vmem>>
        %dma_start3A_150 = arith.constant 0 : i32
        %dma_start3A_151 = arith.constant 0 : i32
        %dma_start3A_152 = tpu.memref_slice %arg2[%dma_start3A_150, %dma_start3A_151] : memref<50000x16xf32, #tpu.memory_space<hbm>> -> memref<50000x16xf32, #tpu.memory_space<hbm>>
        tpu.enqueue_indirect_dma source(%dma_start3A_152 : memref<50000x16xf32, #tpu.memory_space<hbm>>) target(%dma_start3A_146 : memref<128x16xf32, #tpu.memory_space<vmem>>) offsets(%dma_start3A_149 : memref<128xi32, #tpu.memory_space<vmem>>) semaphore(%arg9 : memref<!tpu.dma_semaphore, #tpu.memory_space<semaphore_mem>>)
        %dma_start3A_153 = arith.constant 14 : i32
        %dma_start3A_154 = arith.constant 1792 : i32
        %dma_start3A_155 = arith.constant 0 : i32
        %dma_start3A_156 = tpu.memref_slice %arg8[%dma_start3A_154, %dma_start3A_155] : memref<2560x16xf32, #tpu.memory_space<vmem>> -> memref<128x16xf32, #tpu.memory_space<vmem>>
        %dma_start3A_157 = arith.constant 0 : i32
        %dma_start3A_158 = tpu.memref_slice %arg7[%dma_start3A_153, %dma_start3A_157] : memref<20x128xi32, #tpu.memory_space<vmem>> -> memref<1x128xi32, #tpu.memory_space<vmem>>
        %dma_start3A_159 = tpu.memref_squeeze %dma_start3A_158 : memref<1x128xi32, #tpu.memory_space<vmem>> -> memref<128xi32, #tpu.memory_space<vmem>>
        %dma_start3A_160 = arith.constant 0 : i32
        %dma_start3A_161 = arith.constant 0 : i32
        %dma_start3A_162 = tpu.memref_slice %arg2[%dma_start3A_160, %dma_start3A_161] : memref<50000x16xf32, #tpu.memory_space<hbm>> -> memref<50000x16xf32, #tpu.memory_space<hbm>>
        tpu.enqueue_indirect_dma source(%dma_start3A_162 : memref<50000x16xf32, #tpu.memory_space<hbm>>) target(%dma_start3A_156 : memref<128x16xf32, #tpu.memory_space<vmem>>) offsets(%dma_start3A_159 : memref<128xi32, #tpu.memory_space<vmem>>) semaphore(%arg9 : memref<!tpu.dma_semaphore, #tpu.memory_space<semaphore_mem>>)
        %dma_start3A_163 = arith.constant 15 : i32
        %dma_start3A_164 = arith.constant 1920 : i32
        %dma_start3A_165 = arith.constant 0 : i32
        %dma_start3A_166 = tpu.memref_slice %arg8[%dma_start3A_164, %dma_start3A_165] : memref<2560x16xf32, #tpu.memory_space<vmem>> -> memref<128x16xf32, #tpu.memory_space<vmem>>
        %dma_start3A_167 = arith.constant 0 : i32
        %dma_start3A_168 = tpu.memref_slice %arg7[%dma_start3A_163, %dma_start3A_167] : memref<20x128xi32, #tpu.memory_space<vmem>> -> memref<1x128xi32, #tpu.memory_space<vmem>>
        %dma_start3A_169 = tpu.memref_squeeze %dma_start3A_168 : memref<1x128xi32, #tpu.memory_space<vmem>> -> memref<128xi32, #tpu.memory_space<vmem>>
        %dma_start3A_170 = arith.constant 0 : i32
        %dma_start3A_171 = arith.constant 0 : i32
        %dma_start3A_172 = tpu.memref_slice %arg2[%dma_start3A_170, %dma_start3A_171] : memref<50000x16xf32, #tpu.memory_space<hbm>> -> memref<50000x16xf32, #tpu.memory_space<hbm>>
        tpu.enqueue_indirect_dma source(%dma_start3A_172 : memref<50000x16xf32, #tpu.memory_space<hbm>>) target(%dma_start3A_166 : memref<128x16xf32, #tpu.memory_space<vmem>>) offsets(%dma_start3A_169 : memref<128xi32, #tpu.memory_space<vmem>>) semaphore(%arg9 : memref<!tpu.dma_semaphore, #tpu.memory_space<semaphore_mem>>)
        %dma_start3A_173 = arith.constant 16 : i32
        %dma_start3A_174 = arith.constant 2048 : i32
        %dma_start3A_175 = arith.constant 0 : i32
        %dma_start3A_176 = tpu.memref_slice %arg8[%dma_start3A_174, %dma_start3A_175] : memref<2560x16xf32, #tpu.memory_space<vmem>> -> memref<128x16xf32, #tpu.memory_space<vmem>>
        %dma_start3A_177 = arith.constant 0 : i32
        %dma_start3A_178 = tpu.memref_slice %arg7[%dma_start3A_173, %dma_start3A_177] : memref<20x128xi32, #tpu.memory_space<vmem>> -> memref<1x128xi32, #tpu.memory_space<vmem>>
        %dma_start3A_179 = tpu.memref_squeeze %dma_start3A_178 : memref<1x128xi32, #tpu.memory_space<vmem>> -> memref<128xi32, #tpu.memory_space<vmem>>
        %dma_start3A_180 = arith.constant 0 : i32
        %dma_start3A_181 = arith.constant 0 : i32
        %dma_start3A_182 = tpu.memref_slice %arg2[%dma_start3A_180, %dma_start3A_181] : memref<50000x16xf32, #tpu.memory_space<hbm>> -> memref<50000x16xf32, #tpu.memory_space<hbm>>
        tpu.enqueue_indirect_dma source(%dma_start3A_182 : memref<50000x16xf32, #tpu.memory_space<hbm>>) target(%dma_start3A_176 : memref<128x16xf32, #tpu.memory_space<vmem>>) offsets(%dma_start3A_179 : memref<128xi32, #tpu.memory_space<vmem>>) semaphore(%arg9 : memref<!tpu.dma_semaphore, #tpu.memory_space<semaphore_mem>>)
        %dma_start3A_183 = arith.constant 17 : i32
        %dma_start3A_184 = arith.constant 2176 : i32
        %dma_start3A_185 = arith.constant 0 : i32
        %dma_start3A_186 = tpu.memref_slice %arg8[%dma_start3A_184, %dma_start3A_185] : memref<2560x16xf32, #tpu.memory_space<vmem>> -> memref<128x16xf32, #tpu.memory_space<vmem>>
        %dma_start3A_187 = arith.constant 0 : i32
        %dma_start3A_188 = tpu.memref_slice %arg7[%dma_start3A_183, %dma_start3A_187] : memref<20x128xi32, #tpu.memory_space<vmem>> -> memref<1x128xi32, #tpu.memory_space<vmem>>
        %dma_start3A_189 = tpu.memref_squeeze %dma_start3A_188 : memref<1x128xi32, #tpu.memory_space<vmem>> -> memref<128xi32, #tpu.memory_space<vmem>>
        %dma_start3A_190 = arith.constant 0 : i32
        %dma_start3A_191 = arith.constant 0 : i32
        %dma_start3A_192 = tpu.memref_slice %arg2[%dma_start3A_190, %dma_start3A_191] : memref<50000x16xf32, #tpu.memory_space<hbm>> -> memref<50000x16xf32, #tpu.memory_space<hbm>>
        tpu.enqueue_indirect_dma source(%dma_start3A_192 : memref<50000x16xf32, #tpu.memory_space<hbm>>) target(%dma_start3A_186 : memref<128x16xf32, #tpu.memory_space<vmem>>) offsets(%dma_start3A_189 : memref<128xi32, #tpu.memory_space<vmem>>) semaphore(%arg9 : memref<!tpu.dma_semaphore, #tpu.memory_space<semaphore_mem>>)
        %dma_start3A_193 = arith.constant 18 : i32
        %dma_start3A_194 = arith.constant 2304 : i32
        %dma_start3A_195 = arith.constant 0 : i32
        %dma_start3A_196 = tpu.memref_slice %arg8[%dma_start3A_194, %dma_start3A_195] : memref<2560x16xf32, #tpu.memory_space<vmem>> -> memref<128x16xf32, #tpu.memory_space<vmem>>
        %dma_start3A_197 = arith.constant 0 : i32
        %dma_start3A_198 = tpu.memref_slice %arg7[%dma_start3A_193, %dma_start3A_197] : memref<20x128xi32, #tpu.memory_space<vmem>> -> memref<1x128xi32, #tpu.memory_space<vmem>>
        %dma_start3A_199 = tpu.memref_squeeze %dma_start3A_198 : memref<1x128xi32, #tpu.memory_space<vmem>> -> memref<128xi32, #tpu.memory_space<vmem>>
        %dma_start3A_200 = arith.constant 0 : i32
        %dma_start3A_201 = arith.constant 0 : i32
        %dma_start3A_202 = tpu.memref_slice %arg2[%dma_start3A_200, %dma_start3A_201] : memref<50000x16xf32, #tpu.memory_space<hbm>> -> memref<50000x16xf32, #tpu.memory_space<hbm>>
        tpu.enqueue_indirect_dma source(%dma_start3A_202 : memref<50000x16xf32, #tpu.memory_space<hbm>>) target(%dma_start3A_196 : memref<128x16xf32, #tpu.memory_space<vmem>>) offsets(%dma_start3A_199 : memref<128xi32, #tpu.memory_space<vmem>>) semaphore(%arg9 : memref<!tpu.dma_semaphore, #tpu.memory_space<semaphore_mem>>)
        %dma_start3A_203 = arith.constant 19 : i32
        %dma_start3A_204 = arith.constant 2432 : i32
        %dma_start3A_205 = arith.constant 0 : i32
        %dma_start3A_206 = tpu.memref_slice %arg8[%dma_start3A_204, %dma_start3A_205] : memref<2560x16xf32, #tpu.memory_space<vmem>> -> memref<128x16xf32, #tpu.memory_space<vmem>>
        %dma_start3A_207 = arith.constant 0 : i32
        %dma_start3A_208 = tpu.memref_slice %arg7[%dma_start3A_203, %dma_start3A_207] : memref<20x128xi32, #tpu.memory_space<vmem>> -> memref<1x128xi32, #tpu.memory_space<vmem>>
        %dma_start3A_209 = tpu.memref_squeeze %dma_start3A_208 : memref<1x128xi32, #tpu.memory_space<vmem>> -> memref<128xi32, #tpu.memory_space<vmem>>
        %dma_start3A_210 = arith.constant 0 : i32
        %dma_start3A_211 = arith.constant 0 : i32
        %dma_start3A_212 = tpu.memref_slice %arg2[%dma_start3A_210, %dma_start3A_211] : memref<50000x16xf32, #tpu.memory_space<hbm>> -> memref<50000x16xf32, #tpu.memory_space<hbm>>
        tpu.enqueue_indirect_dma source(%dma_start3A_212 : memref<50000x16xf32, #tpu.memory_space<hbm>>) target(%dma_start3A_206 : memref<128x16xf32, #tpu.memory_space<vmem>>) offsets(%dma_start3A_209 : memref<128xi32, #tpu.memory_space<vmem>>) semaphore(%arg9 : memref<!tpu.dma_semaphore, #tpu.memory_space<semaphore_mem>>)
        %dma_wait3A = arith.constant 0 : i32
        %dma_wait3A_213 = arith.constant 0 : i32
        %dma_wait3A_214 = arith.constant 0 : i32
        %dma_wait3A_215 = tpu.memref_slice %arg8[%dma_wait3A_213, %dma_wait3A_214] : memref<2560x16xf32, #tpu.memory_space<vmem>> -> memref<128x16xf32, #tpu.memory_space<vmem>>
        %dma_wait3A_216 = arith.constant 0 : i32
        %dma_wait3A_217 = tpu.memref_slice %arg7[%dma_wait3A, %dma_wait3A_216] : memref<20x128xi32, #tpu.memory_space<vmem>> -> memref<1x128xi32, #tpu.memory_space<vmem>>
        %dma_wait3A_218 = tpu.memref_squeeze %dma_wait3A_217 : memref<1x128xi32, #tpu.memory_space<vmem>> -> memref<128xi32, #tpu.memory_space<vmem>>
        %dma_wait3A_219 = arith.constant 0 : i32
        %dma_wait3A_220 = arith.constant 0 : i32
        %dma_wait3A_221 = tpu.memref_slice %arg2[%dma_wait3A_219, %dma_wait3A_220] : memref<50000x16xf32, #tpu.memory_space<hbm>> -> memref<50000x16xf32, #tpu.memory_space<hbm>>
        tpu.wait_indirect_dma semaphore(%arg9 : memref<!tpu.dma_semaphore, #tpu.memory_space<semaphore_mem>>) src(%dma_wait3A_221 : memref<50000x16xf32, #tpu.memory_space<hbm>>) dst(%dma_wait3A_215 : memref<128x16xf32, #tpu.memory_space<vmem>>)
        %dma_wait3A_222 = arith.constant 1 : i32
        %dma_wait3A_223 = arith.constant 128 : i32
        %dma_wait3A_224 = arith.constant 0 : i32
        %dma_wait3A_225 = tpu.memref_slice %arg8[%dma_wait3A_223, %dma_wait3A_224] : memref<2560x16xf32, #tpu.memory_space<vmem>> -> memref<128x16xf32, #tpu.memory_space<vmem>>
        %dma_wait3A_226 = arith.constant 0 : i32
        %dma_wait3A_227 = tpu.memref_slice %arg7[%dma_wait3A_222, %dma_wait3A_226] : memref<20x128xi32, #tpu.memory_space<vmem>> -> memref<1x128xi32, #tpu.memory_space<vmem>>
        %dma_wait3A_228 = tpu.memref_squeeze %dma_wait3A_227 : memref<1x128xi32, #tpu.memory_space<vmem>> -> memref<128xi32, #tpu.memory_space<vmem>>
        %dma_wait3A_229 = arith.constant 0 : i32
        %dma_wait3A_230 = arith.constant 0 : i32
        %dma_wait3A_231 = tpu.memref_slice %arg2[%dma_wait3A_229, %dma_wait3A_230] : memref<50000x16xf32, #tpu.memory_space<hbm>> -> memref<50000x16xf32, #tpu.memory_space<hbm>>
        tpu.wait_indirect_dma semaphore(%arg9 : memref<!tpu.dma_semaphore, #tpu.memory_space<semaphore_mem>>) src(%dma_wait3A_231 : memref<50000x16xf32, #tpu.memory_space<hbm>>) dst(%dma_wait3A_225 : memref<128x16xf32, #tpu.memory_space<vmem>>)
        %dma_wait3A_232 = arith.constant 2 : i32
        %dma_wait3A_233 = arith.constant 256 : i32
        %dma_wait3A_234 = arith.constant 0 : i32
        %dma_wait3A_235 = tpu.memref_slice %arg8[%dma_wait3A_233, %dma_wait3A_234] : memref<2560x16xf32, #tpu.memory_space<vmem>> -> memref<128x16xf32, #tpu.memory_space<vmem>>
        %dma_wait3A_236 = arith.constant 0 : i32
        %dma_wait3A_237 = tpu.memref_slice %arg7[%dma_wait3A_232, %dma_wait3A_236] : memref<20x128xi32, #tpu.memory_space<vmem>> -> memref<1x128xi32, #tpu.memory_space<vmem>>
        %dma_wait3A_238 = tpu.memref_squeeze %dma_wait3A_237 : memref<1x128xi32, #tpu.memory_space<vmem>> -> memref<128xi32, #tpu.memory_space<vmem>>
        %dma_wait3A_239 = arith.constant 0 : i32
        %dma_wait3A_240 = arith.constant 0 : i32
        %dma_wait3A_241 = tpu.memref_slice %arg2[%dma_wait3A_239, %dma_wait3A_240] : memref<50000x16xf32, #tpu.memory_space<hbm>> -> memref<50000x16xf32, #tpu.memory_space<hbm>>
        tpu.wait_indirect_dma semaphore(%arg9 : memref<!tpu.dma_semaphore, #tpu.memory_space<semaphore_mem>>) src(%dma_wait3A_241 : memref<50000x16xf32, #tpu.memory_space<hbm>>) dst(%dma_wait3A_235 : memref<128x16xf32, #tpu.memory_space<vmem>>)
        %dma_wait3A_242 = arith.constant 3 : i32
        %dma_wait3A_243 = arith.constant 384 : i32
        %dma_wait3A_244 = arith.constant 0 : i32
        %dma_wait3A_245 = tpu.memref_slice %arg8[%dma_wait3A_243, %dma_wait3A_244] : memref<2560x16xf32, #tpu.memory_space<vmem>> -> memref<128x16xf32, #tpu.memory_space<vmem>>
        %dma_wait3A_246 = arith.constant 0 : i32
        %dma_wait3A_247 = tpu.memref_slice %arg7[%dma_wait3A_242, %dma_wait3A_246] : memref<20x128xi32, #tpu.memory_space<vmem>> -> memref<1x128xi32, #tpu.memory_space<vmem>>
        %dma_wait3A_248 = tpu.memref_squeeze %dma_wait3A_247 : memref<1x128xi32, #tpu.memory_space<vmem>> -> memref<128xi32, #tpu.memory_space<vmem>>
        %dma_wait3A_249 = arith.constant 0 : i32
        %dma_wait3A_250 = arith.constant 0 : i32
        %dma_wait3A_251 = tpu.memref_slice %arg2[%dma_wait3A_249, %dma_wait3A_250] : memref<50000x16xf32, #tpu.memory_space<hbm>> -> memref<50000x16xf32, #tpu.memory_space<hbm>>
        tpu.wait_indirect_dma semaphore(%arg9 : memref<!tpu.dma_semaphore, #tpu.memory_space<semaphore_mem>>) src(%dma_wait3A_251 : memref<50000x16xf32, #tpu.memory_space<hbm>>) dst(%dma_wait3A_245 : memref<128x16xf32, #tpu.memory_space<vmem>>)
        %dma_wait3A_252 = arith.constant 4 : i32
        %dma_wait3A_253 = arith.constant 512 : i32
        %dma_wait3A_254 = arith.constant 0 : i32
        %dma_wait3A_255 = tpu.memref_slice %arg8[%dma_wait3A_253, %dma_wait3A_254] : memref<2560x16xf32, #tpu.memory_space<vmem>> -> memref<128x16xf32, #tpu.memory_space<vmem>>
        %dma_wait3A_256 = arith.constant 0 : i32
        %dma_wait3A_257 = tpu.memref_slice %arg7[%dma_wait3A_252, %dma_wait3A_256] : memref<20x128xi32, #tpu.memory_space<vmem>> -> memref<1x128xi32, #tpu.memory_space<vmem>>
        %dma_wait3A_258 = tpu.memref_squeeze %dma_wait3A_257 : memref<1x128xi32, #tpu.memory_space<vmem>> -> memref<128xi32, #tpu.memory_space<vmem>>
        %dma_wait3A_259 = arith.constant 0 : i32
        %dma_wait3A_260 = arith.constant 0 : i32
        %dma_wait3A_261 = tpu.memref_slice %arg2[%dma_wait3A_259, %dma_wait3A_260] : memref<50000x16xf32, #tpu.memory_space<hbm>> -> memref<50000x16xf32, #tpu.memory_space<hbm>>
        tpu.wait_indirect_dma semaphore(%arg9 : memref<!tpu.dma_semaphore, #tpu.memory_space<semaphore_mem>>) src(%dma_wait3A_261 : memref<50000x16xf32, #tpu.memory_space<hbm>>) dst(%dma_wait3A_255 : memref<128x16xf32, #tpu.memory_space<vmem>>)
        %dma_wait3A_262 = arith.constant 5 : i32
        %dma_wait3A_263 = arith.constant 640 : i32
        %dma_wait3A_264 = arith.constant 0 : i32
        %dma_wait3A_265 = tpu.memref_slice %arg8[%dma_wait3A_263, %dma_wait3A_264] : memref<2560x16xf32, #tpu.memory_space<vmem>> -> memref<128x16xf32, #tpu.memory_space<vmem>>
        %dma_wait3A_266 = arith.constant 0 : i32
        %dma_wait3A_267 = tpu.memref_slice %arg7[%dma_wait3A_262, %dma_wait3A_266] : memref<20x128xi32, #tpu.memory_space<vmem>> -> memref<1x128xi32, #tpu.memory_space<vmem>>
        %dma_wait3A_268 = tpu.memref_squeeze %dma_wait3A_267 : memref<1x128xi32, #tpu.memory_space<vmem>> -> memref<128xi32, #tpu.memory_space<vmem>>
        %dma_wait3A_269 = arith.constant 0 : i32
        %dma_wait3A_270 = arith.constant 0 : i32
        %dma_wait3A_271 = tpu.memref_slice %arg2[%dma_wait3A_269, %dma_wait3A_270] : memref<50000x16xf32, #tpu.memory_space<hbm>> -> memref<50000x16xf32, #tpu.memory_space<hbm>>
        tpu.wait_indirect_dma semaphore(%arg9 : memref<!tpu.dma_semaphore, #tpu.memory_space<semaphore_mem>>) src(%dma_wait3A_271 : memref<50000x16xf32, #tpu.memory_space<hbm>>) dst(%dma_wait3A_265 : memref<128x16xf32, #tpu.memory_space<vmem>>)
        %dma_wait3A_272 = arith.constant 6 : i32
        %dma_wait3A_273 = arith.constant 768 : i32
        %dma_wait3A_274 = arith.constant 0 : i32
        %dma_wait3A_275 = tpu.memref_slice %arg8[%dma_wait3A_273, %dma_wait3A_274] : memref<2560x16xf32, #tpu.memory_space<vmem>> -> memref<128x16xf32, #tpu.memory_space<vmem>>
        %dma_wait3A_276 = arith.constant 0 : i32
        %dma_wait3A_277 = tpu.memref_slice %arg7[%dma_wait3A_272, %dma_wait3A_276] : memref<20x128xi32, #tpu.memory_space<vmem>> -> memref<1x128xi32, #tpu.memory_space<vmem>>
        %dma_wait3A_278 = tpu.memref_squeeze %dma_wait3A_277 : memref<1x128xi32, #tpu.memory_space<vmem>> -> memref<128xi32, #tpu.memory_space<vmem>>
        %dma_wait3A_279 = arith.constant 0 : i32
        %dma_wait3A_280 = arith.constant 0 : i32
        %dma_wait3A_281 = tpu.memref_slice %arg2[%dma_wait3A_279, %dma_wait3A_280] : memref<50000x16xf32, #tpu.memory_space<hbm>> -> memref<50000x16xf32, #tpu.memory_space<hbm>>
        tpu.wait_indirect_dma semaphore(%arg9 : memref<!tpu.dma_semaphore, #tpu.memory_space<semaphore_mem>>) src(%dma_wait3A_281 : memref<50000x16xf32, #tpu.memory_space<hbm>>) dst(%dma_wait3A_275 : memref<128x16xf32, #tpu.memory_space<vmem>>)
        %dma_wait3A_282 = arith.constant 7 : i32
        %dma_wait3A_283 = arith.constant 896 : i32
        %dma_wait3A_284 = arith.constant 0 : i32
        %dma_wait3A_285 = tpu.memref_slice %arg8[%dma_wait3A_283, %dma_wait3A_284] : memref<2560x16xf32, #tpu.memory_space<vmem>> -> memref<128x16xf32, #tpu.memory_space<vmem>>
        %dma_wait3A_286 = arith.constant 0 : i32
        %dma_wait3A_287 = tpu.memref_slice %arg7[%dma_wait3A_282, %dma_wait3A_286] : memref<20x128xi32, #tpu.memory_space<vmem>> -> memref<1x128xi32, #tpu.memory_space<vmem>>
        %dma_wait3A_288 = tpu.memref_squeeze %dma_wait3A_287 : memref<1x128xi32, #tpu.memory_space<vmem>> -> memref<128xi32, #tpu.memory_space<vmem>>
        %dma_wait3A_289 = arith.constant 0 : i32
        %dma_wait3A_290 = arith.constant 0 : i32
        %dma_wait3A_291 = tpu.memref_slice %arg2[%dma_wait3A_289, %dma_wait3A_290] : memref<50000x16xf32, #tpu.memory_space<hbm>> -> memref<50000x16xf32, #tpu.memory_space<hbm>>
        tpu.wait_indirect_dma semaphore(%arg9 : memref<!tpu.dma_semaphore, #tpu.memory_space<semaphore_mem>>) src(%dma_wait3A_291 : memref<50000x16xf32, #tpu.memory_space<hbm>>) dst(%dma_wait3A_285 : memref<128x16xf32, #tpu.memory_space<vmem>>)
        %dma_wait3A_292 = arith.constant 8 : i32
        %dma_wait3A_293 = arith.constant 1024 : i32
        %dma_wait3A_294 = arith.constant 0 : i32
        %dma_wait3A_295 = tpu.memref_slice %arg8[%dma_wait3A_293, %dma_wait3A_294] : memref<2560x16xf32, #tpu.memory_space<vmem>> -> memref<128x16xf32, #tpu.memory_space<vmem>>
        %dma_wait3A_296 = arith.constant 0 : i32
        %dma_wait3A_297 = tpu.memref_slice %arg7[%dma_wait3A_292, %dma_wait3A_296] : memref<20x128xi32, #tpu.memory_space<vmem>> -> memref<1x128xi32, #tpu.memory_space<vmem>>
        %dma_wait3A_298 = tpu.memref_squeeze %dma_wait3A_297 : memref<1x128xi32, #tpu.memory_space<vmem>> -> memref<128xi32, #tpu.memory_space<vmem>>
        %dma_wait3A_299 = arith.constant 0 : i32
        %dma_wait3A_300 = arith.constant 0 : i32
        %dma_wait3A_301 = tpu.memref_slice %arg2[%dma_wait3A_299, %dma_wait3A_300] : memref<50000x16xf32, #tpu.memory_space<hbm>> -> memref<50000x16xf32, #tpu.memory_space<hbm>>
        tpu.wait_indirect_dma semaphore(%arg9 : memref<!tpu.dma_semaphore, #tpu.memory_space<semaphore_mem>>) src(%dma_wait3A_301 : memref<50000x16xf32, #tpu.memory_space<hbm>>) dst(%dma_wait3A_295 : memref<128x16xf32, #tpu.memory_space<vmem>>)
        %dma_wait3A_302 = arith.constant 9 : i32
        %dma_wait3A_303 = arith.constant 1152 : i32
        %dma_wait3A_304 = arith.constant 0 : i32
        %dma_wait3A_305 = tpu.memref_slice %arg8[%dma_wait3A_303, %dma_wait3A_304] : memref<2560x16xf32, #tpu.memory_space<vmem>> -> memref<128x16xf32, #tpu.memory_space<vmem>>
        %dma_wait3A_306 = arith.constant 0 : i32
        %dma_wait3A_307 = tpu.memref_slice %arg7[%dma_wait3A_302, %dma_wait3A_306] : memref<20x128xi32, #tpu.memory_space<vmem>> -> memref<1x128xi32, #tpu.memory_space<vmem>>
        %dma_wait3A_308 = tpu.memref_squeeze %dma_wait3A_307 : memref<1x128xi32, #tpu.memory_space<vmem>> -> memref<128xi32, #tpu.memory_space<vmem>>
        %dma_wait3A_309 = arith.constant 0 : i32
        %dma_wait3A_310 = arith.constant 0 : i32
        %dma_wait3A_311 = tpu.memref_slice %arg2[%dma_wait3A_309, %dma_wait3A_310] : memref<50000x16xf32, #tpu.memory_space<hbm>> -> memref<50000x16xf32, #tpu.memory_space<hbm>>
        tpu.wait_indirect_dma semaphore(%arg9 : memref<!tpu.dma_semaphore, #tpu.memory_space<semaphore_mem>>) src(%dma_wait3A_311 : memref<50000x16xf32, #tpu.memory_space<hbm>>) dst(%dma_wait3A_305 : memref<128x16xf32, #tpu.memory_space<vmem>>)
        %dma_wait3A_312 = arith.constant 10 : i32
        %dma_wait3A_313 = arith.constant 1280 : i32
        %dma_wait3A_314 = arith.constant 0 : i32
        %dma_wait3A_315 = tpu.memref_slice %arg8[%dma_wait3A_313, %dma_wait3A_314] : memref<2560x16xf32, #tpu.memory_space<vmem>> -> memref<128x16xf32, #tpu.memory_space<vmem>>
        %dma_wait3A_316 = arith.constant 0 : i32
        %dma_wait3A_317 = tpu.memref_slice %arg7[%dma_wait3A_312, %dma_wait3A_316] : memref<20x128xi32, #tpu.memory_space<vmem>> -> memref<1x128xi32, #tpu.memory_space<vmem>>
        %dma_wait3A_318 = tpu.memref_squeeze %dma_wait3A_317 : memref<1x128xi32, #tpu.memory_space<vmem>> -> memref<128xi32, #tpu.memory_space<vmem>>
        %dma_wait3A_319 = arith.constant 0 : i32
        %dma_wait3A_320 = arith.constant 0 : i32
        %dma_wait3A_321 = tpu.memref_slice %arg2[%dma_wait3A_319, %dma_wait3A_320] : memref<50000x16xf32, #tpu.memory_space<hbm>> -> memref<50000x16xf32, #tpu.memory_space<hbm>>
        tpu.wait_indirect_dma semaphore(%arg9 : memref<!tpu.dma_semaphore, #tpu.memory_space<semaphore_mem>>) src(%dma_wait3A_321 : memref<50000x16xf32, #tpu.memory_space<hbm>>) dst(%dma_wait3A_315 : memref<128x16xf32, #tpu.memory_space<vmem>>)
        %dma_wait3A_322 = arith.constant 11 : i32
        %dma_wait3A_323 = arith.constant 1408 : i32
        %dma_wait3A_324 = arith.constant 0 : i32
        %dma_wait3A_325 = tpu.memref_slice %arg8[%dma_wait3A_323, %dma_wait3A_324] : memref<2560x16xf32, #tpu.memory_space<vmem>> -> memref<128x16xf32, #tpu.memory_space<vmem>>
        %dma_wait3A_326 = arith.constant 0 : i32
        %dma_wait3A_327 = tpu.memref_slice %arg7[%dma_wait3A_322, %dma_wait3A_326] : memref<20x128xi32, #tpu.memory_space<vmem>> -> memref<1x128xi32, #tpu.memory_space<vmem>>
        %dma_wait3A_328 = tpu.memref_squeeze %dma_wait3A_327 : memref<1x128xi32, #tpu.memory_space<vmem>> -> memref<128xi32, #tpu.memory_space<vmem>>
        %dma_wait3A_329 = arith.constant 0 : i32
        %dma_wait3A_330 = arith.constant 0 : i32
        %dma_wait3A_331 = tpu.memref_slice %arg2[%dma_wait3A_329, %dma_wait3A_330] : memref<50000x16xf32, #tpu.memory_space<hbm>> -> memref<50000x16xf32, #tpu.memory_space<hbm>>
        tpu.wait_indirect_dma semaphore(%arg9 : memref<!tpu.dma_semaphore, #tpu.memory_space<semaphore_mem>>) src(%dma_wait3A_331 : memref<50000x16xf32, #tpu.memory_space<hbm>>) dst(%dma_wait3A_325 : memref<128x16xf32, #tpu.memory_space<vmem>>)
        %dma_wait3A_332 = arith.constant 12 : i32
        %dma_wait3A_333 = arith.constant 1536 : i32
        %dma_wait3A_334 = arith.constant 0 : i32
        %dma_wait3A_335 = tpu.memref_slice %arg8[%dma_wait3A_333, %dma_wait3A_334] : memref<2560x16xf32, #tpu.memory_space<vmem>> -> memref<128x16xf32, #tpu.memory_space<vmem>>
        %dma_wait3A_336 = arith.constant 0 : i32
        %dma_wait3A_337 = tpu.memref_slice %arg7[%dma_wait3A_332, %dma_wait3A_336] : memref<20x128xi32, #tpu.memory_space<vmem>> -> memref<1x128xi32, #tpu.memory_space<vmem>>
        %dma_wait3A_338 = tpu.memref_squeeze %dma_wait3A_337 : memref<1x128xi32, #tpu.memory_space<vmem>> -> memref<128xi32, #tpu.memory_space<vmem>>
        %dma_wait3A_339 = arith.constant 0 : i32
        %dma_wait3A_340 = arith.constant 0 : i32
        %dma_wait3A_341 = tpu.memref_slice %arg2[%dma_wait3A_339, %dma_wait3A_340] : memref<50000x16xf32, #tpu.memory_space<hbm>> -> memref<50000x16xf32, #tpu.memory_space<hbm>>
        tpu.wait_indirect_dma semaphore(%arg9 : memref<!tpu.dma_semaphore, #tpu.memory_space<semaphore_mem>>) src(%dma_wait3A_341 : memref<50000x16xf32, #tpu.memory_space<hbm>>) dst(%dma_wait3A_335 : memref<128x16xf32, #tpu.memory_space<vmem>>)
        %dma_wait3A_342 = arith.constant 13 : i32
        %dma_wait3A_343 = arith.constant 1664 : i32
        %dma_wait3A_344 = arith.constant 0 : i32
        %dma_wait3A_345 = tpu.memref_slice %arg8[%dma_wait3A_343, %dma_wait3A_344] : memref<2560x16xf32, #tpu.memory_space<vmem>> -> memref<128x16xf32, #tpu.memory_space<vmem>>
        %dma_wait3A_346 = arith.constant 0 : i32
        %dma_wait3A_347 = tpu.memref_slice %arg7[%dma_wait3A_342, %dma_wait3A_346] : memref<20x128xi32, #tpu.memory_space<vmem>> -> memref<1x128xi32, #tpu.memory_space<vmem>>
        %dma_wait3A_348 = tpu.memref_squeeze %dma_wait3A_347 : memref<1x128xi32, #tpu.memory_space<vmem>> -> memref<128xi32, #tpu.memory_space<vmem>>
        %dma_wait3A_349 = arith.constant 0 : i32
        %dma_wait3A_350 = arith.constant 0 : i32
        %dma_wait3A_351 = tpu.memref_slice %arg2[%dma_wait3A_349, %dma_wait3A_350] : memref<50000x16xf32, #tpu.memory_space<hbm>> -> memref<50000x16xf32, #tpu.memory_space<hbm>>
        tpu.wait_indirect_dma semaphore(%arg9 : memref<!tpu.dma_semaphore, #tpu.memory_space<semaphore_mem>>) src(%dma_wait3A_351 : memref<50000x16xf32, #tpu.memory_space<hbm>>) dst(%dma_wait3A_345 : memref<128x16xf32, #tpu.memory_space<vmem>>)
        %dma_wait3A_352 = arith.constant 14 : i32
        %dma_wait3A_353 = arith.constant 1792 : i32
        %dma_wait3A_354 = arith.constant 0 : i32
        %dma_wait3A_355 = tpu.memref_slice %arg8[%dma_wait3A_353, %dma_wait3A_354] : memref<2560x16xf32, #tpu.memory_space<vmem>> -> memref<128x16xf32, #tpu.memory_space<vmem>>
        %dma_wait3A_356 = arith.constant 0 : i32
        %dma_wait3A_357 = tpu.memref_slice %arg7[%dma_wait3A_352, %dma_wait3A_356] : memref<20x128xi32, #tpu.memory_space<vmem>> -> memref<1x128xi32, #tpu.memory_space<vmem>>
        %dma_wait3A_358 = tpu.memref_squeeze %dma_wait3A_357 : memref<1x128xi32, #tpu.memory_space<vmem>> -> memref<128xi32, #tpu.memory_space<vmem>>
        %dma_wait3A_359 = arith.constant 0 : i32
        %dma_wait3A_360 = arith.constant 0 : i32
        %dma_wait3A_361 = tpu.memref_slice %arg2[%dma_wait3A_359, %dma_wait3A_360] : memref<50000x16xf32, #tpu.memory_space<hbm>> -> memref<50000x16xf32, #tpu.memory_space<hbm>>
        tpu.wait_indirect_dma semaphore(%arg9 : memref<!tpu.dma_semaphore, #tpu.memory_space<semaphore_mem>>) src(%dma_wait3A_361 : memref<50000x16xf32, #tpu.memory_space<hbm>>) dst(%dma_wait3A_355 : memref<128x16xf32, #tpu.memory_space<vmem>>)
        %dma_wait3A_362 = arith.constant 15 : i32
        %dma_wait3A_363 = arith.constant 1920 : i32
        %dma_wait3A_364 = arith.constant 0 : i32
        %dma_wait3A_365 = tpu.memref_slice %arg8[%dma_wait3A_363, %dma_wait3A_364] : memref<2560x16xf32, #tpu.memory_space<vmem>> -> memref<128x16xf32, #tpu.memory_space<vmem>>
        %dma_wait3A_366 = arith.constant 0 : i32
        %dma_wait3A_367 = tpu.memref_slice %arg7[%dma_wait3A_362, %dma_wait3A_366] : memref<20x128xi32, #tpu.memory_space<vmem>> -> memref<1x128xi32, #tpu.memory_space<vmem>>
        %dma_wait3A_368 = tpu.memref_squeeze %dma_wait3A_367 : memref<1x128xi32, #tpu.memory_space<vmem>> -> memref<128xi32, #tpu.memory_space<vmem>>
        %dma_wait3A_369 = arith.constant 0 : i32
        %dma_wait3A_370 = arith.constant 0 : i32
        %dma_wait3A_371 = tpu.memref_slice %arg2[%dma_wait3A_369, %dma_wait3A_370] : memref<50000x16xf32, #tpu.memory_space<hbm>> -> memref<50000x16xf32, #tpu.memory_space<hbm>>
        tpu.wait_indirect_dma semaphore(%arg9 : memref<!tpu.dma_semaphore, #tpu.memory_space<semaphore_mem>>) src(%dma_wait3A_371 : memref<50000x16xf32, #tpu.memory_space<hbm>>) dst(%dma_wait3A_365 : memref<128x16xf32, #tpu.memory_space<vmem>>)
        %dma_wait3A_372 = arith.constant 16 : i32
        %dma_wait3A_373 = arith.constant 2048 : i32
        %dma_wait3A_374 = arith.constant 0 : i32
        %dma_wait3A_375 = tpu.memref_slice %arg8[%dma_wait3A_373, %dma_wait3A_374] : memref<2560x16xf32, #tpu.memory_space<vmem>> -> memref<128x16xf32, #tpu.memory_space<vmem>>
        %dma_wait3A_376 = arith.constant 0 : i32
        %dma_wait3A_377 = tpu.memref_slice %arg7[%dma_wait3A_372, %dma_wait3A_376] : memref<20x128xi32, #tpu.memory_space<vmem>> -> memref<1x128xi32, #tpu.memory_space<vmem>>
        %dma_wait3A_378 = tpu.memref_squeeze %dma_wait3A_377 : memref<1x128xi32, #tpu.memory_space<vmem>> -> memref<128xi32, #tpu.memory_space<vmem>>
        %dma_wait3A_379 = arith.constant 0 : i32
        %dma_wait3A_380 = arith.constant 0 : i32
        %dma_wait3A_381 = tpu.memref_slice %arg2[%dma_wait3A_379, %dma_wait3A_380] : memref<50000x16xf32, #tpu.memory_space<hbm>> -> memref<50000x16xf32, #tpu.memory_space<hbm>>
        tpu.wait_indirect_dma semaphore(%arg9 : memref<!tpu.dma_semaphore, #tpu.memory_space<semaphore_mem>>) src(%dma_wait3A_381 : memref<50000x16xf32, #tpu.memory_space<hbm>>) dst(%dma_wait3A_375 : memref<128x16xf32, #tpu.memory_space<vmem>>)
        %dma_wait3A_382 = arith.constant 17 : i32
        %dma_wait3A_383 = arith.constant 2176 : i32
        %dma_wait3A_384 = arith.constant 0 : i32
        %dma_wait3A_385 = tpu.memref_slice %arg8[%dma_wait3A_383, %dma_wait3A_384] : memref<2560x16xf32, #tpu.memory_space<vmem>> -> memref<128x16xf32, #tpu.memory_space<vmem>>
        %dma_wait3A_386 = arith.constant 0 : i32
        %dma_wait3A_387 = tpu.memref_slice %arg7[%dma_wait3A_382, %dma_wait3A_386] : memref<20x128xi32, #tpu.memory_space<vmem>> -> memref<1x128xi32, #tpu.memory_space<vmem>>
        %dma_wait3A_388 = tpu.memref_squeeze %dma_wait3A_387 : memref<1x128xi32, #tpu.memory_space<vmem>> -> memref<128xi32, #tpu.memory_space<vmem>>
        %dma_wait3A_389 = arith.constant 0 : i32
        %dma_wait3A_390 = arith.constant 0 : i32
        %dma_wait3A_391 = tpu.memref_slice %arg2[%dma_wait3A_389, %dma_wait3A_390] : memref<50000x16xf32, #tpu.memory_space<hbm>> -> memref<50000x16xf32, #tpu.memory_space<hbm>>
        tpu.wait_indirect_dma semaphore(%arg9 : memref<!tpu.dma_semaphore, #tpu.memory_space<semaphore_mem>>) src(%dma_wait3A_391 : memref<50000x16xf32, #tpu.memory_space<hbm>>) dst(%dma_wait3A_385 : memref<128x16xf32, #tpu.memory_space<vmem>>)
        %dma_wait3A_392 = arith.constant 18 : i32
        %dma_wait3A_393 = arith.constant 2304 : i32
        %dma_wait3A_394 = arith.constant 0 : i32
        %dma_wait3A_395 = tpu.memref_slice %arg8[%dma_wait3A_393, %dma_wait3A_394] : memref<2560x16xf32, #tpu.memory_space<vmem>> -> memref<128x16xf32, #tpu.memory_space<vmem>>
        %dma_wait3A_396 = arith.constant 0 : i32
        %dma_wait3A_397 = tpu.memref_slice %arg7[%dma_wait3A_392, %dma_wait3A_396] : memref<20x128xi32, #tpu.memory_space<vmem>> -> memref<1x128xi32, #tpu.memory_space<vmem>>
        %dma_wait3A_398 = tpu.memref_squeeze %dma_wait3A_397 : memref<1x128xi32, #tpu.memory_space<vmem>> -> memref<128xi32, #tpu.memory_space<vmem>>
        %dma_wait3A_399 = arith.constant 0 : i32
        %dma_wait3A_400 = arith.constant 0 : i32
        %dma_wait3A_401 = tpu.memref_slice %arg2[%dma_wait3A_399, %dma_wait3A_400] : memref<50000x16xf32, #tpu.memory_space<hbm>> -> memref<50000x16xf32, #tpu.memory_space<hbm>>
        tpu.wait_indirect_dma semaphore(%arg9 : memref<!tpu.dma_semaphore, #tpu.memory_space<semaphore_mem>>) src(%dma_wait3A_401 : memref<50000x16xf32, #tpu.memory_space<hbm>>) dst(%dma_wait3A_395 : memref<128x16xf32, #tpu.memory_space<vmem>>)
        %dma_wait3A_402 = arith.constant 19 : i32
        %dma_wait3A_403 = arith.constant 2432 : i32
        %dma_wait3A_404 = arith.constant 0 : i32
        %dma_wait3A_405 = tpu.memref_slice %arg8[%dma_wait3A_403, %dma_wait3A_404] : memref<2560x16xf32, #tpu.memory_space<vmem>> -> memref<128x16xf32, #tpu.memory_space<vmem>>
        %dma_wait3A_406 = arith.constant 0 : i32
        %dma_wait3A_407 = tpu.memref_slice %arg7[%dma_wait3A_402, %dma_wait3A_406] : memref<20x128xi32, #tpu.memory_space<vmem>> -> memref<1x128xi32, #tpu.memory_space<vmem>>
        %dma_wait3A_408 = tpu.memref_squeeze %dma_wait3A_407 : memref<1x128xi32, #tpu.memory_space<vmem>> -> memref<128xi32, #tpu.memory_space<vmem>>
        %dma_wait3A_409 = arith.constant 0 : i32
        %dma_wait3A_410 = arith.constant 0 : i32
        %dma_wait3A_411 = tpu.memref_slice %arg2[%dma_wait3A_409, %dma_wait3A_410] : memref<50000x16xf32, #tpu.memory_space<hbm>> -> memref<50000x16xf32, #tpu.memory_space<hbm>>
        tpu.wait_indirect_dma semaphore(%arg9 : memref<!tpu.dma_semaphore, #tpu.memory_space<semaphore_mem>>) src(%dma_wait3A_411 : memref<50000x16xf32, #tpu.memory_space<hbm>>) dst(%dma_wait3A_405 : memref<128x16xf32, #tpu.memory_space<vmem>>)
        %mul3A_412 = arith.constant 2560 : i32
        %mul3A_413 = arith.muli %add3A_9, %mul3A_412 : i32
        "tpu.region"() ({
          %run_scoped3A = tpu.sem_alloc : memref<!tpu.dma_semaphore, #tpu.memory_space<semaphore_mem>>
          %dma_start3A_818 = arith.constant 0 : i32
          %dma_start3A_819 = tpu.memref_slice %arg5[%mul3A_413, %dma_start3A_818] : memref<1600000x16xf32, #tpu.memory_space<hbm>> -> memref<2560x16xf32, #tpu.memory_space<hbm>>
          %dma_start3A_820 = arith.constant 0 : i32
          %dma_start3A_821 = tpu.memref_slice %arg5[%mul3A_413, %dma_start3A_820] : memref<1600000x16xf32, #tpu.memory_space<hbm>> -> memref<2560x16xf32, #tpu.memory_space<hbm>>
          tpu.enqueue_dma source(%arg8 : memref<2560x16xf32, #tpu.memory_space<vmem>>) target(%dma_start3A_821 : memref<2560x16xf32, #tpu.memory_space<hbm>>) target_semaphore(%run_scoped3A : memref<!tpu.dma_semaphore, #tpu.memory_space<semaphore_mem>>)
          %dma_wait3A_822 = arith.constant 0 : i32
          %dma_wait3A_823 = tpu.memref_slice %arg5[%mul3A_413, %dma_wait3A_822] : memref<1600000x16xf32, #tpu.memory_space<hbm>> -> memref<2560x16xf32, #tpu.memory_space<hbm>>
          %dma_wait3A_824 = arith.constant 0 : i32
          %dma_wait3A_825 = tpu.memref_slice %arg5[%mul3A_413, %dma_wait3A_824] : memref<1600000x16xf32, #tpu.memory_space<hbm>> -> memref<2560x16xf32, #tpu.memory_space<hbm>>
          tpu.wait_dma2 semaphore(%run_scoped3A : memref<!tpu.dma_semaphore, #tpu.memory_space<semaphore_mem>>) src(%arg8 : memref<2560x16xf32, #tpu.memory_space<vmem>>) dst(%dma_wait3A_825 : memref<2560x16xf32, #tpu.memory_space<hbm>>)
          tpu.yield
        }) : () -> ()
        %mul3A_414 = arith.constant 20 : i32
        %mul3A_415 = arith.muli %add3A_9, %mul3A_414 : i32
        "tpu.region"() ({
          %run_scoped3A = tpu.sem_alloc : memref<!tpu.dma_semaphore, #tpu.memory_space<semaphore_mem>>
          %dma_start3A_818 = arith.constant 0 : i32
          %dma_start3A_819 = tpu.memref_slice %arg4[%mul3A_415, %dma_start3A_818] : memref<12500x128xi32, #tpu.memory_space<hbm>> -> memref<20x128xi32, #tpu.memory_space<hbm>>
          %dma_start3A_820 = arith.constant 0 : i32
          %dma_start3A_821 = tpu.memref_slice %arg4[%mul3A_415, %dma_start3A_820] : memref<12500x128xi32, #tpu.memory_space<hbm>> -> memref<20x128xi32, #tpu.memory_space<hbm>>
          tpu.enqueue_dma source(%dma_start3A_821 : memref<20x128xi32, #tpu.memory_space<hbm>>) target(%arg7 : memref<20x128xi32, #tpu.memory_space<vmem>>) target_semaphore(%run_scoped3A : memref<!tpu.dma_semaphore, #tpu.memory_space<semaphore_mem>>)
          %dma_wait3A_822 = arith.constant 0 : i32
          %dma_wait3A_823 = tpu.memref_slice %arg4[%mul3A_415, %dma_wait3A_822] : memref<12500x128xi32, #tpu.memory_space<hbm>> -> memref<20x128xi32, #tpu.memory_space<hbm>>
          %dma_wait3A_824 = arith.constant 0 : i32
          %dma_wait3A_825 = tpu.memref_slice %arg4[%mul3A_415, %dma_wait3A_824] : memref<12500x128xi32, #tpu.memory_space<hbm>> -> memref<20x128xi32, #tpu.memory_space<hbm>>
          tpu.wait_dma2 semaphore(%run_scoped3A : memref<!tpu.dma_semaphore, #tpu.memory_space<semaphore_mem>>) src(%dma_wait3A_825 : memref<20x128xi32, #tpu.memory_space<hbm>>) dst(%arg7 : memref<20x128xi32, #tpu.memory_space<vmem>>)
          tpu.yield
        }) : () -> ()
        %dma_start3A_416 = arith.constant 0 : i32
        %dma_start3A_417 = arith.constant 0 : i32
        %dma_start3A_418 = arith.constant 0 : i32
        %dma_start3A_419 = tpu.memref_slice %arg8[%dma_start3A_417, %dma_start3A_418] : memref<2560x16xf32, #tpu.memory_space<vmem>> -> memref<128x16xf32, #tpu.memory_space<vmem>>
        %dma_start3A_420 = arith.constant 0 : i32
        %dma_start3A_421 = tpu.memref_slice %arg7[%dma_start3A_416, %dma_start3A_420] : memref<20x128xi32, #tpu.memory_space<vmem>> -> memref<1x128xi32, #tpu.memory_space<vmem>>
        %dma_start3A_422 = tpu.memref_squeeze %dma_start3A_421 : memref<1x128xi32, #tpu.memory_space<vmem>> -> memref<128xi32, #tpu.memory_space<vmem>>
        %dma_start3A_423 = arith.constant 0 : i32
        %dma_start3A_424 = arith.constant 0 : i32
        %dma_start3A_425 = tpu.memref_slice %arg2[%dma_start3A_423, %dma_start3A_424] : memref<50000x16xf32, #tpu.memory_space<hbm>> -> memref<50000x16xf32, #tpu.memory_space<hbm>>
        tpu.enqueue_indirect_dma source(%dma_start3A_425 : memref<50000x16xf32, #tpu.memory_space<hbm>>) target(%dma_start3A_419 : memref<128x16xf32, #tpu.memory_space<vmem>>) offsets(%dma_start3A_422 : memref<128xi32, #tpu.memory_space<vmem>>) semaphore(%arg9 : memref<!tpu.dma_semaphore, #tpu.memory_space<semaphore_mem>>)
        %dma_start3A_426 = arith.constant 1 : i32
        %dma_start3A_427 = arith.constant 128 : i32
        %dma_start3A_428 = arith.constant 0 : i32
        %dma_start3A_429 = tpu.memref_slice %arg8[%dma_start3A_427, %dma_start3A_428] : memref<2560x16xf32, #tpu.memory_space<vmem>> -> memref<128x16xf32, #tpu.memory_space<vmem>>
        %dma_start3A_430 = arith.constant 0 : i32
        %dma_start3A_431 = tpu.memref_slice %arg7[%dma_start3A_426, %dma_start3A_430] : memref<20x128xi32, #tpu.memory_space<vmem>> -> memref<1x128xi32, #tpu.memory_space<vmem>>
        %dma_start3A_432 = tpu.memref_squeeze %dma_start3A_431 : memref<1x128xi32, #tpu.memory_space<vmem>> -> memref<128xi32, #tpu.memory_space<vmem>>
        %dma_start3A_433 = arith.constant 0 : i32
        %dma_start3A_434 = arith.constant 0 : i32
        %dma_start3A_435 = tpu.memref_slice %arg2[%dma_start3A_433, %dma_start3A_434] : memref<50000x16xf32, #tpu.memory_space<hbm>> -> memref<50000x16xf32, #tpu.memory_space<hbm>>
        tpu.enqueue_indirect_dma source(%dma_start3A_435 : memref<50000x16xf32, #tpu.memory_space<hbm>>) target(%dma_start3A_429 : memref<128x16xf32, #tpu.memory_space<vmem>>) offsets(%dma_start3A_432 : memref<128xi32, #tpu.memory_space<vmem>>) semaphore(%arg9 : memref<!tpu.dma_semaphore, #tpu.memory_space<semaphore_mem>>)
        %dma_start3A_436 = arith.constant 2 : i32
        %dma_start3A_437 = arith.constant 256 : i32
        %dma_start3A_438 = arith.constant 0 : i32
        %dma_start3A_439 = tpu.memref_slice %arg8[%dma_start3A_437, %dma_start3A_438] : memref<2560x16xf32, #tpu.memory_space<vmem>> -> memref<128x16xf32, #tpu.memory_space<vmem>>
        %dma_start3A_440 = arith.constant 0 : i32
        %dma_start3A_441 = tpu.memref_slice %arg7[%dma_start3A_436, %dma_start3A_440] : memref<20x128xi32, #tpu.memory_space<vmem>> -> memref<1x128xi32, #tpu.memory_space<vmem>>
        %dma_start3A_442 = tpu.memref_squeeze %dma_start3A_441 : memref<1x128xi32, #tpu.memory_space<vmem>> -> memref<128xi32, #tpu.memory_space<vmem>>
        %dma_start3A_443 = arith.constant 0 : i32
        %dma_start3A_444 = arith.constant 0 : i32
        %dma_start3A_445 = tpu.memref_slice %arg2[%dma_start3A_443, %dma_start3A_444] : memref<50000x16xf32, #tpu.memory_space<hbm>> -> memref<50000x16xf32, #tpu.memory_space<hbm>>
        tpu.enqueue_indirect_dma source(%dma_start3A_445 : memref<50000x16xf32, #tpu.memory_space<hbm>>) target(%dma_start3A_439 : memref<128x16xf32, #tpu.memory_space<vmem>>) offsets(%dma_start3A_442 : memref<128xi32, #tpu.memory_space<vmem>>) semaphore(%arg9 : memref<!tpu.dma_semaphore, #tpu.memory_space<semaphore_mem>>)
        %dma_start3A_446 = arith.constant 3 : i32
        %dma_start3A_447 = arith.constant 384 : i32
        %dma_start3A_448 = arith.constant 0 : i32
        %dma_start3A_449 = tpu.memref_slice %arg8[%dma_start3A_447, %dma_start3A_448] : memref<2560x16xf32, #tpu.memory_space<vmem>> -> memref<128x16xf32, #tpu.memory_space<vmem>>
        %dma_start3A_450 = arith.constant 0 : i32
        %dma_start3A_451 = tpu.memref_slice %arg7[%dma_start3A_446, %dma_start3A_450] : memref<20x128xi32, #tpu.memory_space<vmem>> -> memref<1x128xi32, #tpu.memory_space<vmem>>
        %dma_start3A_452 = tpu.memref_squeeze %dma_start3A_451 : memref<1x128xi32, #tpu.memory_space<vmem>> -> memref<128xi32, #tpu.memory_space<vmem>>
        %dma_start3A_453 = arith.constant 0 : i32
        %dma_start3A_454 = arith.constant 0 : i32
        %dma_start3A_455 = tpu.memref_slice %arg2[%dma_start3A_453, %dma_start3A_454] : memref<50000x16xf32, #tpu.memory_space<hbm>> -> memref<50000x16xf32, #tpu.memory_space<hbm>>
        tpu.enqueue_indirect_dma source(%dma_start3A_455 : memref<50000x16xf32, #tpu.memory_space<hbm>>) target(%dma_start3A_449 : memref<128x16xf32, #tpu.memory_space<vmem>>) offsets(%dma_start3A_452 : memref<128xi32, #tpu.memory_space<vmem>>) semaphore(%arg9 : memref<!tpu.dma_semaphore, #tpu.memory_space<semaphore_mem>>)
        %dma_start3A_456 = arith.constant 4 : i32
        %dma_start3A_457 = arith.constant 512 : i32
        %dma_start3A_458 = arith.constant 0 : i32
        %dma_start3A_459 = tpu.memref_slice %arg8[%dma_start3A_457, %dma_start3A_458] : memref<2560x16xf32, #tpu.memory_space<vmem>> -> memref<128x16xf32, #tpu.memory_space<vmem>>
        %dma_start3A_460 = arith.constant 0 : i32
        %dma_start3A_461 = tpu.memref_slice %arg7[%dma_start3A_456, %dma_start3A_460] : memref<20x128xi32, #tpu.memory_space<vmem>> -> memref<1x128xi32, #tpu.memory_space<vmem>>
        %dma_start3A_462 = tpu.memref_squeeze %dma_start3A_461 : memref<1x128xi32, #tpu.memory_space<vmem>> -> memref<128xi32, #tpu.memory_space<vmem>>
        %dma_start3A_463 = arith.constant 0 : i32
        %dma_start3A_464 = arith.constant 0 : i32
        %dma_start3A_465 = tpu.memref_slice %arg2[%dma_start3A_463, %dma_start3A_464] : memref<50000x16xf32, #tpu.memory_space<hbm>> -> memref<50000x16xf32, #tpu.memory_space<hbm>>
        tpu.enqueue_indirect_dma source(%dma_start3A_465 : memref<50000x16xf32, #tpu.memory_space<hbm>>) target(%dma_start3A_459 : memref<128x16xf32, #tpu.memory_space<vmem>>) offsets(%dma_start3A_462 : memref<128xi32, #tpu.memory_space<vmem>>) semaphore(%arg9 : memref<!tpu.dma_semaphore, #tpu.memory_space<semaphore_mem>>)
        %dma_start3A_466 = arith.constant 5 : i32
        %dma_start3A_467 = arith.constant 640 : i32
        %dma_start3A_468 = arith.constant 0 : i32
        %dma_start3A_469 = tpu.memref_slice %arg8[%dma_start3A_467, %dma_start3A_468] : memref<2560x16xf32, #tpu.memory_space<vmem>> -> memref<128x16xf32, #tpu.memory_space<vmem>>
        %dma_start3A_470 = arith.constant 0 : i32
        %dma_start3A_471 = tpu.memref_slice %arg7[%dma_start3A_466, %dma_start3A_470] : memref<20x128xi32, #tpu.memory_space<vmem>> -> memref<1x128xi32, #tpu.memory_space<vmem>>
        %dma_start3A_472 = tpu.memref_squeeze %dma_start3A_471 : memref<1x128xi32, #tpu.memory_space<vmem>> -> memref<128xi32, #tpu.memory_space<vmem>>
        %dma_start3A_473 = arith.constant 0 : i32
        %dma_start3A_474 = arith.constant 0 : i32
        %dma_start3A_475 = tpu.memref_slice %arg2[%dma_start3A_473, %dma_start3A_474] : memref<50000x16xf32, #tpu.memory_space<hbm>> -> memref<50000x16xf32, #tpu.memory_space<hbm>>
        tpu.enqueue_indirect_dma source(%dma_start3A_475 : memref<50000x16xf32, #tpu.memory_space<hbm>>) target(%dma_start3A_469 : memref<128x16xf32, #tpu.memory_space<vmem>>) offsets(%dma_start3A_472 : memref<128xi32, #tpu.memory_space<vmem>>) semaphore(%arg9 : memref<!tpu.dma_semaphore, #tpu.memory_space<semaphore_mem>>)
        %dma_start3A_476 = arith.constant 6 : i32
        %dma_start3A_477 = arith.constant 768 : i32
        %dma_start3A_478 = arith.constant 0 : i32
        %dma_start3A_479 = tpu.memref_slice %arg8[%dma_start3A_477, %dma_start3A_478] : memref<2560x16xf32, #tpu.memory_space<vmem>> -> memref<128x16xf32, #tpu.memory_space<vmem>>
        %dma_start3A_480 = arith.constant 0 : i32
        %dma_start3A_481 = tpu.memref_slice %arg7[%dma_start3A_476, %dma_start3A_480] : memref<20x128xi32, #tpu.memory_space<vmem>> -> memref<1x128xi32, #tpu.memory_space<vmem>>
        %dma_start3A_482 = tpu.memref_squeeze %dma_start3A_481 : memref<1x128xi32, #tpu.memory_space<vmem>> -> memref<128xi32, #tpu.memory_space<vmem>>
        %dma_start3A_483 = arith.constant 0 : i32
        %dma_start3A_484 = arith.constant 0 : i32
        %dma_start3A_485 = tpu.memref_slice %arg2[%dma_start3A_483, %dma_start3A_484] : memref<50000x16xf32, #tpu.memory_space<hbm>> -> memref<50000x16xf32, #tpu.memory_space<hbm>>
        tpu.enqueue_indirect_dma source(%dma_start3A_485 : memref<50000x16xf32, #tpu.memory_space<hbm>>) target(%dma_start3A_479 : memref<128x16xf32, #tpu.memory_space<vmem>>) offsets(%dma_start3A_482 : memref<128xi32, #tpu.memory_space<vmem>>) semaphore(%arg9 : memref<!tpu.dma_semaphore, #tpu.memory_space<semaphore_mem>>)
        %dma_start3A_486 = arith.constant 7 : i32
        %dma_start3A_487 = arith.constant 896 : i32
        %dma_start3A_488 = arith.constant 0 : i32
        %dma_start3A_489 = tpu.memref_slice %arg8[%dma_start3A_487, %dma_start3A_488] : memref<2560x16xf32, #tpu.memory_space<vmem>> -> memref<128x16xf32, #tpu.memory_space<vmem>>
        %dma_start3A_490 = arith.constant 0 : i32
        %dma_start3A_491 = tpu.memref_slice %arg7[%dma_start3A_486, %dma_start3A_490] : memref<20x128xi32, #tpu.memory_space<vmem>> -> memref<1x128xi32, #tpu.memory_space<vmem>>
        %dma_start3A_492 = tpu.memref_squeeze %dma_start3A_491 : memref<1x128xi32, #tpu.memory_space<vmem>> -> memref<128xi32, #tpu.memory_space<vmem>>
        %dma_start3A_493 = arith.constant 0 : i32
        %dma_start3A_494 = arith.constant 0 : i32
        %dma_start3A_495 = tpu.memref_slice %arg2[%dma_start3A_493, %dma_start3A_494] : memref<50000x16xf32, #tpu.memory_space<hbm>> -> memref<50000x16xf32, #tpu.memory_space<hbm>>
        tpu.enqueue_indirect_dma source(%dma_start3A_495 : memref<50000x16xf32, #tpu.memory_space<hbm>>) target(%dma_start3A_489 : memref<128x16xf32, #tpu.memory_space<vmem>>) offsets(%dma_start3A_492 : memref<128xi32, #tpu.memory_space<vmem>>) semaphore(%arg9 : memref<!tpu.dma_semaphore, #tpu.memory_space<semaphore_mem>>)
        %dma_start3A_496 = arith.constant 8 : i32
        %dma_start3A_497 = arith.constant 1024 : i32
        %dma_start3A_498 = arith.constant 0 : i32
        %dma_start3A_499 = tpu.memref_slice %arg8[%dma_start3A_497, %dma_start3A_498] : memref<2560x16xf32, #tpu.memory_space<vmem>> -> memref<128x16xf32, #tpu.memory_space<vmem>>
        %dma_start3A_500 = arith.constant 0 : i32
        %dma_start3A_501 = tpu.memref_slice %arg7[%dma_start3A_496, %dma_start3A_500] : memref<20x128xi32, #tpu.memory_space<vmem>> -> memref<1x128xi32, #tpu.memory_space<vmem>>
        %dma_start3A_502 = tpu.memref_squeeze %dma_start3A_501 : memref<1x128xi32, #tpu.memory_space<vmem>> -> memref<128xi32, #tpu.memory_space<vmem>>
        %dma_start3A_503 = arith.constant 0 : i32
        %dma_start3A_504 = arith.constant 0 : i32
        %dma_start3A_505 = tpu.memref_slice %arg2[%dma_start3A_503, %dma_start3A_504] : memref<50000x16xf32, #tpu.memory_space<hbm>> -> memref<50000x16xf32, #tpu.memory_space<hbm>>
        tpu.enqueue_indirect_dma source(%dma_start3A_505 : memref<50000x16xf32, #tpu.memory_space<hbm>>) target(%dma_start3A_499 : memref<128x16xf32, #tpu.memory_space<vmem>>) offsets(%dma_start3A_502 : memref<128xi32, #tpu.memory_space<vmem>>) semaphore(%arg9 : memref<!tpu.dma_semaphore, #tpu.memory_space<semaphore_mem>>)
        %dma_start3A_506 = arith.constant 9 : i32
        %dma_start3A_507 = arith.constant 1152 : i32
        %dma_start3A_508 = arith.constant 0 : i32
        %dma_start3A_509 = tpu.memref_slice %arg8[%dma_start3A_507, %dma_start3A_508] : memref<2560x16xf32, #tpu.memory_space<vmem>> -> memref<128x16xf32, #tpu.memory_space<vmem>>
        %dma_start3A_510 = arith.constant 0 : i32
        %dma_start3A_511 = tpu.memref_slice %arg7[%dma_start3A_506, %dma_start3A_510] : memref<20x128xi32, #tpu.memory_space<vmem>> -> memref<1x128xi32, #tpu.memory_space<vmem>>
        %dma_start3A_512 = tpu.memref_squeeze %dma_start3A_511 : memref<1x128xi32, #tpu.memory_space<vmem>> -> memref<128xi32, #tpu.memory_space<vmem>>
        %dma_start3A_513 = arith.constant 0 : i32
        %dma_start3A_514 = arith.constant 0 : i32
        %dma_start3A_515 = tpu.memref_slice %arg2[%dma_start3A_513, %dma_start3A_514] : memref<50000x16xf32, #tpu.memory_space<hbm>> -> memref<50000x16xf32, #tpu.memory_space<hbm>>
        tpu.enqueue_indirect_dma source(%dma_start3A_515 : memref<50000x16xf32, #tpu.memory_space<hbm>>) target(%dma_start3A_509 : memref<128x16xf32, #tpu.memory_space<vmem>>) offsets(%dma_start3A_512 : memref<128xi32, #tpu.memory_space<vmem>>) semaphore(%arg9 : memref<!tpu.dma_semaphore, #tpu.memory_space<semaphore_mem>>)
        %dma_start3A_516 = arith.constant 10 : i32
        %dma_start3A_517 = arith.constant 1280 : i32
        %dma_start3A_518 = arith.constant 0 : i32
        %dma_start3A_519 = tpu.memref_slice %arg8[%dma_start3A_517, %dma_start3A_518] : memref<2560x16xf32, #tpu.memory_space<vmem>> -> memref<128x16xf32, #tpu.memory_space<vmem>>
        %dma_start3A_520 = arith.constant 0 : i32
        %dma_start3A_521 = tpu.memref_slice %arg7[%dma_start3A_516, %dma_start3A_520] : memref<20x128xi32, #tpu.memory_space<vmem>> -> memref<1x128xi32, #tpu.memory_space<vmem>>
        %dma_start3A_522 = tpu.memref_squeeze %dma_start3A_521 : memref<1x128xi32, #tpu.memory_space<vmem>> -> memref<128xi32, #tpu.memory_space<vmem>>
        %dma_start3A_523 = arith.constant 0 : i32
        %dma_start3A_524 = arith.constant 0 : i32
        %dma_start3A_525 = tpu.memref_slice %arg2[%dma_start3A_523, %dma_start3A_524] : memref<50000x16xf32, #tpu.memory_space<hbm>> -> memref<50000x16xf32, #tpu.memory_space<hbm>>
        tpu.enqueue_indirect_dma source(%dma_start3A_525 : memref<50000x16xf32, #tpu.memory_space<hbm>>) target(%dma_start3A_519 : memref<128x16xf32, #tpu.memory_space<vmem>>) offsets(%dma_start3A_522 : memref<128xi32, #tpu.memory_space<vmem>>) semaphore(%arg9 : memref<!tpu.dma_semaphore, #tpu.memory_space<semaphore_mem>>)
        %dma_start3A_526 = arith.constant 11 : i32
        %dma_start3A_527 = arith.constant 1408 : i32
        %dma_start3A_528 = arith.constant 0 : i32
        %dma_start3A_529 = tpu.memref_slice %arg8[%dma_start3A_527, %dma_start3A_528] : memref<2560x16xf32, #tpu.memory_space<vmem>> -> memref<128x16xf32, #tpu.memory_space<vmem>>
        %dma_start3A_530 = arith.constant 0 : i32
        %dma_start3A_531 = tpu.memref_slice %arg7[%dma_start3A_526, %dma_start3A_530] : memref<20x128xi32, #tpu.memory_space<vmem>> -> memref<1x128xi32, #tpu.memory_space<vmem>>
        %dma_start3A_532 = tpu.memref_squeeze %dma_start3A_531 : memref<1x128xi32, #tpu.memory_space<vmem>> -> memref<128xi32, #tpu.memory_space<vmem>>
        %dma_start3A_533 = arith.constant 0 : i32
        %dma_start3A_534 = arith.constant 0 : i32
        %dma_start3A_535 = tpu.memref_slice %arg2[%dma_start3A_533, %dma_start3A_534] : memref<50000x16xf32, #tpu.memory_space<hbm>> -> memref<50000x16xf32, #tpu.memory_space<hbm>>
        tpu.enqueue_indirect_dma source(%dma_start3A_535 : memref<50000x16xf32, #tpu.memory_space<hbm>>) target(%dma_start3A_529 : memref<128x16xf32, #tpu.memory_space<vmem>>) offsets(%dma_start3A_532 : memref<128xi32, #tpu.memory_space<vmem>>) semaphore(%arg9 : memref<!tpu.dma_semaphore, #tpu.memory_space<semaphore_mem>>)
        %dma_start3A_536 = arith.constant 12 : i32
        %dma_start3A_537 = arith.constant 1536 : i32
        %dma_start3A_538 = arith.constant 0 : i32
        %dma_start3A_539 = tpu.memref_slice %arg8[%dma_start3A_537, %dma_start3A_538] : memref<2560x16xf32, #tpu.memory_space<vmem>> -> memref<128x16xf32, #tpu.memory_space<vmem>>
        %dma_start3A_540 = arith.constant 0 : i32
        %dma_start3A_541 = tpu.memref_slice %arg7[%dma_start3A_536, %dma_start3A_540] : memref<20x128xi32, #tpu.memory_space<vmem>> -> memref<1x128xi32, #tpu.memory_space<vmem>>
        %dma_start3A_542 = tpu.memref_squeeze %dma_start3A_541 : memref<1x128xi32, #tpu.memory_space<vmem>> -> memref<128xi32, #tpu.memory_space<vmem>>
        %dma_start3A_543 = arith.constant 0 : i32
        %dma_start3A_544 = arith.constant 0 : i32
        %dma_start3A_545 = tpu.memref_slice %arg2[%dma_start3A_543, %dma_start3A_544] : memref<50000x16xf32, #tpu.memory_space<hbm>> -> memref<50000x16xf32, #tpu.memory_space<hbm>>
        tpu.enqueue_indirect_dma source(%dma_start3A_545 : memref<50000x16xf32, #tpu.memory_space<hbm>>) target(%dma_start3A_539 : memref<128x16xf32, #tpu.memory_space<vmem>>) offsets(%dma_start3A_542 : memref<128xi32, #tpu.memory_space<vmem>>) semaphore(%arg9 : memref<!tpu.dma_semaphore, #tpu.memory_space<semaphore_mem>>)
        %dma_start3A_546 = arith.constant 13 : i32
        %dma_start3A_547 = arith.constant 1664 : i32
        %dma_start3A_548 = arith.constant 0 : i32
        %dma_start3A_549 = tpu.memref_slice %arg8[%dma_start3A_547, %dma_start3A_548] : memref<2560x16xf32, #tpu.memory_space<vmem>> -> memref<128x16xf32, #tpu.memory_space<vmem>>
        %dma_start3A_550 = arith.constant 0 : i32
        %dma_start3A_551 = tpu.memref_slice %arg7[%dma_start3A_546, %dma_start3A_550] : memref<20x128xi32, #tpu.memory_space<vmem>> -> memref<1x128xi32, #tpu.memory_space<vmem>>
        %dma_start3A_552 = tpu.memref_squeeze %dma_start3A_551 : memref<1x128xi32, #tpu.memory_space<vmem>> -> memref<128xi32, #tpu.memory_space<vmem>>
        %dma_start3A_553 = arith.constant 0 : i32
        %dma_start3A_554 = arith.constant 0 : i32
        %dma_start3A_555 = tpu.memref_slice %arg2[%dma_start3A_553, %dma_start3A_554] : memref<50000x16xf32, #tpu.memory_space<hbm>> -> memref<50000x16xf32, #tpu.memory_space<hbm>>
        tpu.enqueue_indirect_dma source(%dma_start3A_555 : memref<50000x16xf32, #tpu.memory_space<hbm>>) target(%dma_start3A_549 : memref<128x16xf32, #tpu.memory_space<vmem>>) offsets(%dma_start3A_552 : memref<128xi32, #tpu.memory_space<vmem>>) semaphore(%arg9 : memref<!tpu.dma_semaphore, #tpu.memory_space<semaphore_mem>>)
        %dma_start3A_556 = arith.constant 14 : i32
        %dma_start3A_557 = arith.constant 1792 : i32
        %dma_start3A_558 = arith.constant 0 : i32
        %dma_start3A_559 = tpu.memref_slice %arg8[%dma_start3A_557, %dma_start3A_558] : memref<2560x16xf32, #tpu.memory_space<vmem>> -> memref<128x16xf32, #tpu.memory_space<vmem>>
        %dma_start3A_560 = arith.constant 0 : i32
        %dma_start3A_561 = tpu.memref_slice %arg7[%dma_start3A_556, %dma_start3A_560] : memref<20x128xi32, #tpu.memory_space<vmem>> -> memref<1x128xi32, #tpu.memory_space<vmem>>
        %dma_start3A_562 = tpu.memref_squeeze %dma_start3A_561 : memref<1x128xi32, #tpu.memory_space<vmem>> -> memref<128xi32, #tpu.memory_space<vmem>>
        %dma_start3A_563 = arith.constant 0 : i32
        %dma_start3A_564 = arith.constant 0 : i32
        %dma_start3A_565 = tpu.memref_slice %arg2[%dma_start3A_563, %dma_start3A_564] : memref<50000x16xf32, #tpu.memory_space<hbm>> -> memref<50000x16xf32, #tpu.memory_space<hbm>>
        tpu.enqueue_indirect_dma source(%dma_start3A_565 : memref<50000x16xf32, #tpu.memory_space<hbm>>) target(%dma_start3A_559 : memref<128x16xf32, #tpu.memory_space<vmem>>) offsets(%dma_start3A_562 : memref<128xi32, #tpu.memory_space<vmem>>) semaphore(%arg9 : memref<!tpu.dma_semaphore, #tpu.memory_space<semaphore_mem>>)
        %dma_start3A_566 = arith.constant 15 : i32
        %dma_start3A_567 = arith.constant 1920 : i32
        %dma_start3A_568 = arith.constant 0 : i32
        %dma_start3A_569 = tpu.memref_slice %arg8[%dma_start3A_567, %dma_start3A_568] : memref<2560x16xf32, #tpu.memory_space<vmem>> -> memref<128x16xf32, #tpu.memory_space<vmem>>
        %dma_start3A_570 = arith.constant 0 : i32
        %dma_start3A_571 = tpu.memref_slice %arg7[%dma_start3A_566, %dma_start3A_570] : memref<20x128xi32, #tpu.memory_space<vmem>> -> memref<1x128xi32, #tpu.memory_space<vmem>>
        %dma_start3A_572 = tpu.memref_squeeze %dma_start3A_571 : memref<1x128xi32, #tpu.memory_space<vmem>> -> memref<128xi32, #tpu.memory_space<vmem>>
        %dma_start3A_573 = arith.constant 0 : i32
        %dma_start3A_574 = arith.constant 0 : i32
        %dma_start3A_575 = tpu.memref_slice %arg2[%dma_start3A_573, %dma_start3A_574] : memref<50000x16xf32, #tpu.memory_space<hbm>> -> memref<50000x16xf32, #tpu.memory_space<hbm>>
        tpu.enqueue_indirect_dma source(%dma_start3A_575 : memref<50000x16xf32, #tpu.memory_space<hbm>>) target(%dma_start3A_569 : memref<128x16xf32, #tpu.memory_space<vmem>>) offsets(%dma_start3A_572 : memref<128xi32, #tpu.memory_space<vmem>>) semaphore(%arg9 : memref<!tpu.dma_semaphore, #tpu.memory_space<semaphore_mem>>)
        %dma_start3A_576 = arith.constant 16 : i32
        %dma_start3A_577 = arith.constant 2048 : i32
        %dma_start3A_578 = arith.constant 0 : i32
        %dma_start3A_579 = tpu.memref_slice %arg8[%dma_start3A_577, %dma_start3A_578] : memref<2560x16xf32, #tpu.memory_space<vmem>> -> memref<128x16xf32, #tpu.memory_space<vmem>>
        %dma_start3A_580 = arith.constant 0 : i32
        %dma_start3A_581 = tpu.memref_slice %arg7[%dma_start3A_576, %dma_start3A_580] : memref<20x128xi32, #tpu.memory_space<vmem>> -> memref<1x128xi32, #tpu.memory_space<vmem>>
        %dma_start3A_582 = tpu.memref_squeeze %dma_start3A_581 : memref<1x128xi32, #tpu.memory_space<vmem>> -> memref<128xi32, #tpu.memory_space<vmem>>
        %dma_start3A_583 = arith.constant 0 : i32
        %dma_start3A_584 = arith.constant 0 : i32
        %dma_start3A_585 = tpu.memref_slice %arg2[%dma_start3A_583, %dma_start3A_584] : memref<50000x16xf32, #tpu.memory_space<hbm>> -> memref<50000x16xf32, #tpu.memory_space<hbm>>
        tpu.enqueue_indirect_dma source(%dma_start3A_585 : memref<50000x16xf32, #tpu.memory_space<hbm>>) target(%dma_start3A_579 : memref<128x16xf32, #tpu.memory_space<vmem>>) offsets(%dma_start3A_582 : memref<128xi32, #tpu.memory_space<vmem>>) semaphore(%arg9 : memref<!tpu.dma_semaphore, #tpu.memory_space<semaphore_mem>>)
        %dma_start3A_586 = arith.constant 17 : i32
        %dma_start3A_587 = arith.constant 2176 : i32
        %dma_start3A_588 = arith.constant 0 : i32
        %dma_start3A_589 = tpu.memref_slice %arg8[%dma_start3A_587, %dma_start3A_588] : memref<2560x16xf32, #tpu.memory_space<vmem>> -> memref<128x16xf32, #tpu.memory_space<vmem>>
        %dma_start3A_590 = arith.constant 0 : i32
        %dma_start3A_591 = tpu.memref_slice %arg7[%dma_start3A_586, %dma_start3A_590] : memref<20x128xi32, #tpu.memory_space<vmem>> -> memref<1x128xi32, #tpu.memory_space<vmem>>
        %dma_start3A_592 = tpu.memref_squeeze %dma_start3A_591 : memref<1x128xi32, #tpu.memory_space<vmem>> -> memref<128xi32, #tpu.memory_space<vmem>>
        %dma_start3A_593 = arith.constant 0 : i32
        %dma_start3A_594 = arith.constant 0 : i32
        %dma_start3A_595 = tpu.memref_slice %arg2[%dma_start3A_593, %dma_start3A_594] : memref<50000x16xf32, #tpu.memory_space<hbm>> -> memref<50000x16xf32, #tpu.memory_space<hbm>>
        tpu.enqueue_indirect_dma source(%dma_start3A_595 : memref<50000x16xf32, #tpu.memory_space<hbm>>) target(%dma_start3A_589 : memref<128x16xf32, #tpu.memory_space<vmem>>) offsets(%dma_start3A_592 : memref<128xi32, #tpu.memory_space<vmem>>) semaphore(%arg9 : memref<!tpu.dma_semaphore, #tpu.memory_space<semaphore_mem>>)
        %dma_start3A_596 = arith.constant 18 : i32
        %dma_start3A_597 = arith.constant 2304 : i32
        %dma_start3A_598 = arith.constant 0 : i32
        %dma_start3A_599 = tpu.memref_slice %arg8[%dma_start3A_597, %dma_start3A_598] : memref<2560x16xf32, #tpu.memory_space<vmem>> -> memref<128x16xf32, #tpu.memory_space<vmem>>
        %dma_start3A_600 = arith.constant 0 : i32
        %dma_start3A_601 = tpu.memref_slice %arg7[%dma_start3A_596, %dma_start3A_600] : memref<20x128xi32, #tpu.memory_space<vmem>> -> memref<1x128xi32, #tpu.memory_space<vmem>>
        %dma_start3A_602 = tpu.memref_squeeze %dma_start3A_601 : memref<1x128xi32, #tpu.memory_space<vmem>> -> memref<128xi32, #tpu.memory_space<vmem>>
        %dma_start3A_603 = arith.constant 0 : i32
        %dma_start3A_604 = arith.constant 0 : i32
        %dma_start3A_605 = tpu.memref_slice %arg2[%dma_start3A_603, %dma_start3A_604] : memref<50000x16xf32, #tpu.memory_space<hbm>> -> memref<50000x16xf32, #tpu.memory_space<hbm>>
        tpu.enqueue_indirect_dma source(%dma_start3A_605 : memref<50000x16xf32, #tpu.memory_space<hbm>>) target(%dma_start3A_599 : memref<128x16xf32, #tpu.memory_space<vmem>>) offsets(%dma_start3A_602 : memref<128xi32, #tpu.memory_space<vmem>>) semaphore(%arg9 : memref<!tpu.dma_semaphore, #tpu.memory_space<semaphore_mem>>)
        %dma_start3A_606 = arith.constant 19 : i32
        %dma_start3A_607 = arith.constant 2432 : i32
        %dma_start3A_608 = arith.constant 0 : i32
        %dma_start3A_609 = tpu.memref_slice %arg8[%dma_start3A_607, %dma_start3A_608] : memref<2560x16xf32, #tpu.memory_space<vmem>> -> memref<128x16xf32, #tpu.memory_space<vmem>>
        %dma_start3A_610 = arith.constant 0 : i32
        %dma_start3A_611 = tpu.memref_slice %arg7[%dma_start3A_606, %dma_start3A_610] : memref<20x128xi32, #tpu.memory_space<vmem>> -> memref<1x128xi32, #tpu.memory_space<vmem>>
        %dma_start3A_612 = tpu.memref_squeeze %dma_start3A_611 : memref<1x128xi32, #tpu.memory_space<vmem>> -> memref<128xi32, #tpu.memory_space<vmem>>
        %dma_start3A_613 = arith.constant 0 : i32
        %dma_start3A_614 = arith.constant 0 : i32
        %dma_start3A_615 = tpu.memref_slice %arg2[%dma_start3A_613, %dma_start3A_614] : memref<50000x16xf32, #tpu.memory_space<hbm>> -> memref<50000x16xf32, #tpu.memory_space<hbm>>
        tpu.enqueue_indirect_dma source(%dma_start3A_615 : memref<50000x16xf32, #tpu.memory_space<hbm>>) target(%dma_start3A_609 : memref<128x16xf32, #tpu.memory_space<vmem>>) offsets(%dma_start3A_612 : memref<128xi32, #tpu.memory_space<vmem>>) semaphore(%arg9 : memref<!tpu.dma_semaphore, #tpu.memory_space<semaphore_mem>>)
        %dma_wait3A_616 = arith.constant 0 : i32
        %dma_wait3A_617 = arith.constant 0 : i32
        %dma_wait3A_618 = arith.constant 0 : i32
        %dma_wait3A_619 = tpu.memref_slice %arg8[%dma_wait3A_617, %dma_wait3A_618] : memref<2560x16xf32, #tpu.memory_space<vmem>> -> memref<128x16xf32, #tpu.memory_space<vmem>>
        %dma_wait3A_620 = arith.constant 0 : i32
        %dma_wait3A_621 = tpu.memref_slice %arg7[%dma_wait3A_616, %dma_wait3A_620] : memref<20x128xi32, #tpu.memory_space<vmem>> -> memref<1x128xi32, #tpu.memory_space<vmem>>
        %dma_wait3A_622 = tpu.memref_squeeze %dma_wait3A_621 : memref<1x128xi32, #tpu.memory_space<vmem>> -> memref<128xi32, #tpu.memory_space<vmem>>
        %dma_wait3A_623 = arith.constant 0 : i32
        %dma_wait3A_624 = arith.constant 0 : i32
        %dma_wait3A_625 = tpu.memref_slice %arg2[%dma_wait3A_623, %dma_wait3A_624] : memref<50000x16xf32, #tpu.memory_space<hbm>> -> memref<50000x16xf32, #tpu.memory_space<hbm>>
        tpu.wait_indirect_dma semaphore(%arg9 : memref<!tpu.dma_semaphore, #tpu.memory_space<semaphore_mem>>) src(%dma_wait3A_625 : memref<50000x16xf32, #tpu.memory_space<hbm>>) dst(%dma_wait3A_619 : memref<128x16xf32, #tpu.memory_space<vmem>>)
        %dma_wait3A_626 = arith.constant 1 : i32
        %dma_wait3A_627 = arith.constant 128 : i32
        %dma_wait3A_628 = arith.constant 0 : i32
        %dma_wait3A_629 = tpu.memref_slice %arg8[%dma_wait3A_627, %dma_wait3A_628] : memref<2560x16xf32, #tpu.memory_space<vmem>> -> memref<128x16xf32, #tpu.memory_space<vmem>>
        %dma_wait3A_630 = arith.constant 0 : i32
        %dma_wait3A_631 = tpu.memref_slice %arg7[%dma_wait3A_626, %dma_wait3A_630] : memref<20x128xi32, #tpu.memory_space<vmem>> -> memref<1x128xi32, #tpu.memory_space<vmem>>
        %dma_wait3A_632 = tpu.memref_squeeze %dma_wait3A_631 : memref<1x128xi32, #tpu.memory_space<vmem>> -> memref<128xi32, #tpu.memory_space<vmem>>
        %dma_wait3A_633 = arith.constant 0 : i32
        %dma_wait3A_634 = arith.constant 0 : i32
        %dma_wait3A_635 = tpu.memref_slice %arg2[%dma_wait3A_633, %dma_wait3A_634] : memref<50000x16xf32, #tpu.memory_space<hbm>> -> memref<50000x16xf32, #tpu.memory_space<hbm>>
        tpu.wait_indirect_dma semaphore(%arg9 : memref<!tpu.dma_semaphore, #tpu.memory_space<semaphore_mem>>) src(%dma_wait3A_635 : memref<50000x16xf32, #tpu.memory_space<hbm>>) dst(%dma_wait3A_629 : memref<128x16xf32, #tpu.memory_space<vmem>>)
        %dma_wait3A_636 = arith.constant 2 : i32
        %dma_wait3A_637 = arith.constant 256 : i32
        %dma_wait3A_638 = arith.constant 0 : i32
        %dma_wait3A_639 = tpu.memref_slice %arg8[%dma_wait3A_637, %dma_wait3A_638] : memref<2560x16xf32, #tpu.memory_space<vmem>> -> memref<128x16xf32, #tpu.memory_space<vmem>>
        %dma_wait3A_640 = arith.constant 0 : i32
        %dma_wait3A_641 = tpu.memref_slice %arg7[%dma_wait3A_636, %dma_wait3A_640] : memref<20x128xi32, #tpu.memory_space<vmem>> -> memref<1x128xi32, #tpu.memory_space<vmem>>
        %dma_wait3A_642 = tpu.memref_squeeze %dma_wait3A_641 : memref<1x128xi32, #tpu.memory_space<vmem>> -> memref<128xi32, #tpu.memory_space<vmem>>
        %dma_wait3A_643 = arith.constant 0 : i32
        %dma_wait3A_644 = arith.constant 0 : i32
        %dma_wait3A_645 = tpu.memref_slice %arg2[%dma_wait3A_643, %dma_wait3A_644] : memref<50000x16xf32, #tpu.memory_space<hbm>> -> memref<50000x16xf32, #tpu.memory_space<hbm>>
        tpu.wait_indirect_dma semaphore(%arg9 : memref<!tpu.dma_semaphore, #tpu.memory_space<semaphore_mem>>) src(%dma_wait3A_645 : memref<50000x16xf32, #tpu.memory_space<hbm>>) dst(%dma_wait3A_639 : memref<128x16xf32, #tpu.memory_space<vmem>>)
        %dma_wait3A_646 = arith.constant 3 : i32
        %dma_wait3A_647 = arith.constant 384 : i32
        %dma_wait3A_648 = arith.constant 0 : i32
        %dma_wait3A_649 = tpu.memref_slice %arg8[%dma_wait3A_647, %dma_wait3A_648] : memref<2560x16xf32, #tpu.memory_space<vmem>> -> memref<128x16xf32, #tpu.memory_space<vmem>>
        %dma_wait3A_650 = arith.constant 0 : i32
        %dma_wait3A_651 = tpu.memref_slice %arg7[%dma_wait3A_646, %dma_wait3A_650] : memref<20x128xi32, #tpu.memory_space<vmem>> -> memref<1x128xi32, #tpu.memory_space<vmem>>
        %dma_wait3A_652 = tpu.memref_squeeze %dma_wait3A_651 : memref<1x128xi32, #tpu.memory_space<vmem>> -> memref<128xi32, #tpu.memory_space<vmem>>
        %dma_wait3A_653 = arith.constant 0 : i32
        %dma_wait3A_654 = arith.constant 0 : i32
        %dma_wait3A_655 = tpu.memref_slice %arg2[%dma_wait3A_653, %dma_wait3A_654] : memref<50000x16xf32, #tpu.memory_space<hbm>> -> memref<50000x16xf32, #tpu.memory_space<hbm>>
        tpu.wait_indirect_dma semaphore(%arg9 : memref<!tpu.dma_semaphore, #tpu.memory_space<semaphore_mem>>) src(%dma_wait3A_655 : memref<50000x16xf32, #tpu.memory_space<hbm>>) dst(%dma_wait3A_649 : memref<128x16xf32, #tpu.memory_space<vmem>>)
        %dma_wait3A_656 = arith.constant 4 : i32
        %dma_wait3A_657 = arith.constant 512 : i32
        %dma_wait3A_658 = arith.constant 0 : i32
        %dma_wait3A_659 = tpu.memref_slice %arg8[%dma_wait3A_657, %dma_wait3A_658] : memref<2560x16xf32, #tpu.memory_space<vmem>> -> memref<128x16xf32, #tpu.memory_space<vmem>>
        %dma_wait3A_660 = arith.constant 0 : i32
        %dma_wait3A_661 = tpu.memref_slice %arg7[%dma_wait3A_656, %dma_wait3A_660] : memref<20x128xi32, #tpu.memory_space<vmem>> -> memref<1x128xi32, #tpu.memory_space<vmem>>
        %dma_wait3A_662 = tpu.memref_squeeze %dma_wait3A_661 : memref<1x128xi32, #tpu.memory_space<vmem>> -> memref<128xi32, #tpu.memory_space<vmem>>
        %dma_wait3A_663 = arith.constant 0 : i32
        %dma_wait3A_664 = arith.constant 0 : i32
        %dma_wait3A_665 = tpu.memref_slice %arg2[%dma_wait3A_663, %dma_wait3A_664] : memref<50000x16xf32, #tpu.memory_space<hbm>> -> memref<50000x16xf32, #tpu.memory_space<hbm>>
        tpu.wait_indirect_dma semaphore(%arg9 : memref<!tpu.dma_semaphore, #tpu.memory_space<semaphore_mem>>) src(%dma_wait3A_665 : memref<50000x16xf32, #tpu.memory_space<hbm>>) dst(%dma_wait3A_659 : memref<128x16xf32, #tpu.memory_space<vmem>>)
        %dma_wait3A_666 = arith.constant 5 : i32
        %dma_wait3A_667 = arith.constant 640 : i32
        %dma_wait3A_668 = arith.constant 0 : i32
        %dma_wait3A_669 = tpu.memref_slice %arg8[%dma_wait3A_667, %dma_wait3A_668] : memref<2560x16xf32, #tpu.memory_space<vmem>> -> memref<128x16xf32, #tpu.memory_space<vmem>>
        %dma_wait3A_670 = arith.constant 0 : i32
        %dma_wait3A_671 = tpu.memref_slice %arg7[%dma_wait3A_666, %dma_wait3A_670] : memref<20x128xi32, #tpu.memory_space<vmem>> -> memref<1x128xi32, #tpu.memory_space<vmem>>
        %dma_wait3A_672 = tpu.memref_squeeze %dma_wait3A_671 : memref<1x128xi32, #tpu.memory_space<vmem>> -> memref<128xi32, #tpu.memory_space<vmem>>
        %dma_wait3A_673 = arith.constant 0 : i32
        %dma_wait3A_674 = arith.constant 0 : i32
        %dma_wait3A_675 = tpu.memref_slice %arg2[%dma_wait3A_673, %dma_wait3A_674] : memref<50000x16xf32, #tpu.memory_space<hbm>> -> memref<50000x16xf32, #tpu.memory_space<hbm>>
        tpu.wait_indirect_dma semaphore(%arg9 : memref<!tpu.dma_semaphore, #tpu.memory_space<semaphore_mem>>) src(%dma_wait3A_675 : memref<50000x16xf32, #tpu.memory_space<hbm>>) dst(%dma_wait3A_669 : memref<128x16xf32, #tpu.memory_space<vmem>>)
        %dma_wait3A_676 = arith.constant 6 : i32
        %dma_wait3A_677 = arith.constant 768 : i32
        %dma_wait3A_678 = arith.constant 0 : i32
        %dma_wait3A_679 = tpu.memref_slice %arg8[%dma_wait3A_677, %dma_wait3A_678] : memref<2560x16xf32, #tpu.memory_space<vmem>> -> memref<128x16xf32, #tpu.memory_space<vmem>>
        %dma_wait3A_680 = arith.constant 0 : i32
        %dma_wait3A_681 = tpu.memref_slice %arg7[%dma_wait3A_676, %dma_wait3A_680] : memref<20x128xi32, #tpu.memory_space<vmem>> -> memref<1x128xi32, #tpu.memory_space<vmem>>
        %dma_wait3A_682 = tpu.memref_squeeze %dma_wait3A_681 : memref<1x128xi32, #tpu.memory_space<vmem>> -> memref<128xi32, #tpu.memory_space<vmem>>
        %dma_wait3A_683 = arith.constant 0 : i32
        %dma_wait3A_684 = arith.constant 0 : i32
        %dma_wait3A_685 = tpu.memref_slice %arg2[%dma_wait3A_683, %dma_wait3A_684] : memref<50000x16xf32, #tpu.memory_space<hbm>> -> memref<50000x16xf32, #tpu.memory_space<hbm>>
        tpu.wait_indirect_dma semaphore(%arg9 : memref<!tpu.dma_semaphore, #tpu.memory_space<semaphore_mem>>) src(%dma_wait3A_685 : memref<50000x16xf32, #tpu.memory_space<hbm>>) dst(%dma_wait3A_679 : memref<128x16xf32, #tpu.memory_space<vmem>>)
        %dma_wait3A_686 = arith.constant 7 : i32
        %dma_wait3A_687 = arith.constant 896 : i32
        %dma_wait3A_688 = arith.constant 0 : i32
        %dma_wait3A_689 = tpu.memref_slice %arg8[%dma_wait3A_687, %dma_wait3A_688] : memref<2560x16xf32, #tpu.memory_space<vmem>> -> memref<128x16xf32, #tpu.memory_space<vmem>>
        %dma_wait3A_690 = arith.constant 0 : i32
        %dma_wait3A_691 = tpu.memref_slice %arg7[%dma_wait3A_686, %dma_wait3A_690] : memref<20x128xi32, #tpu.memory_space<vmem>> -> memref<1x128xi32, #tpu.memory_space<vmem>>
        %dma_wait3A_692 = tpu.memref_squeeze %dma_wait3A_691 : memref<1x128xi32, #tpu.memory_space<vmem>> -> memref<128xi32, #tpu.memory_space<vmem>>
        %dma_wait3A_693 = arith.constant 0 : i32
        %dma_wait3A_694 = arith.constant 0 : i32
        %dma_wait3A_695 = tpu.memref_slice %arg2[%dma_wait3A_693, %dma_wait3A_694] : memref<50000x16xf32, #tpu.memory_space<hbm>> -> memref<50000x16xf32, #tpu.memory_space<hbm>>
        tpu.wait_indirect_dma semaphore(%arg9 : memref<!tpu.dma_semaphore, #tpu.memory_space<semaphore_mem>>) src(%dma_wait3A_695 : memref<50000x16xf32, #tpu.memory_space<hbm>>) dst(%dma_wait3A_689 : memref<128x16xf32, #tpu.memory_space<vmem>>)
        %dma_wait3A_696 = arith.constant 8 : i32
        %dma_wait3A_697 = arith.constant 1024 : i32
        %dma_wait3A_698 = arith.constant 0 : i32
        %dma_wait3A_699 = tpu.memref_slice %arg8[%dma_wait3A_697, %dma_wait3A_698] : memref<2560x16xf32, #tpu.memory_space<vmem>> -> memref<128x16xf32, #tpu.memory_space<vmem>>
        %dma_wait3A_700 = arith.constant 0 : i32
        %dma_wait3A_701 = tpu.memref_slice %arg7[%dma_wait3A_696, %dma_wait3A_700] : memref<20x128xi32, #tpu.memory_space<vmem>> -> memref<1x128xi32, #tpu.memory_space<vmem>>
        %dma_wait3A_702 = tpu.memref_squeeze %dma_wait3A_701 : memref<1x128xi32, #tpu.memory_space<vmem>> -> memref<128xi32, #tpu.memory_space<vmem>>
        %dma_wait3A_703 = arith.constant 0 : i32
        %dma_wait3A_704 = arith.constant 0 : i32
        %dma_wait3A_705 = tpu.memref_slice %arg2[%dma_wait3A_703, %dma_wait3A_704] : memref<50000x16xf32, #tpu.memory_space<hbm>> -> memref<50000x16xf32, #tpu.memory_space<hbm>>
        tpu.wait_indirect_dma semaphore(%arg9 : memref<!tpu.dma_semaphore, #tpu.memory_space<semaphore_mem>>) src(%dma_wait3A_705 : memref<50000x16xf32, #tpu.memory_space<hbm>>) dst(%dma_wait3A_699 : memref<128x16xf32, #tpu.memory_space<vmem>>)
        %dma_wait3A_706 = arith.constant 9 : i32
        %dma_wait3A_707 = arith.constant 1152 : i32
        %dma_wait3A_708 = arith.constant 0 : i32
        %dma_wait3A_709 = tpu.memref_slice %arg8[%dma_wait3A_707, %dma_wait3A_708] : memref<2560x16xf32, #tpu.memory_space<vmem>> -> memref<128x16xf32, #tpu.memory_space<vmem>>
        %dma_wait3A_710 = arith.constant 0 : i32
        %dma_wait3A_711 = tpu.memref_slice %arg7[%dma_wait3A_706, %dma_wait3A_710] : memref<20x128xi32, #tpu.memory_space<vmem>> -> memref<1x128xi32, #tpu.memory_space<vmem>>
        %dma_wait3A_712 = tpu.memref_squeeze %dma_wait3A_711 : memref<1x128xi32, #tpu.memory_space<vmem>> -> memref<128xi32, #tpu.memory_space<vmem>>
        %dma_wait3A_713 = arith.constant 0 : i32
        %dma_wait3A_714 = arith.constant 0 : i32
        %dma_wait3A_715 = tpu.memref_slice %arg2[%dma_wait3A_713, %dma_wait3A_714] : memref<50000x16xf32, #tpu.memory_space<hbm>> -> memref<50000x16xf32, #tpu.memory_space<hbm>>
        tpu.wait_indirect_dma semaphore(%arg9 : memref<!tpu.dma_semaphore, #tpu.memory_space<semaphore_mem>>) src(%dma_wait3A_715 : memref<50000x16xf32, #tpu.memory_space<hbm>>) dst(%dma_wait3A_709 : memref<128x16xf32, #tpu.memory_space<vmem>>)
        %dma_wait3A_716 = arith.constant 10 : i32
        %dma_wait3A_717 = arith.constant 1280 : i32
        %dma_wait3A_718 = arith.constant 0 : i32
        %dma_wait3A_719 = tpu.memref_slice %arg8[%dma_wait3A_717, %dma_wait3A_718] : memref<2560x16xf32, #tpu.memory_space<vmem>> -> memref<128x16xf32, #tpu.memory_space<vmem>>
        %dma_wait3A_720 = arith.constant 0 : i32
        %dma_wait3A_721 = tpu.memref_slice %arg7[%dma_wait3A_716, %dma_wait3A_720] : memref<20x128xi32, #tpu.memory_space<vmem>> -> memref<1x128xi32, #tpu.memory_space<vmem>>
        %dma_wait3A_722 = tpu.memref_squeeze %dma_wait3A_721 : memref<1x128xi32, #tpu.memory_space<vmem>> -> memref<128xi32, #tpu.memory_space<vmem>>
        %dma_wait3A_723 = arith.constant 0 : i32
        %dma_wait3A_724 = arith.constant 0 : i32
        %dma_wait3A_725 = tpu.memref_slice %arg2[%dma_wait3A_723, %dma_wait3A_724] : memref<50000x16xf32, #tpu.memory_space<hbm>> -> memref<50000x16xf32, #tpu.memory_space<hbm>>
        tpu.wait_indirect_dma semaphore(%arg9 : memref<!tpu.dma_semaphore, #tpu.memory_space<semaphore_mem>>) src(%dma_wait3A_725 : memref<50000x16xf32, #tpu.memory_space<hbm>>) dst(%dma_wait3A_719 : memref<128x16xf32, #tpu.memory_space<vmem>>)
        %dma_wait3A_726 = arith.constant 11 : i32
        %dma_wait3A_727 = arith.constant 1408 : i32
        %dma_wait3A_728 = arith.constant 0 : i32
        %dma_wait3A_729 = tpu.memref_slice %arg8[%dma_wait3A_727, %dma_wait3A_728] : memref<2560x16xf32, #tpu.memory_space<vmem>> -> memref<128x16xf32, #tpu.memory_space<vmem>>
        %dma_wait3A_730 = arith.constant 0 : i32
        %dma_wait3A_731 = tpu.memref_slice %arg7[%dma_wait3A_726, %dma_wait3A_730] : memref<20x128xi32, #tpu.memory_space<vmem>> -> memref<1x128xi32, #tpu.memory_space<vmem>>
        %dma_wait3A_732 = tpu.memref_squeeze %dma_wait3A_731 : memref<1x128xi32, #tpu.memory_space<vmem>> -> memref<128xi32, #tpu.memory_space<vmem>>
        %dma_wait3A_733 = arith.constant 0 : i32
        %dma_wait3A_734 = arith.constant 0 : i32
        %dma_wait3A_735 = tpu.memref_slice %arg2[%dma_wait3A_733, %dma_wait3A_734] : memref<50000x16xf32, #tpu.memory_space<hbm>> -> memref<50000x16xf32, #tpu.memory_space<hbm>>
        tpu.wait_indirect_dma semaphore(%arg9 : memref<!tpu.dma_semaphore, #tpu.memory_space<semaphore_mem>>) src(%dma_wait3A_735 : memref<50000x16xf32, #tpu.memory_space<hbm>>) dst(%dma_wait3A_729 : memref<128x16xf32, #tpu.memory_space<vmem>>)
        %dma_wait3A_736 = arith.constant 12 : i32
        %dma_wait3A_737 = arith.constant 1536 : i32
        %dma_wait3A_738 = arith.constant 0 : i32
        %dma_wait3A_739 = tpu.memref_slice %arg8[%dma_wait3A_737, %dma_wait3A_738] : memref<2560x16xf32, #tpu.memory_space<vmem>> -> memref<128x16xf32, #tpu.memory_space<vmem>>
        %dma_wait3A_740 = arith.constant 0 : i32
        %dma_wait3A_741 = tpu.memref_slice %arg7[%dma_wait3A_736, %dma_wait3A_740] : memref<20x128xi32, #tpu.memory_space<vmem>> -> memref<1x128xi32, #tpu.memory_space<vmem>>
        %dma_wait3A_742 = tpu.memref_squeeze %dma_wait3A_741 : memref<1x128xi32, #tpu.memory_space<vmem>> -> memref<128xi32, #tpu.memory_space<vmem>>
        %dma_wait3A_743 = arith.constant 0 : i32
        %dma_wait3A_744 = arith.constant 0 : i32
        %dma_wait3A_745 = tpu.memref_slice %arg2[%dma_wait3A_743, %dma_wait3A_744] : memref<50000x16xf32, #tpu.memory_space<hbm>> -> memref<50000x16xf32, #tpu.memory_space<hbm>>
        tpu.wait_indirect_dma semaphore(%arg9 : memref<!tpu.dma_semaphore, #tpu.memory_space<semaphore_mem>>) src(%dma_wait3A_745 : memref<50000x16xf32, #tpu.memory_space<hbm>>) dst(%dma_wait3A_739 : memref<128x16xf32, #tpu.memory_space<vmem>>)
        %dma_wait3A_746 = arith.constant 13 : i32
        %dma_wait3A_747 = arith.constant 1664 : i32
        %dma_wait3A_748 = arith.constant 0 : i32
        %dma_wait3A_749 = tpu.memref_slice %arg8[%dma_wait3A_747, %dma_wait3A_748] : memref<2560x16xf32, #tpu.memory_space<vmem>> -> memref<128x16xf32, #tpu.memory_space<vmem>>
        %dma_wait3A_750 = arith.constant 0 : i32
        %dma_wait3A_751 = tpu.memref_slice %arg7[%dma_wait3A_746, %dma_wait3A_750] : memref<20x128xi32, #tpu.memory_space<vmem>> -> memref<1x128xi32, #tpu.memory_space<vmem>>
        %dma_wait3A_752 = tpu.memref_squeeze %dma_wait3A_751 : memref<1x128xi32, #tpu.memory_space<vmem>> -> memref<128xi32, #tpu.memory_space<vmem>>
        %dma_wait3A_753 = arith.constant 0 : i32
        %dma_wait3A_754 = arith.constant 0 : i32
        %dma_wait3A_755 = tpu.memref_slice %arg2[%dma_wait3A_753, %dma_wait3A_754] : memref<50000x16xf32, #tpu.memory_space<hbm>> -> memref<50000x16xf32, #tpu.memory_space<hbm>>
        tpu.wait_indirect_dma semaphore(%arg9 : memref<!tpu.dma_semaphore, #tpu.memory_space<semaphore_mem>>) src(%dma_wait3A_755 : memref<50000x16xf32, #tpu.memory_space<hbm>>) dst(%dma_wait3A_749 : memref<128x16xf32, #tpu.memory_space<vmem>>)
        %dma_wait3A_756 = arith.constant 14 : i32
        %dma_wait3A_757 = arith.constant 1792 : i32
        %dma_wait3A_758 = arith.constant 0 : i32
        %dma_wait3A_759 = tpu.memref_slice %arg8[%dma_wait3A_757, %dma_wait3A_758] : memref<2560x16xf32, #tpu.memory_space<vmem>> -> memref<128x16xf32, #tpu.memory_space<vmem>>
        %dma_wait3A_760 = arith.constant 0 : i32
        %dma_wait3A_761 = tpu.memref_slice %arg7[%dma_wait3A_756, %dma_wait3A_760] : memref<20x128xi32, #tpu.memory_space<vmem>> -> memref<1x128xi32, #tpu.memory_space<vmem>>
        %dma_wait3A_762 = tpu.memref_squeeze %dma_wait3A_761 : memref<1x128xi32, #tpu.memory_space<vmem>> -> memref<128xi32, #tpu.memory_space<vmem>>
        %dma_wait3A_763 = arith.constant 0 : i32
        %dma_wait3A_764 = arith.constant 0 : i32
        %dma_wait3A_765 = tpu.memref_slice %arg2[%dma_wait3A_763, %dma_wait3A_764] : memref<50000x16xf32, #tpu.memory_space<hbm>> -> memref<50000x16xf32, #tpu.memory_space<hbm>>
        tpu.wait_indirect_dma semaphore(%arg9 : memref<!tpu.dma_semaphore, #tpu.memory_space<semaphore_mem>>) src(%dma_wait3A_765 : memref<50000x16xf32, #tpu.memory_space<hbm>>) dst(%dma_wait3A_759 : memref<128x16xf32, #tpu.memory_space<vmem>>)
        %dma_wait3A_766 = arith.constant 15 : i32
        %dma_wait3A_767 = arith.constant 1920 : i32
        %dma_wait3A_768 = arith.constant 0 : i32
        %dma_wait3A_769 = tpu.memref_slice %arg8[%dma_wait3A_767, %dma_wait3A_768] : memref<2560x16xf32, #tpu.memory_space<vmem>> -> memref<128x16xf32, #tpu.memory_space<vmem>>
        %dma_wait3A_770 = arith.constant 0 : i32
        %dma_wait3A_771 = tpu.memref_slice %arg7[%dma_wait3A_766, %dma_wait3A_770] : memref<20x128xi32, #tpu.memory_space<vmem>> -> memref<1x128xi32, #tpu.memory_space<vmem>>
        %dma_wait3A_772 = tpu.memref_squeeze %dma_wait3A_771 : memref<1x128xi32, #tpu.memory_space<vmem>> -> memref<128xi32, #tpu.memory_space<vmem>>
        %dma_wait3A_773 = arith.constant 0 : i32
        %dma_wait3A_774 = arith.constant 0 : i32
        %dma_wait3A_775 = tpu.memref_slice %arg2[%dma_wait3A_773, %dma_wait3A_774] : memref<50000x16xf32, #tpu.memory_space<hbm>> -> memref<50000x16xf32, #tpu.memory_space<hbm>>
        tpu.wait_indirect_dma semaphore(%arg9 : memref<!tpu.dma_semaphore, #tpu.memory_space<semaphore_mem>>) src(%dma_wait3A_775 : memref<50000x16xf32, #tpu.memory_space<hbm>>) dst(%dma_wait3A_769 : memref<128x16xf32, #tpu.memory_space<vmem>>)
        %dma_wait3A_776 = arith.constant 16 : i32
        %dma_wait3A_777 = arith.constant 2048 : i32
        %dma_wait3A_778 = arith.constant 0 : i32
        %dma_wait3A_779 = tpu.memref_slice %arg8[%dma_wait3A_777, %dma_wait3A_778] : memref<2560x16xf32, #tpu.memory_space<vmem>> -> memref<128x16xf32, #tpu.memory_space<vmem>>
        %dma_wait3A_780 = arith.constant 0 : i32
        %dma_wait3A_781 = tpu.memref_slice %arg7[%dma_wait3A_776, %dma_wait3A_780] : memref<20x128xi32, #tpu.memory_space<vmem>> -> memref<1x128xi32, #tpu.memory_space<vmem>>
        %dma_wait3A_782 = tpu.memref_squeeze %dma_wait3A_781 : memref<1x128xi32, #tpu.memory_space<vmem>> -> memref<128xi32, #tpu.memory_space<vmem>>
        %dma_wait3A_783 = arith.constant 0 : i32
        %dma_wait3A_784 = arith.constant 0 : i32
        %dma_wait3A_785 = tpu.memref_slice %arg2[%dma_wait3A_783, %dma_wait3A_784] : memref<50000x16xf32, #tpu.memory_space<hbm>> -> memref<50000x16xf32, #tpu.memory_space<hbm>>
        tpu.wait_indirect_dma semaphore(%arg9 : memref<!tpu.dma_semaphore, #tpu.memory_space<semaphore_mem>>) src(%dma_wait3A_785 : memref<50000x16xf32, #tpu.memory_space<hbm>>) dst(%dma_wait3A_779 : memref<128x16xf32, #tpu.memory_space<vmem>>)
        %dma_wait3A_786 = arith.constant 17 : i32
        %dma_wait3A_787 = arith.constant 2176 : i32
        %dma_wait3A_788 = arith.constant 0 : i32
        %dma_wait3A_789 = tpu.memref_slice %arg8[%dma_wait3A_787, %dma_wait3A_788] : memref<2560x16xf32, #tpu.memory_space<vmem>> -> memref<128x16xf32, #tpu.memory_space<vmem>>
        %dma_wait3A_790 = arith.constant 0 : i32
        %dma_wait3A_791 = tpu.memref_slice %arg7[%dma_wait3A_786, %dma_wait3A_790] : memref<20x128xi32, #tpu.memory_space<vmem>> -> memref<1x128xi32, #tpu.memory_space<vmem>>
        %dma_wait3A_792 = tpu.memref_squeeze %dma_wait3A_791 : memref<1x128xi32, #tpu.memory_space<vmem>> -> memref<128xi32, #tpu.memory_space<vmem>>
        %dma_wait3A_793 = arith.constant 0 : i32
        %dma_wait3A_794 = arith.constant 0 : i32
        %dma_wait3A_795 = tpu.memref_slice %arg2[%dma_wait3A_793, %dma_wait3A_794] : memref<50000x16xf32, #tpu.memory_space<hbm>> -> memref<50000x16xf32, #tpu.memory_space<hbm>>
        tpu.wait_indirect_dma semaphore(%arg9 : memref<!tpu.dma_semaphore, #tpu.memory_space<semaphore_mem>>) src(%dma_wait3A_795 : memref<50000x16xf32, #tpu.memory_space<hbm>>) dst(%dma_wait3A_789 : memref<128x16xf32, #tpu.memory_space<vmem>>)
        %dma_wait3A_796 = arith.constant 18 : i32
        %dma_wait3A_797 = arith.constant 2304 : i32
        %dma_wait3A_798 = arith.constant 0 : i32
        %dma_wait3A_799 = tpu.memref_slice %arg8[%dma_wait3A_797, %dma_wait3A_798] : memref<2560x16xf32, #tpu.memory_space<vmem>> -> memref<128x16xf32, #tpu.memory_space<vmem>>
        %dma_wait3A_800 = arith.constant 0 : i32
        %dma_wait3A_801 = tpu.memref_slice %arg7[%dma_wait3A_796, %dma_wait3A_800] : memref<20x128xi32, #tpu.memory_space<vmem>> -> memref<1x128xi32, #tpu.memory_space<vmem>>
        %dma_wait3A_802 = tpu.memref_squeeze %dma_wait3A_801 : memref<1x128xi32, #tpu.memory_space<vmem>> -> memref<128xi32, #tpu.memory_space<vmem>>
        %dma_wait3A_803 = arith.constant 0 : i32
        %dma_wait3A_804 = arith.constant 0 : i32
        %dma_wait3A_805 = tpu.memref_slice %arg2[%dma_wait3A_803, %dma_wait3A_804] : memref<50000x16xf32, #tpu.memory_space<hbm>> -> memref<50000x16xf32, #tpu.memory_space<hbm>>
        tpu.wait_indirect_dma semaphore(%arg9 : memref<!tpu.dma_semaphore, #tpu.memory_space<semaphore_mem>>) src(%dma_wait3A_805 : memref<50000x16xf32, #tpu.memory_space<hbm>>) dst(%dma_wait3A_799 : memref<128x16xf32, #tpu.memory_space<vmem>>)
        %dma_wait3A_806 = arith.constant 19 : i32
        %dma_wait3A_807 = arith.constant 2432 : i32
        %dma_wait3A_808 = arith.constant 0 : i32
        %dma_wait3A_809 = tpu.memref_slice %arg8[%dma_wait3A_807, %dma_wait3A_808] : memref<2560x16xf32, #tpu.memory_space<vmem>> -> memref<128x16xf32, #tpu.memory_space<vmem>>
        %dma_wait3A_810 = arith.constant 0 : i32
        %dma_wait3A_811 = tpu.memref_slice %arg7[%dma_wait3A_806, %dma_wait3A_810] : memref<20x128xi32, #tpu.memory_space<vmem>> -> memref<1x128xi32, #tpu.memory_space<vmem>>
        %dma_wait3A_812 = tpu.memref_squeeze %dma_wait3A_811 : memref<1x128xi32, #tpu.memory_space<vmem>> -> memref<128xi32, #tpu.memory_space<vmem>>
        %dma_wait3A_813 = arith.constant 0 : i32
        %dma_wait3A_814 = arith.constant 0 : i32
        %dma_wait3A_815 = tpu.memref_slice %arg2[%dma_wait3A_813, %dma_wait3A_814] : memref<50000x16xf32, #tpu.memory_space<hbm>> -> memref<50000x16xf32, #tpu.memory_space<hbm>>
        tpu.wait_indirect_dma semaphore(%arg9 : memref<!tpu.dma_semaphore, #tpu.memory_space<semaphore_mem>>) src(%dma_wait3A_815 : memref<50000x16xf32, #tpu.memory_space<hbm>>) dst(%dma_wait3A_809 : memref<128x16xf32, #tpu.memory_space<vmem>>)
        %mul3A_816 = arith.constant 2560 : i32
        %mul3A_817 = arith.muli %add3A_9, %mul3A_816 : i32
        "tpu.region"() ({
          %run_scoped3A = tpu.sem_alloc : memref<!tpu.dma_semaphore, #tpu.memory_space<semaphore_mem>>
          %dma_start3A_818 = arith.constant 0 : i32
          %dma_start3A_819 = tpu.memref_slice %arg6[%mul3A_817, %dma_start3A_818] : memref<1600000x16xf32, #tpu.memory_space<hbm>> -> memref<2560x16xf32, #tpu.memory_space<hbm>>
          %dma_start3A_820 = arith.constant 0 : i32
          %dma_start3A_821 = tpu.memref_slice %arg6[%mul3A_817, %dma_start3A_820] : memref<1600000x16xf32, #tpu.memory_space<hbm>> -> memref<2560x16xf32, #tpu.memory_space<hbm>>
          tpu.enqueue_dma source(%arg8 : memref<2560x16xf32, #tpu.memory_space<vmem>>) target(%dma_start3A_821 : memref<2560x16xf32, #tpu.memory_space<hbm>>) target_semaphore(%run_scoped3A : memref<!tpu.dma_semaphore, #tpu.memory_space<semaphore_mem>>)
          %dma_wait3A_822 = arith.constant 0 : i32
          %dma_wait3A_823 = tpu.memref_slice %arg6[%mul3A_817, %dma_wait3A_822] : memref<1600000x16xf32, #tpu.memory_space<hbm>> -> memref<2560x16xf32, #tpu.memory_space<hbm>>
          %dma_wait3A_824 = arith.constant 0 : i32
          %dma_wait3A_825 = tpu.memref_slice %arg6[%mul3A_817, %dma_wait3A_824] : memref<1600000x16xf32, #tpu.memory_space<hbm>> -> memref<2560x16xf32, #tpu.memory_space<hbm>>
          tpu.wait_dma2 semaphore(%run_scoped3A : memref<!tpu.dma_semaphore, #tpu.memory_space<semaphore_mem>>) src(%arg8 : memref<2560x16xf32, #tpu.memory_space<vmem>>) dst(%dma_wait3A_825 : memref<2560x16xf32, #tpu.memory_space<hbm>>)
          tpu.yield
        }) : () -> ()
      } else {
      }
    }
    %scan3A_5 = arith.constant 20 : i32
    return
  }
}

#map = affine_map<(d0, d1) -> (0, 0)>
module attributes {stable_mosaic.version = 14 : i64} {
  func.func @_scatter_body(%arg0: i32, %arg1: i32, %arg2: memref<12500x128xi32, #tpu.memory_space<hbm>>, %arg3: memref<12500x128xi32, #tpu.memory_space<hbm>>, %arg4: memref<1600000x64xf32, #tpu.memory_space<hbm>>, %arg5: memref<50000x32xf32, #tpu.memory_space<hbm>>, %arg6: memref<50000x64xf32, #tpu.memory_space<hbm>>, %arg7: memref<50000x64xf32, #tpu.memory_space<hbm>>, %arg8: memref<50000x32xf32, #tpu.memory_space<vmem_shared>>, %arg9: memref<5x128xi32, #tpu.memory_space<vmem>>, %arg10: memref<640x32xf32, #tpu.memory_space<vmem>>) attributes {dimension_semantics = [#tpu.dimension_semantics<core_parallel>, #tpu.dimension_semantics<subcore_parallel>], iteration_bounds = array<i64: 2, 16>, scalar_prefetch = 0 : i64, scratch_operands = 3 : i64, tpu.core_type = #tpu.core_type<sc_vector_subcore>, window_params = [{transform_indices = #map}, {transform_indices = #map}, {transform_indices = #map}, {transform_indices = #map}, {transform_indices = #map}, {transform_indices = #map}]} {
    %mul3A = arith.constant 2 : i32
    %mul3A_0 = arith.muli %arg1, %mul3A : i32
    %add3A = arith.addi %mul3A_0, %arg0 : i32
    %mul3A_1 = arith.constant 32 : i32
    %mul3A_2 = arith.muli %arg0, %mul3A_1 : i32
    %mul3A_3 = arith.constant 3125 : i32
    %mul3A_4 = arith.muli %arg1, %mul3A_3 : i32
    %mul3A_5 = arith.constant 3125 : i32
    %mul3A_6 = arith.muli %arg1, %mul3A_5 : i32
    "tpu.region"() ({
      %run_scoped3A = tpu.sem_alloc : memref<!tpu.dma_semaphore, #tpu.memory_space<semaphore_mem>>
      %dma_start3A = arith.constant 0 : i32
      %dma_start3A_35 = tpu.memref_slice %arg8[%mul3A_6, %dma_start3A] : memref<50000x32xf32, #tpu.memory_space<vmem_shared>> -> memref<3125x32xf32, #tpu.memory_space<vmem_shared>>
      %dma_start3A_36 = arith.constant 0 : i32
      %dma_start3A_37 = tpu.memref_slice %arg5[%mul3A_4, %dma_start3A_36] : memref<50000x32xf32, #tpu.memory_space<hbm>> -> memref<3125x32xf32, #tpu.memory_space<hbm>>
      tpu.enqueue_dma source(%dma_start3A_37 : memref<3125x32xf32, #tpu.memory_space<hbm>>) target(%dma_start3A_35 : memref<3125x32xf32, #tpu.memory_space<vmem_shared>>) target_semaphore(%run_scoped3A : memref<!tpu.dma_semaphore, #tpu.memory_space<semaphore_mem>>)
      %dma_wait3A = arith.constant 0 : i32
      %dma_wait3A_38 = tpu.memref_slice %arg8[%mul3A_6, %dma_wait3A] : memref<50000x32xf32, #tpu.memory_space<vmem_shared>> -> memref<3125x32xf32, #tpu.memory_space<vmem_shared>>
      %dma_wait3A_39 = arith.constant 0 : i32
      %dma_wait3A_40 = tpu.memref_slice %arg5[%mul3A_4, %dma_wait3A_39] : memref<50000x32xf32, #tpu.memory_space<hbm>> -> memref<3125x32xf32, #tpu.memory_space<hbm>>
      tpu.wait_dma2 semaphore(%run_scoped3A : memref<!tpu.dma_semaphore, #tpu.memory_space<semaphore_mem>>) src(%dma_wait3A_40 : memref<3125x32xf32, #tpu.memory_space<hbm>>) dst(%dma_wait3A_38 : memref<3125x32xf32, #tpu.memory_space<vmem_shared>>)
      tpu.yield
    }) : () -> ()
    %barrier3A = arith.constant 0 : index
    tpu.barrier barrier_id(%barrier3A)
    %scan3A = arith.constant 0 : i32
    %scan3A_7 = arith.constant 0 : i32
    %scan3A_8 = arith.constant 157 : i32
    %scan3A_9 = arith.addi %scan3A_7, %scan3A_8 : i32
    %scan3A_10 = arith.constant 1 : i32
    scf.for %scan3A_35 = %scan3A_7 to %scan3A_9 step %scan3A_10  : i32 {
      %mul3A_36 = arith.constant 16 : i32
      %mul3A_37 = arith.muli %mul3A_36, %scan3A_35 : i32
      %add3A_38 = arith.addi %arg1, %mul3A_37 : i32
      %lt3A = arith.constant 2500 : i32
      %lt3A_39 = arith.cmpi slt, %add3A_38, %lt3A : i32
      %convert_element_type3A = arith.extui %lt3A_39 : i1 to i32
      %cond3A = arith.constant 0 : i32
      %cond3A_40 = arith.cmpi ne, %convert_element_type3A, %cond3A : i32
      scf.if %cond3A_40 {
        %mul3A_41 = arith.constant 5 : i32
        %mul3A_42 = arith.muli %add3A_38, %mul3A_41 : i32
        "tpu.region"() ({
          %run_scoped3A_49 = tpu.sem_alloc : memref<!tpu.dma_semaphore, #tpu.memory_space<semaphore_mem>>
          %dma_start3A = arith.constant 0 : i32
          %dma_start3A_50 = tpu.memref_slice %arg2[%mul3A_42, %dma_start3A] : memref<12500x128xi32, #tpu.memory_space<hbm>> -> memref<5x128xi32, #tpu.memory_space<hbm>>
          %dma_start3A_51 = arith.constant 0 : i32
          %dma_start3A_52 = tpu.memref_slice %arg2[%mul3A_42, %dma_start3A_51] : memref<12500x128xi32, #tpu.memory_space<hbm>> -> memref<5x128xi32, #tpu.memory_space<hbm>>
          tpu.enqueue_dma source(%dma_start3A_52 : memref<5x128xi32, #tpu.memory_space<hbm>>) target(%arg9 : memref<5x128xi32, #tpu.memory_space<vmem>>) target_semaphore(%run_scoped3A_49 : memref<!tpu.dma_semaphore, #tpu.memory_space<semaphore_mem>>)
          %dma_wait3A = arith.constant 0 : i32
          %dma_wait3A_53 = tpu.memref_slice %arg2[%mul3A_42, %dma_wait3A] : memref<12500x128xi32, #tpu.memory_space<hbm>> -> memref<5x128xi32, #tpu.memory_space<hbm>>
          %dma_wait3A_54 = arith.constant 0 : i32
          %dma_wait3A_55 = tpu.memref_slice %arg2[%mul3A_42, %dma_wait3A_54] : memref<12500x128xi32, #tpu.memory_space<hbm>> -> memref<5x128xi32, #tpu.memory_space<hbm>>
          tpu.wait_dma2 semaphore(%run_scoped3A_49 : memref<!tpu.dma_semaphore, #tpu.memory_space<semaphore_mem>>) src(%dma_wait3A_55 : memref<5x128xi32, #tpu.memory_space<hbm>>) dst(%arg9 : memref<5x128xi32, #tpu.memory_space<vmem>>)
          tpu.yield
        }) : () -> ()
        %mul3A_43 = arith.constant 640 : i32
        %mul3A_44 = arith.muli %add3A_38, %mul3A_43 : i32
        "tpu.region"() ({
          %run_scoped3A_49 = tpu.sem_alloc : memref<!tpu.dma_semaphore, #tpu.memory_space<semaphore_mem>>
          %dma_start3A = tpu.memref_slice %arg4[%mul3A_44, %mul3A_2] : memref<1600000x64xf32, #tpu.memory_space<hbm>> -> memref<640x32xf32, #tpu.memory_space<hbm>>
          %dma_start3A_50 = tpu.memref_slice %arg4[%mul3A_44, %mul3A_2] : memref<1600000x64xf32, #tpu.memory_space<hbm>> -> memref<640x32xf32, #tpu.memory_space<hbm>>
          tpu.enqueue_dma source(%dma_start3A_50 : memref<640x32xf32, #tpu.memory_space<hbm>>) target(%arg10 : memref<640x32xf32, #tpu.memory_space<vmem>>) target_semaphore(%run_scoped3A_49 : memref<!tpu.dma_semaphore, #tpu.memory_space<semaphore_mem>>)
          %dma_wait3A = tpu.memref_slice %arg4[%mul3A_44, %mul3A_2] : memref<1600000x64xf32, #tpu.memory_space<hbm>> -> memref<640x32xf32, #tpu.memory_space<hbm>>
          %dma_wait3A_51 = tpu.memref_slice %arg4[%mul3A_44, %mul3A_2] : memref<1600000x64xf32, #tpu.memory_space<hbm>> -> memref<640x32xf32, #tpu.memory_space<hbm>>
          tpu.wait_dma2 semaphore(%run_scoped3A_49 : memref<!tpu.dma_semaphore, #tpu.memory_space<semaphore_mem>>) src(%dma_wait3A_51 : memref<640x32xf32, #tpu.memory_space<hbm>>) dst(%arg10 : memref<640x32xf32, #tpu.memory_space<vmem>>)
          tpu.yield
        }) : () -> ()
        %run_scoped3A = arith.constant 0 : i32
        "tpu.region"() ({
          %run_scoped3A_49 = tpu.sem_alloc : memref<!tpu.dma_semaphore, #tpu.memory_space<semaphore_mem>>
          %dma_start3A = arith.constant 0 : i32
          %dma_start3A_50 = arith.constant 0 : i32
          %dma_start3A_51 = tpu.memref_slice %arg10[%dma_start3A, %dma_start3A_50] : memref<640x32xf32, #tpu.memory_space<vmem>> -> memref<128x32xf32, #tpu.memory_space<vmem>>
          %dma_start3A_52 = arith.constant 0 : i32
          %dma_start3A_53 = tpu.memref_slice %arg9[%run_scoped3A, %dma_start3A_52] : memref<5x128xi32, #tpu.memory_space<vmem>> -> memref<1x128xi32, #tpu.memory_space<vmem>>
          %dma_start3A_54 = tpu.memref_squeeze %dma_start3A_53 : memref<1x128xi32, #tpu.memory_space<vmem>> -> memref<128xi32, #tpu.memory_space<vmem>>
          %dma_start3A_55 = arith.constant 0 : i32
          %dma_start3A_56 = arith.constant 0 : i32
          %dma_start3A_57 = tpu.memref_slice %arg8[%dma_start3A_55, %dma_start3A_56] : memref<50000x32xf32, #tpu.memory_space<vmem_shared>> -> memref<50000x32xf32, #tpu.memory_space<vmem_shared>>
          tpu.enqueue_indirect_dma source(%dma_start3A_51 : memref<128x32xf32, #tpu.memory_space<vmem>>) target(%dma_start3A_57 : memref<50000x32xf32, #tpu.memory_space<vmem_shared>>) offsets(%dma_start3A_54 : memref<128xi32, #tpu.memory_space<vmem>>) semaphore(%run_scoped3A_49 : memref<!tpu.dma_semaphore, #tpu.memory_space<semaphore_mem>>) {add = true}
          %dma_wait3A = arith.constant 0 : i32
          %dma_wait3A_58 = arith.constant 0 : i32
          %dma_wait3A_59 = tpu.memref_slice %arg10[%dma_wait3A, %dma_wait3A_58] : memref<640x32xf32, #tpu.memory_space<vmem>> -> memref<128x32xf32, #tpu.memory_space<vmem>>
          %dma_wait3A_60 = arith.constant 0 : i32
          %dma_wait3A_61 = tpu.memref_slice %arg9[%run_scoped3A, %dma_wait3A_60] : memref<5x128xi32, #tpu.memory_space<vmem>> -> memref<1x128xi32, #tpu.memory_space<vmem>>
          %dma_wait3A_62 = tpu.memref_squeeze %dma_wait3A_61 : memref<1x128xi32, #tpu.memory_space<vmem>> -> memref<128xi32, #tpu.memory_space<vmem>>
          %dma_wait3A_63 = arith.constant 0 : i32
          %dma_wait3A_64 = arith.constant 0 : i32
          %dma_wait3A_65 = tpu.memref_slice %arg8[%dma_wait3A_63, %dma_wait3A_64] : memref<50000x32xf32, #tpu.memory_space<vmem_shared>> -> memref<50000x32xf32, #tpu.memory_space<vmem_shared>>
          tpu.wait_indirect_dma semaphore(%run_scoped3A_49 : memref<!tpu.dma_semaphore, #tpu.memory_space<semaphore_mem>>) src(%dma_wait3A_59 : memref<128x32xf32, #tpu.memory_space<vmem>>) dst(%dma_wait3A_65 : memref<50000x32xf32, #tpu.memory_space<vmem_shared>>)
          tpu.yield
        }) : () -> ()
        %run_scoped3A_45 = arith.constant 1 : i32
        "tpu.region"() ({
          %run_scoped3A_49 = tpu.sem_alloc : memref<!tpu.dma_semaphore, #tpu.memory_space<semaphore_mem>>
          %dma_start3A = arith.constant 128 : i32
          %dma_start3A_50 = arith.constant 0 : i32
          %dma_start3A_51 = tpu.memref_slice %arg10[%dma_start3A, %dma_start3A_50] : memref<640x32xf32, #tpu.memory_space<vmem>> -> memref<128x32xf32, #tpu.memory_space<vmem>>
          %dma_start3A_52 = arith.constant 0 : i32
          %dma_start3A_53 = tpu.memref_slice %arg9[%run_scoped3A_45, %dma_start3A_52] : memref<5x128xi32, #tpu.memory_space<vmem>> -> memref<1x128xi32, #tpu.memory_space<vmem>>
          %dma_start3A_54 = tpu.memref_squeeze %dma_start3A_53 : memref<1x128xi32, #tpu.memory_space<vmem>> -> memref<128xi32, #tpu.memory_space<vmem>>
          %dma_start3A_55 = arith.constant 0 : i32
          %dma_start3A_56 = arith.constant 0 : i32
          %dma_start3A_57 = tpu.memref_slice %arg8[%dma_start3A_55, %dma_start3A_56] : memref<50000x32xf32, #tpu.memory_space<vmem_shared>> -> memref<50000x32xf32, #tpu.memory_space<vmem_shared>>
          tpu.enqueue_indirect_dma source(%dma_start3A_51 : memref<128x32xf32, #tpu.memory_space<vmem>>) target(%dma_start3A_57 : memref<50000x32xf32, #tpu.memory_space<vmem_shared>>) offsets(%dma_start3A_54 : memref<128xi32, #tpu.memory_space<vmem>>) semaphore(%run_scoped3A_49 : memref<!tpu.dma_semaphore, #tpu.memory_space<semaphore_mem>>) {add = true}
          %dma_wait3A = arith.constant 128 : i32
          %dma_wait3A_58 = arith.constant 0 : i32
          %dma_wait3A_59 = tpu.memref_slice %arg10[%dma_wait3A, %dma_wait3A_58] : memref<640x32xf32, #tpu.memory_space<vmem>> -> memref<128x32xf32, #tpu.memory_space<vmem>>
          %dma_wait3A_60 = arith.constant 0 : i32
          %dma_wait3A_61 = tpu.memref_slice %arg9[%run_scoped3A_45, %dma_wait3A_60] : memref<5x128xi32, #tpu.memory_space<vmem>> -> memref<1x128xi32, #tpu.memory_space<vmem>>
          %dma_wait3A_62 = tpu.memref_squeeze %dma_wait3A_61 : memref<1x128xi32, #tpu.memory_space<vmem>> -> memref<128xi32, #tpu.memory_space<vmem>>
          %dma_wait3A_63 = arith.constant 0 : i32
          %dma_wait3A_64 = arith.constant 0 : i32
          %dma_wait3A_65 = tpu.memref_slice %arg8[%dma_wait3A_63, %dma_wait3A_64] : memref<50000x32xf32, #tpu.memory_space<vmem_shared>> -> memref<50000x32xf32, #tpu.memory_space<vmem_shared>>
          tpu.wait_indirect_dma semaphore(%run_scoped3A_49 : memref<!tpu.dma_semaphore, #tpu.memory_space<semaphore_mem>>) src(%dma_wait3A_59 : memref<128x32xf32, #tpu.memory_space<vmem>>) dst(%dma_wait3A_65 : memref<50000x32xf32, #tpu.memory_space<vmem_shared>>)
          tpu.yield
        }) : () -> ()
        %run_scoped3A_46 = arith.constant 2 : i32
        "tpu.region"() ({
          %run_scoped3A_49 = tpu.sem_alloc : memref<!tpu.dma_semaphore, #tpu.memory_space<semaphore_mem>>
          %dma_start3A = arith.constant 256 : i32
          %dma_start3A_50 = arith.constant 0 : i32
          %dma_start3A_51 = tpu.memref_slice %arg10[%dma_start3A, %dma_start3A_50] : memref<640x32xf32, #tpu.memory_space<vmem>> -> memref<128x32xf32, #tpu.memory_space<vmem>>
          %dma_start3A_52 = arith.constant 0 : i32
          %dma_start3A_53 = tpu.memref_slice %arg9[%run_scoped3A_46, %dma_start3A_52] : memref<5x128xi32, #tpu.memory_space<vmem>> -> memref<1x128xi32, #tpu.memory_space<vmem>>
          %dma_start3A_54 = tpu.memref_squeeze %dma_start3A_53 : memref<1x128xi32, #tpu.memory_space<vmem>> -> memref<128xi32, #tpu.memory_space<vmem>>
          %dma_start3A_55 = arith.constant 0 : i32
          %dma_start3A_56 = arith.constant 0 : i32
          %dma_start3A_57 = tpu.memref_slice %arg8[%dma_start3A_55, %dma_start3A_56] : memref<50000x32xf32, #tpu.memory_space<vmem_shared>> -> memref<50000x32xf32, #tpu.memory_space<vmem_shared>>
          tpu.enqueue_indirect_dma source(%dma_start3A_51 : memref<128x32xf32, #tpu.memory_space<vmem>>) target(%dma_start3A_57 : memref<50000x32xf32, #tpu.memory_space<vmem_shared>>) offsets(%dma_start3A_54 : memref<128xi32, #tpu.memory_space<vmem>>) semaphore(%run_scoped3A_49 : memref<!tpu.dma_semaphore, #tpu.memory_space<semaphore_mem>>) {add = true}
          %dma_wait3A = arith.constant 256 : i32
          %dma_wait3A_58 = arith.constant 0 : i32
          %dma_wait3A_59 = tpu.memref_slice %arg10[%dma_wait3A, %dma_wait3A_58] : memref<640x32xf32, #tpu.memory_space<vmem>> -> memref<128x32xf32, #tpu.memory_space<vmem>>
          %dma_wait3A_60 = arith.constant 0 : i32
          %dma_wait3A_61 = tpu.memref_slice %arg9[%run_scoped3A_46, %dma_wait3A_60] : memref<5x128xi32, #tpu.memory_space<vmem>> -> memref<1x128xi32, #tpu.memory_space<vmem>>
          %dma_wait3A_62 = tpu.memref_squeeze %dma_wait3A_61 : memref<1x128xi32, #tpu.memory_space<vmem>> -> memref<128xi32, #tpu.memory_space<vmem>>
          %dma_wait3A_63 = arith.constant 0 : i32
          %dma_wait3A_64 = arith.constant 0 : i32
          %dma_wait3A_65 = tpu.memref_slice %arg8[%dma_wait3A_63, %dma_wait3A_64] : memref<50000x32xf32, #tpu.memory_space<vmem_shared>> -> memref<50000x32xf32, #tpu.memory_space<vmem_shared>>
          tpu.wait_indirect_dma semaphore(%run_scoped3A_49 : memref<!tpu.dma_semaphore, #tpu.memory_space<semaphore_mem>>) src(%dma_wait3A_59 : memref<128x32xf32, #tpu.memory_space<vmem>>) dst(%dma_wait3A_65 : memref<50000x32xf32, #tpu.memory_space<vmem_shared>>)
          tpu.yield
        }) : () -> ()
        %run_scoped3A_47 = arith.constant 3 : i32
        "tpu.region"() ({
          %run_scoped3A_49 = tpu.sem_alloc : memref<!tpu.dma_semaphore, #tpu.memory_space<semaphore_mem>>
          %dma_start3A = arith.constant 384 : i32
          %dma_start3A_50 = arith.constant 0 : i32
          %dma_start3A_51 = tpu.memref_slice %arg10[%dma_start3A, %dma_start3A_50] : memref<640x32xf32, #tpu.memory_space<vmem>> -> memref<128x32xf32, #tpu.memory_space<vmem>>
          %dma_start3A_52 = arith.constant 0 : i32
          %dma_start3A_53 = tpu.memref_slice %arg9[%run_scoped3A_47, %dma_start3A_52] : memref<5x128xi32, #tpu.memory_space<vmem>> -> memref<1x128xi32, #tpu.memory_space<vmem>>
          %dma_start3A_54 = tpu.memref_squeeze %dma_start3A_53 : memref<1x128xi32, #tpu.memory_space<vmem>> -> memref<128xi32, #tpu.memory_space<vmem>>
          %dma_start3A_55 = arith.constant 0 : i32
          %dma_start3A_56 = arith.constant 0 : i32
          %dma_start3A_57 = tpu.memref_slice %arg8[%dma_start3A_55, %dma_start3A_56] : memref<50000x32xf32, #tpu.memory_space<vmem_shared>> -> memref<50000x32xf32, #tpu.memory_space<vmem_shared>>
          tpu.enqueue_indirect_dma source(%dma_start3A_51 : memref<128x32xf32, #tpu.memory_space<vmem>>) target(%dma_start3A_57 : memref<50000x32xf32, #tpu.memory_space<vmem_shared>>) offsets(%dma_start3A_54 : memref<128xi32, #tpu.memory_space<vmem>>) semaphore(%run_scoped3A_49 : memref<!tpu.dma_semaphore, #tpu.memory_space<semaphore_mem>>) {add = true}
          %dma_wait3A = arith.constant 384 : i32
          %dma_wait3A_58 = arith.constant 0 : i32
          %dma_wait3A_59 = tpu.memref_slice %arg10[%dma_wait3A, %dma_wait3A_58] : memref<640x32xf32, #tpu.memory_space<vmem>> -> memref<128x32xf32, #tpu.memory_space<vmem>>
          %dma_wait3A_60 = arith.constant 0 : i32
          %dma_wait3A_61 = tpu.memref_slice %arg9[%run_scoped3A_47, %dma_wait3A_60] : memref<5x128xi32, #tpu.memory_space<vmem>> -> memref<1x128xi32, #tpu.memory_space<vmem>>
          %dma_wait3A_62 = tpu.memref_squeeze %dma_wait3A_61 : memref<1x128xi32, #tpu.memory_space<vmem>> -> memref<128xi32, #tpu.memory_space<vmem>>
          %dma_wait3A_63 = arith.constant 0 : i32
          %dma_wait3A_64 = arith.constant 0 : i32
          %dma_wait3A_65 = tpu.memref_slice %arg8[%dma_wait3A_63, %dma_wait3A_64] : memref<50000x32xf32, #tpu.memory_space<vmem_shared>> -> memref<50000x32xf32, #tpu.memory_space<vmem_shared>>
          tpu.wait_indirect_dma semaphore(%run_scoped3A_49 : memref<!tpu.dma_semaphore, #tpu.memory_space<semaphore_mem>>) src(%dma_wait3A_59 : memref<128x32xf32, #tpu.memory_space<vmem>>) dst(%dma_wait3A_65 : memref<50000x32xf32, #tpu.memory_space<vmem_shared>>)
          tpu.yield
        }) : () -> ()
        %run_scoped3A_48 = arith.constant 4 : i32
        "tpu.region"() ({
          %run_scoped3A_49 = tpu.sem_alloc : memref<!tpu.dma_semaphore, #tpu.memory_space<semaphore_mem>>
          %dma_start3A = arith.constant 512 : i32
          %dma_start3A_50 = arith.constant 0 : i32
          %dma_start3A_51 = tpu.memref_slice %arg10[%dma_start3A, %dma_start3A_50] : memref<640x32xf32, #tpu.memory_space<vmem>> -> memref<128x32xf32, #tpu.memory_space<vmem>>
          %dma_start3A_52 = arith.constant 0 : i32
          %dma_start3A_53 = tpu.memref_slice %arg9[%run_scoped3A_48, %dma_start3A_52] : memref<5x128xi32, #tpu.memory_space<vmem>> -> memref<1x128xi32, #tpu.memory_space<vmem>>
          %dma_start3A_54 = tpu.memref_squeeze %dma_start3A_53 : memref<1x128xi32, #tpu.memory_space<vmem>> -> memref<128xi32, #tpu.memory_space<vmem>>
          %dma_start3A_55 = arith.constant 0 : i32
          %dma_start3A_56 = arith.constant 0 : i32
          %dma_start3A_57 = tpu.memref_slice %arg8[%dma_start3A_55, %dma_start3A_56] : memref<50000x32xf32, #tpu.memory_space<vmem_shared>> -> memref<50000x32xf32, #tpu.memory_space<vmem_shared>>
          tpu.enqueue_indirect_dma source(%dma_start3A_51 : memref<128x32xf32, #tpu.memory_space<vmem>>) target(%dma_start3A_57 : memref<50000x32xf32, #tpu.memory_space<vmem_shared>>) offsets(%dma_start3A_54 : memref<128xi32, #tpu.memory_space<vmem>>) semaphore(%run_scoped3A_49 : memref<!tpu.dma_semaphore, #tpu.memory_space<semaphore_mem>>) {add = true}
          %dma_wait3A = arith.constant 512 : i32
          %dma_wait3A_58 = arith.constant 0 : i32
          %dma_wait3A_59 = tpu.memref_slice %arg10[%dma_wait3A, %dma_wait3A_58] : memref<640x32xf32, #tpu.memory_space<vmem>> -> memref<128x32xf32, #tpu.memory_space<vmem>>
          %dma_wait3A_60 = arith.constant 0 : i32
          %dma_wait3A_61 = tpu.memref_slice %arg9[%run_scoped3A_48, %dma_wait3A_60] : memref<5x128xi32, #tpu.memory_space<vmem>> -> memref<1x128xi32, #tpu.memory_space<vmem>>
          %dma_wait3A_62 = tpu.memref_squeeze %dma_wait3A_61 : memref<1x128xi32, #tpu.memory_space<vmem>> -> memref<128xi32, #tpu.memory_space<vmem>>
          %dma_wait3A_63 = arith.constant 0 : i32
          %dma_wait3A_64 = arith.constant 0 : i32
          %dma_wait3A_65 = tpu.memref_slice %arg8[%dma_wait3A_63, %dma_wait3A_64] : memref<50000x32xf32, #tpu.memory_space<vmem_shared>> -> memref<50000x32xf32, #tpu.memory_space<vmem_shared>>
          tpu.wait_indirect_dma semaphore(%run_scoped3A_49 : memref<!tpu.dma_semaphore, #tpu.memory_space<semaphore_mem>>) src(%dma_wait3A_59 : memref<128x32xf32, #tpu.memory_space<vmem>>) dst(%dma_wait3A_65 : memref<50000x32xf32, #tpu.memory_space<vmem_shared>>)
          tpu.yield
        }) : () -> ()
      } else {
      }
    }
    %scan3A_11 = arith.constant 157 : i32
    %barrier3A_12 = arith.constant 0 : index
    tpu.barrier barrier_id(%barrier3A_12)
    %mul3A_13 = arith.constant 3125 : i32
    %mul3A_14 = arith.muli %arg1, %mul3A_13 : i32
    %mul3A_15 = arith.constant 3125 : i32
    %mul3A_16 = arith.muli %arg1, %mul3A_15 : i32
    "tpu.region"() ({
      %run_scoped3A = tpu.sem_alloc : memref<!tpu.dma_semaphore, #tpu.memory_space<semaphore_mem>>
      %dma_start3A = tpu.memref_slice %arg6[%mul3A_16, %mul3A_2] : memref<50000x64xf32, #tpu.memory_space<hbm>> -> memref<3125x32xf32, #tpu.memory_space<hbm>>
      %dma_start3A_35 = arith.constant 0 : i32
      %dma_start3A_36 = tpu.memref_slice %arg8[%mul3A_14, %dma_start3A_35] : memref<50000x32xf32, #tpu.memory_space<vmem_shared>> -> memref<3125x32xf32, #tpu.memory_space<vmem_shared>>
      tpu.enqueue_dma source(%dma_start3A_36 : memref<3125x32xf32, #tpu.memory_space<vmem_shared>>) target(%dma_start3A : memref<3125x32xf32, #tpu.memory_space<hbm>>) target_semaphore(%run_scoped3A : memref<!tpu.dma_semaphore, #tpu.memory_space<semaphore_mem>>)
      %dma_wait3A = tpu.memref_slice %arg6[%mul3A_16, %mul3A_2] : memref<50000x64xf32, #tpu.memory_space<hbm>> -> memref<3125x32xf32, #tpu.memory_space<hbm>>
      %dma_wait3A_37 = arith.constant 0 : i32
      %dma_wait3A_38 = tpu.memref_slice %arg8[%mul3A_14, %dma_wait3A_37] : memref<50000x32xf32, #tpu.memory_space<vmem_shared>> -> memref<3125x32xf32, #tpu.memory_space<vmem_shared>>
      tpu.wait_dma2 semaphore(%run_scoped3A : memref<!tpu.dma_semaphore, #tpu.memory_space<semaphore_mem>>) src(%dma_wait3A_38 : memref<3125x32xf32, #tpu.memory_space<vmem_shared>>) dst(%dma_wait3A : memref<3125x32xf32, #tpu.memory_space<hbm>>)
      tpu.yield
    }) : () -> ()
    %barrier3A_17 = arith.constant 0 : index
    tpu.barrier barrier_id(%barrier3A_17)
    %mul3A_18 = arith.constant 3125 : i32
    %mul3A_19 = arith.muli %arg1, %mul3A_18 : i32
    %mul3A_20 = arith.constant 3125 : i32
    %mul3A_21 = arith.muli %arg1, %mul3A_20 : i32
    "tpu.region"() ({
      %run_scoped3A = tpu.sem_alloc : memref<!tpu.dma_semaphore, #tpu.memory_space<semaphore_mem>>
      %dma_start3A = arith.constant 0 : i32
      %dma_start3A_35 = tpu.memref_slice %arg8[%mul3A_21, %dma_start3A] : memref<50000x32xf32, #tpu.memory_space<vmem_shared>> -> memref<3125x32xf32, #tpu.memory_space<vmem_shared>>
      %dma_start3A_36 = arith.constant 0 : i32
      %dma_start3A_37 = tpu.memref_slice %arg5[%mul3A_19, %dma_start3A_36] : memref<50000x32xf32, #tpu.memory_space<hbm>> -> memref<3125x32xf32, #tpu.memory_space<hbm>>
      tpu.enqueue_dma source(%dma_start3A_37 : memref<3125x32xf32, #tpu.memory_space<hbm>>) target(%dma_start3A_35 : memref<3125x32xf32, #tpu.memory_space<vmem_shared>>) target_semaphore(%run_scoped3A : memref<!tpu.dma_semaphore, #tpu.memory_space<semaphore_mem>>)
      %dma_wait3A = arith.constant 0 : i32
      %dma_wait3A_38 = tpu.memref_slice %arg8[%mul3A_21, %dma_wait3A] : memref<50000x32xf32, #tpu.memory_space<vmem_shared>> -> memref<3125x32xf32, #tpu.memory_space<vmem_shared>>
      %dma_wait3A_39 = arith.constant 0 : i32
      %dma_wait3A_40 = tpu.memref_slice %arg5[%mul3A_19, %dma_wait3A_39] : memref<50000x32xf32, #tpu.memory_space<hbm>> -> memref<3125x32xf32, #tpu.memory_space<hbm>>
      tpu.wait_dma2 semaphore(%run_scoped3A : memref<!tpu.dma_semaphore, #tpu.memory_space<semaphore_mem>>) src(%dma_wait3A_40 : memref<3125x32xf32, #tpu.memory_space<hbm>>) dst(%dma_wait3A_38 : memref<3125x32xf32, #tpu.memory_space<vmem_shared>>)
      tpu.yield
    }) : () -> ()
    %barrier3A_22 = arith.constant 0 : index
    tpu.barrier barrier_id(%barrier3A_22)
    %scan3A_23 = arith.constant 0 : i32
    %scan3A_24 = arith.constant 0 : i32
    %scan3A_25 = arith.constant 157 : i32
    %scan3A_26 = arith.addi %scan3A_24, %scan3A_25 : i32
    %scan3A_27 = arith.constant 1 : i32
    scf.for %scan3A_35 = %scan3A_24 to %scan3A_26 step %scan3A_27  : i32 {
      %mul3A_36 = arith.constant 16 : i32
      %mul3A_37 = arith.muli %mul3A_36, %scan3A_35 : i32
      %add3A_38 = arith.addi %arg1, %mul3A_37 : i32
      %lt3A = arith.constant 2500 : i32
      %lt3A_39 = arith.cmpi slt, %add3A_38, %lt3A : i32
      %convert_element_type3A = arith.extui %lt3A_39 : i1 to i32
      %cond3A = arith.constant 0 : i32
      %cond3A_40 = arith.cmpi ne, %convert_element_type3A, %cond3A : i32
      scf.if %cond3A_40 {
        %mul3A_41 = arith.constant 5 : i32
        %mul3A_42 = arith.muli %add3A_38, %mul3A_41 : i32
        "tpu.region"() ({
          %run_scoped3A_49 = tpu.sem_alloc : memref<!tpu.dma_semaphore, #tpu.memory_space<semaphore_mem>>
          %dma_start3A = arith.constant 0 : i32
          %dma_start3A_50 = tpu.memref_slice %arg3[%mul3A_42, %dma_start3A] : memref<12500x128xi32, #tpu.memory_space<hbm>> -> memref<5x128xi32, #tpu.memory_space<hbm>>
          %dma_start3A_51 = arith.constant 0 : i32
          %dma_start3A_52 = tpu.memref_slice %arg3[%mul3A_42, %dma_start3A_51] : memref<12500x128xi32, #tpu.memory_space<hbm>> -> memref<5x128xi32, #tpu.memory_space<hbm>>
          tpu.enqueue_dma source(%dma_start3A_52 : memref<5x128xi32, #tpu.memory_space<hbm>>) target(%arg9 : memref<5x128xi32, #tpu.memory_space<vmem>>) target_semaphore(%run_scoped3A_49 : memref<!tpu.dma_semaphore, #tpu.memory_space<semaphore_mem>>)
          %dma_wait3A = arith.constant 0 : i32
          %dma_wait3A_53 = tpu.memref_slice %arg3[%mul3A_42, %dma_wait3A] : memref<12500x128xi32, #tpu.memory_space<hbm>> -> memref<5x128xi32, #tpu.memory_space<hbm>>
          %dma_wait3A_54 = arith.constant 0 : i32
          %dma_wait3A_55 = tpu.memref_slice %arg3[%mul3A_42, %dma_wait3A_54] : memref<12500x128xi32, #tpu.memory_space<hbm>> -> memref<5x128xi32, #tpu.memory_space<hbm>>
          tpu.wait_dma2 semaphore(%run_scoped3A_49 : memref<!tpu.dma_semaphore, #tpu.memory_space<semaphore_mem>>) src(%dma_wait3A_55 : memref<5x128xi32, #tpu.memory_space<hbm>>) dst(%arg9 : memref<5x128xi32, #tpu.memory_space<vmem>>)
          tpu.yield
        }) : () -> ()
        %mul3A_43 = arith.constant 640 : i32
        %mul3A_44 = arith.muli %add3A_38, %mul3A_43 : i32
        "tpu.region"() ({
          %run_scoped3A_49 = tpu.sem_alloc : memref<!tpu.dma_semaphore, #tpu.memory_space<semaphore_mem>>
          %dma_start3A = tpu.memref_slice %arg4[%mul3A_44, %mul3A_2] : memref<1600000x64xf32, #tpu.memory_space<hbm>> -> memref<640x32xf32, #tpu.memory_space<hbm>>
          %dma_start3A_50 = tpu.memref_slice %arg4[%mul3A_44, %mul3A_2] : memref<1600000x64xf32, #tpu.memory_space<hbm>> -> memref<640x32xf32, #tpu.memory_space<hbm>>
          tpu.enqueue_dma source(%dma_start3A_50 : memref<640x32xf32, #tpu.memory_space<hbm>>) target(%arg10 : memref<640x32xf32, #tpu.memory_space<vmem>>) target_semaphore(%run_scoped3A_49 : memref<!tpu.dma_semaphore, #tpu.memory_space<semaphore_mem>>)
          %dma_wait3A = tpu.memref_slice %arg4[%mul3A_44, %mul3A_2] : memref<1600000x64xf32, #tpu.memory_space<hbm>> -> memref<640x32xf32, #tpu.memory_space<hbm>>
          %dma_wait3A_51 = tpu.memref_slice %arg4[%mul3A_44, %mul3A_2] : memref<1600000x64xf32, #tpu.memory_space<hbm>> -> memref<640x32xf32, #tpu.memory_space<hbm>>
          tpu.wait_dma2 semaphore(%run_scoped3A_49 : memref<!tpu.dma_semaphore, #tpu.memory_space<semaphore_mem>>) src(%dma_wait3A_51 : memref<640x32xf32, #tpu.memory_space<hbm>>) dst(%arg10 : memref<640x32xf32, #tpu.memory_space<vmem>>)
          tpu.yield
        }) : () -> ()
        %run_scoped3A = arith.constant 0 : i32
        "tpu.region"() ({
          %run_scoped3A_49 = tpu.sem_alloc : memref<!tpu.dma_semaphore, #tpu.memory_space<semaphore_mem>>
          %dma_start3A = arith.constant 0 : i32
          %dma_start3A_50 = arith.constant 0 : i32
          %dma_start3A_51 = tpu.memref_slice %arg10[%dma_start3A, %dma_start3A_50] : memref<640x32xf32, #tpu.memory_space<vmem>> -> memref<128x32xf32, #tpu.memory_space<vmem>>
          %dma_start3A_52 = arith.constant 0 : i32
          %dma_start3A_53 = tpu.memref_slice %arg9[%run_scoped3A, %dma_start3A_52] : memref<5x128xi32, #tpu.memory_space<vmem>> -> memref<1x128xi32, #tpu.memory_space<vmem>>
          %dma_start3A_54 = tpu.memref_squeeze %dma_start3A_53 : memref<1x128xi32, #tpu.memory_space<vmem>> -> memref<128xi32, #tpu.memory_space<vmem>>
          %dma_start3A_55 = arith.constant 0 : i32
          %dma_start3A_56 = arith.constant 0 : i32
          %dma_start3A_57 = tpu.memref_slice %arg8[%dma_start3A_55, %dma_start3A_56] : memref<50000x32xf32, #tpu.memory_space<vmem_shared>> -> memref<50000x32xf32, #tpu.memory_space<vmem_shared>>
          tpu.enqueue_indirect_dma source(%dma_start3A_51 : memref<128x32xf32, #tpu.memory_space<vmem>>) target(%dma_start3A_57 : memref<50000x32xf32, #tpu.memory_space<vmem_shared>>) offsets(%dma_start3A_54 : memref<128xi32, #tpu.memory_space<vmem>>) semaphore(%run_scoped3A_49 : memref<!tpu.dma_semaphore, #tpu.memory_space<semaphore_mem>>) {add = true}
          %dma_wait3A = arith.constant 0 : i32
          %dma_wait3A_58 = arith.constant 0 : i32
          %dma_wait3A_59 = tpu.memref_slice %arg10[%dma_wait3A, %dma_wait3A_58] : memref<640x32xf32, #tpu.memory_space<vmem>> -> memref<128x32xf32, #tpu.memory_space<vmem>>
          %dma_wait3A_60 = arith.constant 0 : i32
          %dma_wait3A_61 = tpu.memref_slice %arg9[%run_scoped3A, %dma_wait3A_60] : memref<5x128xi32, #tpu.memory_space<vmem>> -> memref<1x128xi32, #tpu.memory_space<vmem>>
          %dma_wait3A_62 = tpu.memref_squeeze %dma_wait3A_61 : memref<1x128xi32, #tpu.memory_space<vmem>> -> memref<128xi32, #tpu.memory_space<vmem>>
          %dma_wait3A_63 = arith.constant 0 : i32
          %dma_wait3A_64 = arith.constant 0 : i32
          %dma_wait3A_65 = tpu.memref_slice %arg8[%dma_wait3A_63, %dma_wait3A_64] : memref<50000x32xf32, #tpu.memory_space<vmem_shared>> -> memref<50000x32xf32, #tpu.memory_space<vmem_shared>>
          tpu.wait_indirect_dma semaphore(%run_scoped3A_49 : memref<!tpu.dma_semaphore, #tpu.memory_space<semaphore_mem>>) src(%dma_wait3A_59 : memref<128x32xf32, #tpu.memory_space<vmem>>) dst(%dma_wait3A_65 : memref<50000x32xf32, #tpu.memory_space<vmem_shared>>)
          tpu.yield
        }) : () -> ()
        %run_scoped3A_45 = arith.constant 1 : i32
        "tpu.region"() ({
          %run_scoped3A_49 = tpu.sem_alloc : memref<!tpu.dma_semaphore, #tpu.memory_space<semaphore_mem>>
          %dma_start3A = arith.constant 128 : i32
          %dma_start3A_50 = arith.constant 0 : i32
          %dma_start3A_51 = tpu.memref_slice %arg10[%dma_start3A, %dma_start3A_50] : memref<640x32xf32, #tpu.memory_space<vmem>> -> memref<128x32xf32, #tpu.memory_space<vmem>>
          %dma_start3A_52 = arith.constant 0 : i32
          %dma_start3A_53 = tpu.memref_slice %arg9[%run_scoped3A_45, %dma_start3A_52] : memref<5x128xi32, #tpu.memory_space<vmem>> -> memref<1x128xi32, #tpu.memory_space<vmem>>
          %dma_start3A_54 = tpu.memref_squeeze %dma_start3A_53 : memref<1x128xi32, #tpu.memory_space<vmem>> -> memref<128xi32, #tpu.memory_space<vmem>>
          %dma_start3A_55 = arith.constant 0 : i32
          %dma_start3A_56 = arith.constant 0 : i32
          %dma_start3A_57 = tpu.memref_slice %arg8[%dma_start3A_55, %dma_start3A_56] : memref<50000x32xf32, #tpu.memory_space<vmem_shared>> -> memref<50000x32xf32, #tpu.memory_space<vmem_shared>>
          tpu.enqueue_indirect_dma source(%dma_start3A_51 : memref<128x32xf32, #tpu.memory_space<vmem>>) target(%dma_start3A_57 : memref<50000x32xf32, #tpu.memory_space<vmem_shared>>) offsets(%dma_start3A_54 : memref<128xi32, #tpu.memory_space<vmem>>) semaphore(%run_scoped3A_49 : memref<!tpu.dma_semaphore, #tpu.memory_space<semaphore_mem>>) {add = true}
          %dma_wait3A = arith.constant 128 : i32
          %dma_wait3A_58 = arith.constant 0 : i32
          %dma_wait3A_59 = tpu.memref_slice %arg10[%dma_wait3A, %dma_wait3A_58] : memref<640x32xf32, #tpu.memory_space<vmem>> -> memref<128x32xf32, #tpu.memory_space<vmem>>
          %dma_wait3A_60 = arith.constant 0 : i32
          %dma_wait3A_61 = tpu.memref_slice %arg9[%run_scoped3A_45, %dma_wait3A_60] : memref<5x128xi32, #tpu.memory_space<vmem>> -> memref<1x128xi32, #tpu.memory_space<vmem>>
          %dma_wait3A_62 = tpu.memref_squeeze %dma_wait3A_61 : memref<1x128xi32, #tpu.memory_space<vmem>> -> memref<128xi32, #tpu.memory_space<vmem>>
          %dma_wait3A_63 = arith.constant 0 : i32
          %dma_wait3A_64 = arith.constant 0 : i32
          %dma_wait3A_65 = tpu.memref_slice %arg8[%dma_wait3A_63, %dma_wait3A_64] : memref<50000x32xf32, #tpu.memory_space<vmem_shared>> -> memref<50000x32xf32, #tpu.memory_space<vmem_shared>>
          tpu.wait_indirect_dma semaphore(%run_scoped3A_49 : memref<!tpu.dma_semaphore, #tpu.memory_space<semaphore_mem>>) src(%dma_wait3A_59 : memref<128x32xf32, #tpu.memory_space<vmem>>) dst(%dma_wait3A_65 : memref<50000x32xf32, #tpu.memory_space<vmem_shared>>)
          tpu.yield
        }) : () -> ()
        %run_scoped3A_46 = arith.constant 2 : i32
        "tpu.region"() ({
          %run_scoped3A_49 = tpu.sem_alloc : memref<!tpu.dma_semaphore, #tpu.memory_space<semaphore_mem>>
          %dma_start3A = arith.constant 256 : i32
          %dma_start3A_50 = arith.constant 0 : i32
          %dma_start3A_51 = tpu.memref_slice %arg10[%dma_start3A, %dma_start3A_50] : memref<640x32xf32, #tpu.memory_space<vmem>> -> memref<128x32xf32, #tpu.memory_space<vmem>>
          %dma_start3A_52 = arith.constant 0 : i32
          %dma_start3A_53 = tpu.memref_slice %arg9[%run_scoped3A_46, %dma_start3A_52] : memref<5x128xi32, #tpu.memory_space<vmem>> -> memref<1x128xi32, #tpu.memory_space<vmem>>
          %dma_start3A_54 = tpu.memref_squeeze %dma_start3A_53 : memref<1x128xi32, #tpu.memory_space<vmem>> -> memref<128xi32, #tpu.memory_space<vmem>>
          %dma_start3A_55 = arith.constant 0 : i32
          %dma_start3A_56 = arith.constant 0 : i32
          %dma_start3A_57 = tpu.memref_slice %arg8[%dma_start3A_55, %dma_start3A_56] : memref<50000x32xf32, #tpu.memory_space<vmem_shared>> -> memref<50000x32xf32, #tpu.memory_space<vmem_shared>>
          tpu.enqueue_indirect_dma source(%dma_start3A_51 : memref<128x32xf32, #tpu.memory_space<vmem>>) target(%dma_start3A_57 : memref<50000x32xf32, #tpu.memory_space<vmem_shared>>) offsets(%dma_start3A_54 : memref<128xi32, #tpu.memory_space<vmem>>) semaphore(%run_scoped3A_49 : memref<!tpu.dma_semaphore, #tpu.memory_space<semaphore_mem>>) {add = true}
          %dma_wait3A = arith.constant 256 : i32
          %dma_wait3A_58 = arith.constant 0 : i32
          %dma_wait3A_59 = tpu.memref_slice %arg10[%dma_wait3A, %dma_wait3A_58] : memref<640x32xf32, #tpu.memory_space<vmem>> -> memref<128x32xf32, #tpu.memory_space<vmem>>
          %dma_wait3A_60 = arith.constant 0 : i32
          %dma_wait3A_61 = tpu.memref_slice %arg9[%run_scoped3A_46, %dma_wait3A_60] : memref<5x128xi32, #tpu.memory_space<vmem>> -> memref<1x128xi32, #tpu.memory_space<vmem>>
          %dma_wait3A_62 = tpu.memref_squeeze %dma_wait3A_61 : memref<1x128xi32, #tpu.memory_space<vmem>> -> memref<128xi32, #tpu.memory_space<vmem>>
          %dma_wait3A_63 = arith.constant 0 : i32
          %dma_wait3A_64 = arith.constant 0 : i32
          %dma_wait3A_65 = tpu.memref_slice %arg8[%dma_wait3A_63, %dma_wait3A_64] : memref<50000x32xf32, #tpu.memory_space<vmem_shared>> -> memref<50000x32xf32, #tpu.memory_space<vmem_shared>>
          tpu.wait_indirect_dma semaphore(%run_scoped3A_49 : memref<!tpu.dma_semaphore, #tpu.memory_space<semaphore_mem>>) src(%dma_wait3A_59 : memref<128x32xf32, #tpu.memory_space<vmem>>) dst(%dma_wait3A_65 : memref<50000x32xf32, #tpu.memory_space<vmem_shared>>)
          tpu.yield
        }) : () -> ()
        %run_scoped3A_47 = arith.constant 3 : i32
        "tpu.region"() ({
          %run_scoped3A_49 = tpu.sem_alloc : memref<!tpu.dma_semaphore, #tpu.memory_space<semaphore_mem>>
          %dma_start3A = arith.constant 384 : i32
          %dma_start3A_50 = arith.constant 0 : i32
          %dma_start3A_51 = tpu.memref_slice %arg10[%dma_start3A, %dma_start3A_50] : memref<640x32xf32, #tpu.memory_space<vmem>> -> memref<128x32xf32, #tpu.memory_space<vmem>>
          %dma_start3A_52 = arith.constant 0 : i32
          %dma_start3A_53 = tpu.memref_slice %arg9[%run_scoped3A_47, %dma_start3A_52] : memref<5x128xi32, #tpu.memory_space<vmem>> -> memref<1x128xi32, #tpu.memory_space<vmem>>
          %dma_start3A_54 = tpu.memref_squeeze %dma_start3A_53 : memref<1x128xi32, #tpu.memory_space<vmem>> -> memref<128xi32, #tpu.memory_space<vmem>>
          %dma_start3A_55 = arith.constant 0 : i32
          %dma_start3A_56 = arith.constant 0 : i32
          %dma_start3A_57 = tpu.memref_slice %arg8[%dma_start3A_55, %dma_start3A_56] : memref<50000x32xf32, #tpu.memory_space<vmem_shared>> -> memref<50000x32xf32, #tpu.memory_space<vmem_shared>>
          tpu.enqueue_indirect_dma source(%dma_start3A_51 : memref<128x32xf32, #tpu.memory_space<vmem>>) target(%dma_start3A_57 : memref<50000x32xf32, #tpu.memory_space<vmem_shared>>) offsets(%dma_start3A_54 : memref<128xi32, #tpu.memory_space<vmem>>) semaphore(%run_scoped3A_49 : memref<!tpu.dma_semaphore, #tpu.memory_space<semaphore_mem>>) {add = true}
          %dma_wait3A = arith.constant 384 : i32
          %dma_wait3A_58 = arith.constant 0 : i32
          %dma_wait3A_59 = tpu.memref_slice %arg10[%dma_wait3A, %dma_wait3A_58] : memref<640x32xf32, #tpu.memory_space<vmem>> -> memref<128x32xf32, #tpu.memory_space<vmem>>
          %dma_wait3A_60 = arith.constant 0 : i32
          %dma_wait3A_61 = tpu.memref_slice %arg9[%run_scoped3A_47, %dma_wait3A_60] : memref<5x128xi32, #tpu.memory_space<vmem>> -> memref<1x128xi32, #tpu.memory_space<vmem>>
          %dma_wait3A_62 = tpu.memref_squeeze %dma_wait3A_61 : memref<1x128xi32, #tpu.memory_space<vmem>> -> memref<128xi32, #tpu.memory_space<vmem>>
          %dma_wait3A_63 = arith.constant 0 : i32
          %dma_wait3A_64 = arith.constant 0 : i32
          %dma_wait3A_65 = tpu.memref_slice %arg8[%dma_wait3A_63, %dma_wait3A_64] : memref<50000x32xf32, #tpu.memory_space<vmem_shared>> -> memref<50000x32xf32, #tpu.memory_space<vmem_shared>>
          tpu.wait_indirect_dma semaphore(%run_scoped3A_49 : memref<!tpu.dma_semaphore, #tpu.memory_space<semaphore_mem>>) src(%dma_wait3A_59 : memref<128x32xf32, #tpu.memory_space<vmem>>) dst(%dma_wait3A_65 : memref<50000x32xf32, #tpu.memory_space<vmem_shared>>)
          tpu.yield
        }) : () -> ()
        %run_scoped3A_48 = arith.constant 4 : i32
        "tpu.region"() ({
          %run_scoped3A_49 = tpu.sem_alloc : memref<!tpu.dma_semaphore, #tpu.memory_space<semaphore_mem>>
          %dma_start3A = arith.constant 512 : i32
          %dma_start3A_50 = arith.constant 0 : i32
          %dma_start3A_51 = tpu.memref_slice %arg10[%dma_start3A, %dma_start3A_50] : memref<640x32xf32, #tpu.memory_space<vmem>> -> memref<128x32xf32, #tpu.memory_space<vmem>>
          %dma_start3A_52 = arith.constant 0 : i32
          %dma_start3A_53 = tpu.memref_slice %arg9[%run_scoped3A_48, %dma_start3A_52] : memref<5x128xi32, #tpu.memory_space<vmem>> -> memref<1x128xi32, #tpu.memory_space<vmem>>
          %dma_start3A_54 = tpu.memref_squeeze %dma_start3A_53 : memref<1x128xi32, #tpu.memory_space<vmem>> -> memref<128xi32, #tpu.memory_space<vmem>>
          %dma_start3A_55 = arith.constant 0 : i32
          %dma_start3A_56 = arith.constant 0 : i32
          %dma_start3A_57 = tpu.memref_slice %arg8[%dma_start3A_55, %dma_start3A_56] : memref<50000x32xf32, #tpu.memory_space<vmem_shared>> -> memref<50000x32xf32, #tpu.memory_space<vmem_shared>>
          tpu.enqueue_indirect_dma source(%dma_start3A_51 : memref<128x32xf32, #tpu.memory_space<vmem>>) target(%dma_start3A_57 : memref<50000x32xf32, #tpu.memory_space<vmem_shared>>) offsets(%dma_start3A_54 : memref<128xi32, #tpu.memory_space<vmem>>) semaphore(%run_scoped3A_49 : memref<!tpu.dma_semaphore, #tpu.memory_space<semaphore_mem>>) {add = true}
          %dma_wait3A = arith.constant 512 : i32
          %dma_wait3A_58 = arith.constant 0 : i32
          %dma_wait3A_59 = tpu.memref_slice %arg10[%dma_wait3A, %dma_wait3A_58] : memref<640x32xf32, #tpu.memory_space<vmem>> -> memref<128x32xf32, #tpu.memory_space<vmem>>
          %dma_wait3A_60 = arith.constant 0 : i32
          %dma_wait3A_61 = tpu.memref_slice %arg9[%run_scoped3A_48, %dma_wait3A_60] : memref<5x128xi32, #tpu.memory_space<vmem>> -> memref<1x128xi32, #tpu.memory_space<vmem>>
          %dma_wait3A_62 = tpu.memref_squeeze %dma_wait3A_61 : memref<1x128xi32, #tpu.memory_space<vmem>> -> memref<128xi32, #tpu.memory_space<vmem>>
          %dma_wait3A_63 = arith.constant 0 : i32
          %dma_wait3A_64 = arith.constant 0 : i32
          %dma_wait3A_65 = tpu.memref_slice %arg8[%dma_wait3A_63, %dma_wait3A_64] : memref<50000x32xf32, #tpu.memory_space<vmem_shared>> -> memref<50000x32xf32, #tpu.memory_space<vmem_shared>>
          tpu.wait_indirect_dma semaphore(%run_scoped3A_49 : memref<!tpu.dma_semaphore, #tpu.memory_space<semaphore_mem>>) src(%dma_wait3A_59 : memref<128x32xf32, #tpu.memory_space<vmem>>) dst(%dma_wait3A_65 : memref<50000x32xf32, #tpu.memory_space<vmem_shared>>)
          tpu.yield
        }) : () -> ()
      } else {
      }
    }
    %scan3A_28 = arith.constant 157 : i32
    %barrier3A_29 = arith.constant 0 : index
    tpu.barrier barrier_id(%barrier3A_29)
    %mul3A_30 = arith.constant 3125 : i32
    %mul3A_31 = arith.muli %arg1, %mul3A_30 : i32
    %mul3A_32 = arith.constant 3125 : i32
    %mul3A_33 = arith.muli %arg1, %mul3A_32 : i32
    "tpu.region"() ({
      %run_scoped3A = tpu.sem_alloc : memref<!tpu.dma_semaphore, #tpu.memory_space<semaphore_mem>>
      %dma_start3A = tpu.memref_slice %arg7[%mul3A_33, %mul3A_2] : memref<50000x64xf32, #tpu.memory_space<hbm>> -> memref<3125x32xf32, #tpu.memory_space<hbm>>
      %dma_start3A_35 = arith.constant 0 : i32
      %dma_start3A_36 = tpu.memref_slice %arg8[%mul3A_31, %dma_start3A_35] : memref<50000x32xf32, #tpu.memory_space<vmem_shared>> -> memref<3125x32xf32, #tpu.memory_space<vmem_shared>>
      tpu.enqueue_dma source(%dma_start3A_36 : memref<3125x32xf32, #tpu.memory_space<vmem_shared>>) target(%dma_start3A : memref<3125x32xf32, #tpu.memory_space<hbm>>) target_semaphore(%run_scoped3A : memref<!tpu.dma_semaphore, #tpu.memory_space<semaphore_mem>>)
      %dma_wait3A = tpu.memref_slice %arg7[%mul3A_33, %mul3A_2] : memref<50000x64xf32, #tpu.memory_space<hbm>> -> memref<3125x32xf32, #tpu.memory_space<hbm>>
      %dma_wait3A_37 = arith.constant 0 : i32
      %dma_wait3A_38 = tpu.memref_slice %arg8[%mul3A_31, %dma_wait3A_37] : memref<50000x32xf32, #tpu.memory_space<vmem_shared>> -> memref<3125x32xf32, #tpu.memory_space<vmem_shared>>
      tpu.wait_dma2 semaphore(%run_scoped3A : memref<!tpu.dma_semaphore, #tpu.memory_space<semaphore_mem>>) src(%dma_wait3A_38 : memref<3125x32xf32, #tpu.memory_space<vmem_shared>>) dst(%dma_wait3A : memref<3125x32xf32, #tpu.memory_space<hbm>>)
      tpu.yield
    }) : () -> ()
    %barrier3A_34 = arith.constant 0 : index
    tpu.barrier barrier_id(%barrier3A_34)
    return
  }
}

module attributes {stable_mosaic.version = 14 : i64} {
  func.func @_edge_body(%arg0: i32, %arg1: memref<2000x32xf32, #tpu.memory_space<vmem>>, %arg2: memref<2000x64xf32, #tpu.memory_space<vmem>>, %arg3: memref<2000x64xf32, #tpu.memory_space<vmem>>, %arg4: memref<160x256xf32, #tpu.memory_space<vmem>>, %arg5: memref<1x256xf32, #tpu.memory_space<vmem>>, %arg6: memref<256x256xf32, #tpu.memory_space<vmem>>, %arg7: memref<1x256xf32, #tpu.memory_space<vmem>>, %arg8: memref<2000x256xf32, #tpu.memory_space<vmem>>, %arg9: memref<1x256xf32, #tpu.memory_space<vmem>>) attributes {dimension_semantics = [#tpu.dimension_semantics<arbitrary>], iteration_bounds = array<i64: 200>, scalar_prefetch = 0 : i64, scratch_operands = 0 : i64, tpu.core_type = #tpu.core_type<tc>, window_params = [{transform_indices = @transform_0, window_bounds = array<i64: 2000, 32>}, {transform_indices = @transform_1, window_bounds = array<i64: 2000, 64>}, {transform_indices = @transform_2, window_bounds = array<i64: 2000, 64>}, {pipeline_mode = #tpu.pipeline_mode<synchronous>, transform_indices = @transform_3, window_bounds = array<i64: 160, 256>}, {pipeline_mode = #tpu.pipeline_mode<synchronous>, transform_indices = @transform_4, window_bounds = array<i64: 1, 256>}, {pipeline_mode = #tpu.pipeline_mode<synchronous>, transform_indices = @transform_5, window_bounds = array<i64: 256, 256>}, {pipeline_mode = #tpu.pipeline_mode<synchronous>, transform_indices = @transform_6, window_bounds = array<i64: 1, 256>}, {transform_indices = @transform_7, window_bounds = array<i64: 2000, 256>}, {pipeline_mode = #tpu.pipeline_mode<synchronous>, transform_indices = @transform_8, window_bounds = array<i64: 1, 256>}]} {
    %get3A = arith.constant 0 : index
    %get3A_0 = arith.constant 0 : index
    %get3A_1 = vector.load %arg1[%get3A, %get3A_0] : memref<2000x32xf32, #tpu.memory_space<vmem>>, vector<2000x32xf32>
    %get3A_2 = arith.constant 0 : index
    %get3A_3 = arith.constant 0 : index
    %get3A_4 = vector.load %arg2[%get3A_2, %get3A_3] : memref<2000x64xf32, #tpu.memory_space<vmem>>, vector<2000x64xf32>
    %get3A_5 = arith.constant 0 : index
    %get3A_6 = arith.constant 0 : index
    %get3A_7 = vector.load %arg3[%get3A_5, %get3A_6] : memref<2000x64xf32, #tpu.memory_space<vmem>>, vector<2000x64xf32>
    %concatenate3A = tpu.concatenate %get3A_1, %get3A_4, %get3A_7 in 1 : vector<2000x32xf32>, vector<2000x64xf32>, vector<2000x64xf32> -> vector<2000x160xf32>
    %get3A_8 = arith.constant 0 : index
    %get3A_9 = arith.constant 0 : index
    %get3A_10 = vector.load %arg4[%get3A_8, %get3A_9] : memref<160x256xf32, #tpu.memory_space<vmem>>, vector<160x256xf32>
    %dot_general3A = arith.constant dense<0.000000e+00> : vector<2000x256xf32>
    %dot_general3A_11 = tpu.matmul %concatenate3A, %get3A_10, %dot_general3A {dimension_numbers = #tpu.dot_dimension_numbers<[1], [0], [0], [1], [0, 0, 1, 1], [], []>, transpose_lhs_hint = false} : vector<2000x160xf32>, vector<160x256xf32>, vector<2000x256xf32> -> vector<2000x256xf32>
    %get3A_12 = arith.constant 0 : index
    %get3A_13 = arith.constant 0 : index
    %get3A_14 = vector.load %arg5[%get3A_12, %get3A_13] : memref<1x256xf32, #tpu.memory_space<vmem>>, vector<1x256xf32>
    %add3A = vector.broadcast %get3A_14 : vector<1x256xf32> to vector<2000x256xf32>
    %add3A_15 = arith.addf %dot_general3A_11, %add3A : vector<2000x256xf32>
    %max3A = arith.constant 0.000000e+00 : f32
    %max3A_16 = vector.broadcast %max3A : f32 to vector<2000x256xf32>
    %max3A_17 = arith.maximumf %add3A_15, %max3A_16 : vector<2000x256xf32>
    %get3A_18 = arith.constant 0 : index
    %get3A_19 = arith.constant 0 : index
    %get3A_20 = vector.load %arg6[%get3A_18, %get3A_19] : memref<256x256xf32, #tpu.memory_space<vmem>>, vector<256x256xf32>
    %dot_general3A_21 = arith.constant dense<0.000000e+00> : vector<2000x256xf32>
    %dot_general3A_22 = tpu.matmul %max3A_17, %get3A_20, %dot_general3A_21 {dimension_numbers = #tpu.dot_dimension_numbers<[1], [0], [0], [1], [0, 0, 1, 1], [], []>, transpose_lhs_hint = false} : vector<2000x256xf32>, vector<256x256xf32>, vector<2000x256xf32> -> vector<2000x256xf32>
    %get3A_23 = arith.constant 0 : index
    %get3A_24 = arith.constant 0 : index
    %get3A_25 = vector.load %arg7[%get3A_23, %get3A_24] : memref<1x256xf32, #tpu.memory_space<vmem>>, vector<1x256xf32>
    %add3A_26 = vector.broadcast %get3A_25 : vector<1x256xf32> to vector<2000x256xf32>
    %add3A_27 = arith.addf %dot_general3A_22, %add3A_26 : vector<2000x256xf32>
    %swap3A = arith.constant 0 : index
    %swap3A_28 = arith.constant 0 : index
    %swap3A_29 = vector.load %arg8[%swap3A, %swap3A_28] : memref<2000x256xf32, #tpu.memory_space<vmem>>, vector<2000x256xf32>
    tpu.vector_store %arg8[%swap3A, %swap3A_28], %add3A_27 {strides = array<i32>} : memref<2000x256xf32, #tpu.memory_space<vmem>>, vector<2000x256xf32>,
    %eq3A = arith.constant 0 : i32
    %eq3A_30 = arith.cmpi eq, %arg0, %eq3A : i32
    %convert_element_type3A = arith.extui %eq3A_30 : i1 to i32
    %cond3A = arith.constant 0 : i32
    %cond3A_31 = arith.cmpi ne, %convert_element_type3A, %cond3A : i32
    scf.if %cond3A_31 {
      %broadcast_in_dim3A_40 = arith.constant 0.000000e+00 : f32
      %broadcast_in_dim3A_41 = vector.broadcast %broadcast_in_dim3A_40 : f32 to vector<1x256xf32>
      %swap3A_42 = arith.constant 0 : index
      %swap3A_43 = arith.constant 0 : index
      %swap3A_44 = vector.load %arg9[%swap3A_42, %swap3A_43] : memref<1x256xf32, #tpu.memory_space<vmem>>, vector<1x256xf32>
      tpu.vector_store %arg9[%swap3A_42, %swap3A_43], %broadcast_in_dim3A_41 {strides = array<i32>} : memref<1x256xf32, #tpu.memory_space<vmem>>, vector<1x256xf32>,
    } else {
    }
    %get3A_32 = arith.constant 0 : index
    %get3A_33 = arith.constant 0 : index
    %get3A_34 = vector.load %arg9[%get3A_32, %get3A_33] : memref<1x256xf32, #tpu.memory_space<vmem>>, vector<1x256xf32>
    %reduce_sum3A = arith.constant dense<0.000000e+00> : vector<256xf32>
    %reduce_sum3A_35 = vector.multi_reduction <add>, %add3A_27, %reduce_sum3A [0] : vector<2000x256xf32> to vector<256xf32>
    %broadcast_in_dim3A = vector.shape_cast %reduce_sum3A_35 : vector<256xf32> to vector<1x256xf32>
    %add3A_36 = arith.addf %get3A_34, %broadcast_in_dim3A : vector<1x256xf32>
    %swap3A_37 = arith.constant 0 : index
    %swap3A_38 = arith.constant 0 : index
    %swap3A_39 = vector.load %arg9[%swap3A_37, %swap3A_38] : memref<1x256xf32, #tpu.memory_space<vmem>>, vector<1x256xf32>
    tpu.vector_store %arg9[%swap3A_37, %swap3A_38], %add3A_36 {strides = array<i32>} : memref<1x256xf32, #tpu.memory_space<vmem>>, vector<1x256xf32>,
    return
  }
  func.func @transform_0(%arg0: i32) -> (i32, i32) {
    %c0_i32 = arith.constant 0 : i32
    %c0_i32_0 = arith.constant 0 : i32
    return %arg0, %c0_i32 : i32, i32
  }
  func.func @transform_1(%arg0: i32) -> (i32, i32) {
    %c0_i32 = arith.constant 0 : i32
    %c0_i32_0 = arith.constant 0 : i32
    return %arg0, %c0_i32 : i32, i32
  }
  func.func @transform_2(%arg0: i32) -> (i32, i32) {
    %c0_i32 = arith.constant 0 : i32
    %c0_i32_0 = arith.constant 0 : i32
    return %arg0, %c0_i32 : i32, i32
  }
  func.func @transform_3(%arg0: i32) -> (i32, i32) {
    %c0_i32 = arith.constant 0 : i32
    %c0_i32_0 = arith.constant 0 : i32
    %c0_i32_1 = arith.constant 0 : i32
    return %c0_i32, %c0_i32_0 : i32, i32
  }
  func.func @transform_4(%arg0: i32) -> (i32, i32) {
    %c0_i32 = arith.constant 0 : i32
    %c0_i32_0 = arith.constant 0 : i32
    %c0_i32_1 = arith.constant 0 : i32
    return %c0_i32, %c0_i32_0 : i32, i32
  }
  func.func @transform_5(%arg0: i32) -> (i32, i32) {
    %c0_i32 = arith.constant 0 : i32
    %c0_i32_0 = arith.constant 0 : i32
    %c0_i32_1 = arith.constant 0 : i32
    return %c0_i32, %c0_i32_0 : i32, i32
  }
  func.func @transform_6(%arg0: i32) -> (i32, i32) {
    %c0_i32 = arith.constant 0 : i32
    %c0_i32_0 = arith.constant 0 : i32
    %c0_i32_1 = arith.constant 0 : i32
    return %c0_i32, %c0_i32_0 : i32, i32
  }
  func.func @transform_7(%arg0: i32) -> (i32, i32) {
    %c0_i32 = arith.constant 0 : i32
    %c0_i32_0 = arith.constant 0 : i32
    return %arg0, %c0_i32 : i32, i32
  }
  func.func @transform_8(%arg0: i32) -> (i32, i32) {
    %c0_i32 = arith.constant 0 : i32
    %c0_i32_0 = arith.constant 0 : i32
    %c0_i32_1 = arith.constant 0 : i32
    return %c0_i32, %c0_i32_0 : i32, i32
  }
}

module attributes {stable_mosaic.version = 14 : i64} {
  func.func @_node_body(%arg0: i32, %arg1: memref<1000x128xf32, #tpu.memory_space<vmem>>, %arg2: memref<1000x128xf32, #tpu.memory_space<vmem>>, %arg3: memref<1000x16xf32, #tpu.memory_space<vmem>>, %arg4: memref<272x128xf32, #tpu.memory_space<vmem>>, %arg5: memref<1x128xf32, #tpu.memory_space<vmem>>, %arg6: memref<128x128xf32, #tpu.memory_space<vmem>>, %arg7: memref<1x128xf32, #tpu.memory_space<vmem>>, %arg8: memref<1x256xf32, #tpu.memory_space<vmem>>, %arg9: memref<256x64xf32, #tpu.memory_space<vmem>>, %arg10: memref<128x64xf32, #tpu.memory_space<vmem>>, %arg11: memref<1x64xf32, #tpu.memory_space<vmem>>, %arg12: memref<64x64xf32, #tpu.memory_space<vmem>>, %arg13: memref<1x64xf32, #tpu.memory_space<vmem>>, %arg14: memref<1000x128xf32, #tpu.memory_space<vmem>>, %arg15: memref<1x64xf32, #tpu.memory_space<vmem>>, %arg16: memref<1x128xf32, #tpu.memory_space<vmem>>) attributes {dimension_semantics = [#tpu.dimension_semantics<arbitrary>], iteration_bounds = array<i64: 25>, scalar_prefetch = 0 : i64, scratch_operands = 1 : i64, tpu.core_type = #tpu.core_type<tc>, window_params = [{transform_indices = @transform_0, window_bounds = array<i64: 1000, 128>}, {transform_indices = @transform_1, window_bounds = array<i64: 1000, 128>}, {transform_indices = @transform_2, window_bounds = array<i64: 1000, 16>}, {pipeline_mode = #tpu.pipeline_mode<synchronous>, transform_indices = @transform_3, window_bounds = array<i64: 272, 128>}, {pipeline_mode = #tpu.pipeline_mode<synchronous>, transform_indices = @transform_4, window_bounds = array<i64: 1, 128>}, {pipeline_mode = #tpu.pipeline_mode<synchronous>, transform_indices = @transform_5, window_bounds = array<i64: 128, 128>}, {pipeline_mode = #tpu.pipeline_mode<synchronous>, transform_indices = @transform_6, window_bounds = array<i64: 1, 128>}, {pipeline_mode = #tpu.pipeline_mode<synchronous>, transform_indices = @transform_7, window_bounds = array<i64: 1, 256>}, {pipeline_mode = #tpu.pipeline_mode<synchronous>, transform_indices = @transform_8, window_bounds = array<i64: 256, 64>}, {pipeline_mode = #tpu.pipeline_mode<synchronous>, transform_indices = @transform_9, window_bounds = array<i64: 128, 64>}, {pipeline_mode = #tpu.pipeline_mode<synchronous>, transform_indices = @transform_10, window_bounds = array<i64: 1, 64>}, {pipeline_mode = #tpu.pipeline_mode<synchronous>, transform_indices = @transform_11, window_bounds = array<i64: 64, 64>}, {pipeline_mode = #tpu.pipeline_mode<synchronous>, transform_indices = @transform_12, window_bounds = array<i64: 1, 64>}, {transform_indices = @transform_13, window_bounds = array<i64: 1000, 128>}, {pipeline_mode = #tpu.pipeline_mode<synchronous>, transform_indices = @transform_14, window_bounds = array<i64: 1, 64>}]} {
    %get3A = arith.constant 0 : index
    %get3A_0 = arith.constant 0 : index
    %get3A_1 = vector.load %arg1[%get3A, %get3A_0] : memref<1000x128xf32, #tpu.memory_space<vmem>>, vector<1000x128xf32>
    %get3A_2 = arith.constant 0 : index
    %get3A_3 = arith.constant 0 : index
    %get3A_4 = vector.load %arg2[%get3A_2, %get3A_3] : memref<1000x128xf32, #tpu.memory_space<vmem>>, vector<1000x128xf32>
    %get3A_5 = arith.constant 0 : index
    %get3A_6 = arith.constant 0 : index
    %get3A_7 = vector.load %arg3[%get3A_5, %get3A_6] : memref<1000x16xf32, #tpu.memory_space<vmem>>, vector<1000x16xf32>
    %concatenate3A = tpu.concatenate %get3A_1, %get3A_4, %get3A_7 in 1 : vector<1000x128xf32>, vector<1000x128xf32>, vector<1000x16xf32> -> vector<1000x272xf32>
    %get3A_8 = arith.constant 0 : index
    %get3A_9 = arith.constant 0 : index
    %get3A_10 = vector.load %arg4[%get3A_8, %get3A_9] : memref<272x128xf32, #tpu.memory_space<vmem>>, vector<272x128xf32>
    %dot_general3A = arith.constant dense<0.000000e+00> : vector<1000x128xf32>
    %dot_general3A_11 = tpu.matmul %concatenate3A, %get3A_10, %dot_general3A {dimension_numbers = #tpu.dot_dimension_numbers<[1], [0], [0], [1], [0, 0, 1, 1], [], []>, transpose_lhs_hint = false} : vector<1000x272xf32>, vector<272x128xf32>, vector<1000x128xf32> -> vector<1000x128xf32>
    %get3A_12 = arith.constant 0 : index
    %get3A_13 = arith.constant 0 : index
    %get3A_14 = vector.load %arg5[%get3A_12, %get3A_13] : memref<1x128xf32, #tpu.memory_space<vmem>>, vector<1x128xf32>
    %add3A = vector.broadcast %get3A_14 : vector<1x128xf32> to vector<1000x128xf32>
    %add3A_15 = arith.addf %dot_general3A_11, %add3A : vector<1000x128xf32>
    %max3A = arith.constant 0.000000e+00 : f32
    %max3A_16 = vector.broadcast %max3A : f32 to vector<1000x128xf32>
    %max3A_17 = arith.maximumf %add3A_15, %max3A_16 : vector<1000x128xf32>
    %get3A_18 = arith.constant 0 : index
    %get3A_19 = arith.constant 0 : index
    %get3A_20 = vector.load %arg6[%get3A_18, %get3A_19] : memref<128x128xf32, #tpu.memory_space<vmem>>, vector<128x128xf32>
    %dot_general3A_21 = arith.constant dense<0.000000e+00> : vector<1000x128xf32>
    %dot_general3A_22 = tpu.matmul %max3A_17, %get3A_20, %dot_general3A_21 {dimension_numbers = #tpu.dot_dimension_numbers<[1], [0], [0], [1], [0, 0, 1, 1], [], []>, transpose_lhs_hint = false} : vector<1000x128xf32>, vector<128x128xf32>, vector<1000x128xf32> -> vector<1000x128xf32>
    %get3A_23 = arith.constant 0 : index
    %get3A_24 = arith.constant 0 : index
    %get3A_25 = vector.load %arg7[%get3A_23, %get3A_24] : memref<1x128xf32, #tpu.memory_space<vmem>>, vector<1x128xf32>
    %add3A_26 = vector.broadcast %get3A_25 : vector<1x128xf32> to vector<1000x128xf32>
    %add3A_27 = arith.addf %dot_general3A_22, %add3A_26 : vector<1000x128xf32>
    %swap3A = arith.constant 0 : index
    %swap3A_28 = arith.constant 0 : index
    %swap3A_29 = vector.load %arg14[%swap3A, %swap3A_28] : memref<1000x128xf32, #tpu.memory_space<vmem>>, vector<1000x128xf32>
    tpu.vector_store %arg14[%swap3A, %swap3A_28], %add3A_27 {strides = array<i32>} : memref<1000x128xf32, #tpu.memory_space<vmem>>, vector<1000x128xf32>,
    %eq3A = arith.constant 0 : i32
    %eq3A_30 = arith.cmpi eq, %arg0, %eq3A : i32
    %convert_element_type3A = arith.extui %eq3A_30 : i1 to i32
    %cond3A = arith.constant 0 : i32
    %cond3A_31 = arith.cmpi ne, %convert_element_type3A, %cond3A : i32
    scf.if %cond3A_31 {
      %broadcast_in_dim3A_45 = arith.constant 0.000000e+00 : f32
      %broadcast_in_dim3A_46 = vector.broadcast %broadcast_in_dim3A_45 : f32 to vector<1x128xf32>
      %swap3A_47 = arith.constant 0 : index
      %swap3A_48 = arith.constant 0 : index
      %swap3A_49 = vector.load %arg16[%swap3A_47, %swap3A_48] : memref<1x128xf32, #tpu.memory_space<vmem>>, vector<1x128xf32>
      tpu.vector_store %arg16[%swap3A_47, %swap3A_48], %broadcast_in_dim3A_46 {strides = array<i32>} : memref<1x128xf32, #tpu.memory_space<vmem>>, vector<1x128xf32>,
    } else {
    }
    %get3A_32 = arith.constant 0 : index
    %get3A_33 = arith.constant 0 : index
    %get3A_34 = vector.load %arg16[%get3A_32, %get3A_33] : memref<1x128xf32, #tpu.memory_space<vmem>>, vector<1x128xf32>
    %reduce_sum3A = arith.constant dense<0.000000e+00> : vector<128xf32>
    %reduce_sum3A_35 = vector.multi_reduction <add>, %add3A_27, %reduce_sum3A [0] : vector<1000x128xf32> to vector<128xf32>
    %broadcast_in_dim3A = vector.shape_cast %reduce_sum3A_35 : vector<128xf32> to vector<1x128xf32>
    %add3A_36 = arith.addf %get3A_34, %broadcast_in_dim3A : vector<1x128xf32>
    %swap3A_37 = arith.constant 0 : index
    %swap3A_38 = arith.constant 0 : index
    %swap3A_39 = vector.load %arg16[%swap3A_37, %swap3A_38] : memref<1x128xf32, #tpu.memory_space<vmem>>, vector<1x128xf32>
    tpu.vector_store %arg16[%swap3A_37, %swap3A_38], %add3A_36 {strides = array<i32>} : memref<1x128xf32, #tpu.memory_space<vmem>>, vector<1x128xf32>,
    %eq3A_40 = arith.constant 24 : i32
    %eq3A_41 = arith.cmpi eq, %arg0, %eq3A_40 : i32
    %convert_element_type3A_42 = arith.extui %eq3A_41 : i1 to i32
    %cond3A_43 = arith.constant 0 : i32
    %cond3A_44 = arith.cmpi ne, %convert_element_type3A_42, %cond3A_43 : i32
    scf.if %cond3A_44 {
      %get3A_45 = arith.constant 0 : index
      %get3A_46 = arith.constant 0 : index
      %get3A_47 = vector.load %arg8[%get3A_45, %get3A_46] : memref<1x256xf32, #tpu.memory_space<vmem>>, vector<1x256xf32>
      %get3A_48 = arith.constant 0 : index
      %get3A_49 = arith.constant 0 : index
      %get3A_50 = vector.load %arg9[%get3A_48, %get3A_49] : memref<256x64xf32, #tpu.memory_space<vmem>>, vector<256x64xf32>
      %dot_general3A_51 = arith.constant dense<0.000000e+00> : vector<1x64xf32>
      %dot_general3A_52 = tpu.matmul %get3A_47, %get3A_50, %dot_general3A_51 {dimension_numbers = #tpu.dot_dimension_numbers<[1], [0], [0], [1], [0, 0, 1, 1], [], []>, transpose_lhs_hint = false} : vector<1x256xf32>, vector<256x64xf32>, vector<1x64xf32> -> vector<1x64xf32>
      %get3A_53 = arith.constant 0 : index
      %get3A_54 = arith.constant 0 : index
      %get3A_55 = vector.load %arg16[%get3A_53, %get3A_54] : memref<1x128xf32, #tpu.memory_space<vmem>>, vector<1x128xf32>
      %get3A_56 = arith.constant 0 : index
      %get3A_57 = arith.constant 0 : index
      %get3A_58 = vector.load %arg10[%get3A_56, %get3A_57] : memref<128x64xf32, #tpu.memory_space<vmem>>, vector<128x64xf32>
      %dot_general3A_59 = arith.constant dense<0.000000e+00> : vector<1x64xf32>
      %dot_general3A_60 = tpu.matmul %get3A_55, %get3A_58, %dot_general3A_59 {dimension_numbers = #tpu.dot_dimension_numbers<[1], [0], [0], [1], [0, 0, 1, 1], [], []>, transpose_lhs_hint = false} : vector<1x128xf32>, vector<128x64xf32>, vector<1x64xf32> -> vector<1x64xf32>
      %add3A_61 = arith.addf %dot_general3A_52, %dot_general3A_60 : vector<1x64xf32>
      %get3A_62 = arith.constant 0 : index
      %get3A_63 = arith.constant 0 : index
      %get3A_64 = vector.load %arg11[%get3A_62, %get3A_63] : memref<1x64xf32, #tpu.memory_space<vmem>>, vector<1x64xf32>
      %add3A_65 = arith.addf %add3A_61, %get3A_64 : vector<1x64xf32>
      %max3A_66 = arith.constant 0.000000e+00 : f32
      %max3A_67 = vector.broadcast %max3A_66 : f32 to vector<1x64xf32>
      %max3A_68 = arith.maximumf %add3A_65, %max3A_67 : vector<1x64xf32>
      %get3A_69 = arith.constant 0 : index
      %get3A_70 = arith.constant 0 : index
      %get3A_71 = vector.load %arg12[%get3A_69, %get3A_70] : memref<64x64xf32, #tpu.memory_space<vmem>>, vector<64x64xf32>
      %dot_general3A_72 = arith.constant dense<0.000000e+00> : vector<1x64xf32>
      %dot_general3A_73 = tpu.matmul %max3A_68, %get3A_71, %dot_general3A_72 {dimension_numbers = #tpu.dot_dimension_numbers<[1], [0], [0], [1], [0, 0, 1, 1], [], []>, transpose_lhs_hint = false} : vector<1x64xf32>, vector<64x64xf32>, vector<1x64xf32> -> vector<1x64xf32>
      %get3A_74 = arith.constant 0 : index
      %get3A_75 = arith.constant 0 : index
      %get3A_76 = vector.load %arg13[%get3A_74, %get3A_75] : memref<1x64xf32, #tpu.memory_space<vmem>>, vector<1x64xf32>
      %add3A_77 = arith.addf %dot_general3A_73, %get3A_76 : vector<1x64xf32>
      %swap3A_78 = arith.constant 0 : index
      %swap3A_79 = arith.constant 0 : index
      %swap3A_80 = vector.load %arg15[%swap3A_78, %swap3A_79] : memref<1x64xf32, #tpu.memory_space<vmem>>, vector<1x64xf32>
      tpu.vector_store %arg15[%swap3A_78, %swap3A_79], %add3A_77 {strides = array<i32>} : memref<1x64xf32, #tpu.memory_space<vmem>>, vector<1x64xf32>,
    } else {
    }
    return
  }
  func.func @transform_0(%arg0: i32) -> (i32, i32) {
    %c0_i32 = arith.constant 0 : i32
    %c0_i32_0 = arith.constant 0 : i32
    return %arg0, %c0_i32 : i32, i32
  }
  func.func @transform_1(%arg0: i32) -> (i32, i32) {
    %c0_i32 = arith.constant 0 : i32
    %c0_i32_0 = arith.constant 0 : i32
    return %arg0, %c0_i32 : i32, i32
  }
  func.func @transform_2(%arg0: i32) -> (i32, i32) {
    %c0_i32 = arith.constant 0 : i32
    %c0_i32_0 = arith.constant 0 : i32
    return %arg0, %c0_i32 : i32, i32
  }
  func.func @transform_3(%arg0: i32) -> (i32, i32) {
    %c0_i32 = arith.constant 0 : i32
    %c0_i32_0 = arith.constant 0 : i32
    %c0_i32_1 = arith.constant 0 : i32
    return %c0_i32, %c0_i32_0 : i32, i32
  }
  func.func @transform_4(%arg0: i32) -> (i32, i32) {
    %c0_i32 = arith.constant 0 : i32
    %c0_i32_0 = arith.constant 0 : i32
    %c0_i32_1 = arith.constant 0 : i32
    return %c0_i32, %c0_i32_0 : i32, i32
  }
  func.func @transform_5(%arg0: i32) -> (i32, i32) {
    %c0_i32 = arith.constant 0 : i32
    %c0_i32_0 = arith.constant 0 : i32
    %c0_i32_1 = arith.constant 0 : i32
    return %c0_i32, %c0_i32_0 : i32, i32
  }
  func.func @transform_6(%arg0: i32) -> (i32, i32) {
    %c0_i32 = arith.constant 0 : i32
    %c0_i32_0 = arith.constant 0 : i32
    %c0_i32_1 = arith.constant 0 : i32
    return %c0_i32, %c0_i32_0 : i32, i32
  }
  func.func @transform_7(%arg0: i32) -> (i32, i32) {
    %c0_i32 = arith.constant 0 : i32
    %c0_i32_0 = arith.constant 0 : i32
    %c0_i32_1 = arith.constant 0 : i32
    return %c0_i32, %c0_i32_0 : i32, i32
  }
  func.func @transform_8(%arg0: i32) -> (i32, i32) {
    %c0_i32 = arith.constant 0 : i32
    %c0_i32_0 = arith.constant 0 : i32
    %c0_i32_1 = arith.constant 0 : i32
    return %c0_i32, %c0_i32_0 : i32, i32
  }
  func.func @transform_9(%arg0: i32) -> (i32, i32) {
    %c0_i32 = arith.constant 0 : i32
    %c0_i32_0 = arith.constant 0 : i32
    %c0_i32_1 = arith.constant 0 : i32
    return %c0_i32, %c0_i32_0 : i32, i32
  }
  func.func @transform_10(%arg0: i32) -> (i32, i32) {
    %c0_i32 = arith.constant 0 : i32
    %c0_i32_0 = arith.constant 0 : i32
    %c0_i32_1 = arith.constant 0 : i32
    return %c0_i32, %c0_i32_0 : i32, i32
  }
  func.func @transform_11(%arg0: i32) -> (i32, i32) {
    %c0_i32 = arith.constant 0 : i32
    %c0_i32_0 = arith.constant 0 : i32
    %c0_i32_1 = arith.constant 0 : i32
    return %c0_i32, %c0_i32_0 : i32, i32
  }
  func.func @transform_12(%arg0: i32) -> (i32, i32) {
    %c0_i32 = arith.constant 0 : i32
    %c0_i32_0 = arith.constant 0 : i32
    %c0_i32_1 = arith.constant 0 : i32
    return %c0_i32, %c0_i32_0 : i32, i32
  }
  func.func @transform_13(%arg0: i32) -> (i32, i32) {
    %c0_i32 = arith.constant 0 : i32
    %c0_i32_0 = arith.constant 0 : i32
    return %arg0, %c0_i32 : i32, i32
  }
  func.func @transform_14(%arg0: i32) -> (i32, i32) {
    %c0_i32 = arith.constant 0 : i32
    %c0_i32_0 = arith.constant 0 : i32
    %c0_i32_1 = arith.constant 0 : i32
    return %c0_i32, %c0_i32_0 : i32, i32
  }
}

</mosaic_0001>

<sc_bundles>
// kernel: kernel.6.cloned.1.call-start
scs
__scs_entry_jumppad:
0x0: {  	(pc) =	sbr.rel $0x88, $3  }
0x1: {  	(tag) =	ssettag $0x0;
	lr =	simm.s32 $0x1  }
0x2: {  	[smem:$0x3F91] =	sst lr;
	_ =	strace $0xD0000000  }
0x3: {  	_ = 	snop  }
0x4: {  	_ = 	snop  }
0x5: {  	_ = 	snop  }
0x6: {  	_ = 	snop  }
0x7: {  	_ = 	snop  }
__scs_overlays_trampoline_lowered:
0x8: {  	[smem:$0x3FA0] =	sst s0  }
0x9: {  	[smem:$0x3FA1] =	sst s1  }
0xa: {  	[smem:$0x3FA2] =	sst s2  }
0xb: {  	[smem:$0x3FA3] =	sst s3  }
0xc: {  	[smem:$0x3FA4] =	sst s4  }
0xd: {  	[smem:$0x3FA5] =	sst s5  }
0xe: {  	[smem:$0x3FA6] =	sst s6  }
0xf: {  	[smem:$0x3FA7] =	sst s7  }
0x10: {  	[smem:$0x3FA8] =	sst s8  }
0x11: {  	[smem:$0x3FA9] =	sst s9;
	s0 =	simm.s32 @!p0 $0x0  }
0x12: {  	s1 =	sld [smem:$0x3F8F];
	s0 =	simm.s32 @p0 $0x1  }
0x13: {  	[smem:$0x3FAA] =	sst s0;
	s0 =	simm.s32 @!p1 $0x0  }
0x14: {  	s2 =	sld [smem:$0x3F8E];
	s0 =	simm.s32 @p1 $0x1  }
0x15: {  	[smem:$0x3FAB] =	sst s0;
	s0 =	simm.s32 @!p2 $0x0  }
0x16: {  	s3 =	sld [smem:$0x3FDB];
	s0 =	simm.s32 @p2 $0x1  }
0x17: {  	s4 =	simm.s32 $0x1BF5;
	[smem:$0x3FAD] =	sst s0  }
0x18: {  	s0 =	sld [smem:$0x3F90];
	_ =	swait.ge [sflag:s4], $0x0  }
0x19: {  	s7 =	sld [smem:$0x3F91]  }
0x1a: {  	s8 =	sadd.s32 $0xFFFFE003, lr  }
0x1b: {  	s9 =	sadd.s32 $0xFFFFFEF7, lr;
	s5 =	simm.s32 $0xFFFFFFFF;
	p2 =	slt.u32 s8, $0xFFFFF086  }
0x1c: {  	p1 =	slt.u32 s9, $0xF7A;
	s5 =	simm.s32 @!p2 $0x0  }
0x1d: {  	s5 =	simm.s32 @p1 $0x1;
	p0 =	seq.s32 s7, s2  }
0x1e: {  	s7 =	smul.u32 @!p0 $0xF7A, s2;
	p2 =	seq.s32 @!p0 s5, $0x0  }
0x1f: {  	s9 =	smul.u32 $0xF7A, s1;
	s8 =	simm.s32 @!p0 $0x1BF5;
	p2 =	por !p2, p0  }
0x20: {  	[sflag:s8] =	ssyncset.s32 @!p0 $0xFFFFF086;
	s6 =	sadd.s32 @!p0 s3, s7;
	s7 =	simm.s32 @!p0 $0x108  }
0x21: {  	s3 =	sadd.s32 s3, s9;
	s6 =	sadd.s32 @!p0 $0x88, s6;
	s7 =	simm.s32 @p2 $0x1082  }
0x22: {  	[simem:s7], [sflag:s8] =	dma.local @!p0 [hbm:s6], $0xF7A  }
0x23: {  	s9 =	sor.u32 $0xD0000000, s2;
	s6 =	simm.s32 $0x108;
	_ =	swait.ge @!p0 [sflag:s8], $0x0  }
0x24: {  	s3 =	sadd.s32 $0x88, s3;
	s6 =	simm.s32 @!p1 $0x1082;
	[sflag:s4] =	ssyncset.s32 $0xFFFFF086  }
0x25: {  	[simem:s6], [sflag:s4] =	dma.local [hbm:s3], $0xF7A  }
0x26: {  	[smem:$0x3F91] =	sst s1;
	(tag) =	ssettag s2;
	_ =	strace s9  }
0x27: {  	s1 =	sld [smem:$0x3FA1]  }
0x28: {  	s2 =	sld [smem:$0x3FA2]  }
0x29: {  	s4 =	sld [smem:$0x3FA4]  }
0x2a: {  	p0 =	seq.s32 s5, $0x0;
	s5 =	sld [smem:$0x3FA5]  }
0x2b: {  	s6 =	sld [smem:$0x3FA6]  }
0x2c: {  	s7 =	sld [smem:$0x3FA7]  }
0x2d: {  	s3 =	simm.s32 $0x108;
	s8 =	sld [smem:$0x3FA8]  }
0x2e: {  	s3 =	simm.s32 @!p0 $0x1082;
	s9 =	sld [smem:$0x3FA9]  }
0x2f: {  	lr =	sadd.s32 s0, s3;
	s0 =	sld [smem:$0x3FA0]  }
0x30: {  	s3 =	sld [smem:$0x3FA3]  }
0x31: {  	[smem:$0x3FAC] =	sst s10  }
0x32: {  	s10 =	sld [smem:$0x3FAA];
	_ =	sdelay $0x3  }
0x33: {  	p0 =	seq.s32 s10, $0x1;
	s10 =	sld [smem:$0x3FAC];
	_ =	sdelay $0x3  }
0x34: {  	[smem:$0x3FAC] =	sst s10  }
0x35: {  	s10 =	sld [smem:$0x3FAB];
	_ =	sdelay $0x3  }
0x36: {  	p1 =	seq.s32 s10, $0x1;
	s10 =	sld [smem:$0x3FAC];
	_ =	sdelay $0x3  }
0x37: {  	[smem:$0x3FAC] =	sst s10  }
0x38: {  	s10 =	sld [smem:$0x3FAD]  }
0x39: {  	_ = 	snop;
	(pc) =	sbr.ind lr, $3  }
0x3a: {  	_ = 	snop  }
0x3b: {  	_ = 	snop  }
0x3c: {  	p2 =	seq.s32 s10, $0x1;
	s10 =	sld [smem:$0x3FAC]  }
0x3d: {  	_ =	shalt  }
0x3e: {  	_ =	shalt  }
0x3f: {  	_ =	shalt  }
0x40: {  	_ =	shalt  }
0x41: {  	_ =	shalt  }
0x42: {  	_ =	shalt  }
0x43: {  	_ =	shalt  }
0x44: {  	_ =	shalt  }
0x45: {  	_ =	shalt  }
0x46: {  	_ =	shalt  }
0x47: {  	_ =	shalt  }
0x48: {  	_ =	shalt  }
0x49: {  	_ =	shalt  }
0x4a: {  	_ =	shalt  }
0x4b: {  	_ =	shalt  }
0x4c: {  	_ =	shalt  }
0x4d: {  	_ =	shalt  }
0x4e: {  	_ =	shalt  }
0x4f: {  	_ =	shalt  }
0x50: {  	_ =	shalt  }
0x51: {  	_ =	shalt  }
0x52: {  	_ =	shalt  }
0x53: {  	_ =	shalt  }
0x54: {  	_ =	shalt  }
0x55: {  	_ =	shalt  }
0x56: {  	_ =	shalt  }
0x57: {  	_ =	shalt  }
0x58: {  	_ =	shalt  }
0x59: {  	_ =	shalt  }
0x5a: {  	_ =	shalt  }
0x5b: {  	_ =	shalt  }
0x5c: {  	_ =	shalt  }
0x5d: {  	_ =	shalt  }
0x5e: {  	_ =	shalt  }
0x5f: {  	_ =	shalt  }
0x60: {  	_ =	shalt  }
0x61: {  	_ =	shalt  }
0x62: {  	_ =	shalt  }
0x63: {  	_ =	shalt  }
0x64: {  	_ =	shalt  }
0x65: {  	_ =	shalt  }
0x66: {  	_ =	shalt  }
0x67: {  	_ =	shalt  }
0x68: {  	_ =	shalt  }
0x69: {  	_ =	shalt  }
0x6a: {  	_ =	shalt  }
0x6b: {  	_ =	shalt  }
0x6c: {  	_ =	shalt  }
0x6d: {  	_ =	shalt  }
0x6e: {  	_ =	shalt  }
0x6f: {  	_ =	shalt  }
0x70: {  	_ =	shalt  }
0x71: {  	_ =	shalt  }
0x72: {  	_ =	shalt  }
0x73: {  	_ =	shalt  }
0x74: {  	_ =	shalt  }
0x75: {  	_ =	shalt  }
0x76: {  	_ =	shalt  }
0x77: {  	_ =	shalt  }
0x78: {  	_ =	shalt  }
0x79: {  	_ =	shalt  }
0x7a: {  	_ =	shalt  }
0x7b: {  	_ =	shalt  }
0x7c: {  	_ =	shalt  }
0x7d: {  	_ =	shalt  }
0x7e: {  	_ =	shalt  }
0x7f: {  	_ =	shalt  }
0x80: {  	_ =	shalt  }
0x81: {  	_ =	shalt  }
0x82: {  	_ =	shalt  }
0x83: {  	_ =	shalt  }
0x84: {  	_ =	shalt  }
0x85: {  	_ =	shalt  }
0x86: {  	_ =	shalt  }
0x87: {  	_ =	shalt  }
.Lfunc_end0:
.L_simem_size_0:
called_computation.2_lowered:
.L_overlay_start_0:
0x88: {  	s2 =	sld [smem:$0x3FD9]  }
0x89: {  	s3 =	sld [smem:$0x3FFE];
	_ =	sdelay $0x1  }
0x8a: {  	s1 =	srdreg.scid  }
0x8b: {  	s0 =	sand.u32 $0x1, s1  }
0x8c: {  	s14 =	sshll.u32 s0, $0xA;
	s2 =	sadd.s32 s3, s2  }
0x8d: {  	s2 =	sadd.s32 s2, s14  }
0x8e: {  	[smem:$0x3FB8] =	sst s2  }
0x8f: {  	_ = 	snop  }
0x90: {  	s2 =	sld [smem:$0x3FD0];
	_ =	sdelay $0x2  }
0x91: {  	s15 =	simm.s32 $0xB;
	s4 =	simm.s32 $0x10  }
0x92: {  	[smem:s4], [sflag:s15] =	dma.local [hbm:s2], $0x1  }
0x93: {  	_ =	swait.eq [sflag:s15], $0x1  }
0x94: {  	[sflag:s15] =	ssyncset.done $0x0  }
0x95: {  	s16 =	sld [smem:$0x10];
	[sflag:s15] =	ssyncadd.s32 $0xFFFFFFFF  }
0x96: {  	s17 =	sld [smem:$0x11];
	(tm) =	ssettm $0x1  }
0x97: {  	s18 =	sld [smem:$0x3FFB];
	_ =	sdelay $0x3  }
0x98: {  	_ =	strace s18  }
0x99: {  	s4 =	sld [smem:$0x3FFC];
	_ =	sdelay $0x3  }
0x9a: {  	_ =	strace s4  }
0x9b: {  	s4 =	sld [smem:$0x3FFD];
	_ =	sdelay $0x3  }
0x9c: {  	_ =	strace s4  }
0x9d: {  	_ =	strace $0x8FFFFFFF  }
0x9e: {  	s19 =	sld [smem:$0x3FDB];
	_ =	sdelay $0x1  }
0x9f: {  	s5 =	simm.s32 $_scs_section_size  }
0xa0: {  	s6 =	simm.s32 $_size__tile_overlayer_lowered;
	s7 =	simm.s32 $_tile_overlayer_lowered  }
0xa1: {  	s22 =	simm.s32 $0x1BFF;
	s21 =	sshll.u32 s7, $0x1;
	s4 =	sadd.s32 s5, s19  }
0xa2: {  	s8 =	simm.s32 $0x0;
	s20 =	sshll.u32 s6, $0x1;
	s6 =	sadd.s32 s21, s4  }
0xa3: {  	[timem:s8], [sflag:s22] =	dma.local [hbm:s6], s20  }
0xa4: {  	_ =	swait.ge [sflag:s22], s20  }
0xa5: {  	s5 =	ssub.s32 $0x0, s20;
	[sflag:s22] =	ssyncset.done $0x0  }
0xa6: {  	[sflag:s22] =	ssyncadd.s32 s5;
	_ =	sdelay $0x1  }
0xa7: {  	s23 =	simm.s32 $0x1B8B  }
0xa8: {  	_ =	swait.ge [sflag:s23], $0x1  }
0xa9: {  	[sflag:s23] =	ssyncset.done $0x0  }
0xaa: {  	s25 =	simm.s32 $0x1B8E;
	s24 =	sld [smem:$0x3FFE];
	[sflag:s23] =	ssyncadd.s32 $0xFFFFFFFF  }
0xab: {  	s26 =	simm.s32 $execute0_lowered;
	[smem:$0x3FD2] =	sst s25  }
0xac: {  	s6 =	sshll.u32 s26, $0x1;
	_ =	strace $0x80000046;
	[dreg:$0x1] =	wrdreg $0xFFFFFFFF  }
0xad: {  	s28 =	simm.s32 $_size_execute0_lowered;
	s4 =	sadd.s32 s4, s6;
	[dreg:$0x0] =	wrdreg $0x0  }
0xae: {  	s6 =	sshll.u32 s28, $0x1;
	[dreg:$0x2] =	wrdreg s4  }
0xaf: {  	[dreg:$0x3] =	wrdreg s6  }
0xb0: {  	[dreg:$0x4] =	wrdreg $0xC0  }
0xb1: {  	_ =	task [dreg:s8], $0x5FFFF  }
0xb2: {  	[dreg:$0x1] =	wrdreg $0xFFFFFFFF  }
0xb3: {  	[dreg:$0x0] =	wrdreg $0x60  }
0xb4: {  	[dreg:$0x2] =	wrdreg s17  }
0xb5: {  	[dreg:$0x3] =	wrdreg s24  }
0xb6: {  	[dreg:$0x4] =	wrdreg s16  }
0xb7: {  	[dreg:$0x5] =	wrdreg $0x9  }
0xb8: {  	_ =	task.clear_ibuf [dreg:s8], $0x6FFFF;
	_ =	strace $0x90000046  }
0xb9: {  	s29 =	simm.s32 $0x9;
	_ =	strace $0x80000048  }
0xba: {  	_ =	swait.ge [sflag:s29], $0x1  }
0xbb: {  	[sflag:s29] =	ssyncadd.s32 $0xFFFFFFFF  }
0xbc: {  	_ =	strace $0x90000048  }
0xbd: {  	_ =	sfence  }
0xbe: {  	s30 =	sld [smem:$0x0];
	_ =	sdelay $0x2  }
0xbf: {  	s31 =	sshll.u32 s1, $0xD;
	s1 =	sshrl.u32 s1, $0x2  }
0xc0: {  	s3 =	sand.u32 $0x4000, s31;
	s1 =	sadd.s32 s1, s30  }
0xc1: {  	s0 =	sor.u32 s3, s0;
	s1 =	sshll.u32 s1, $0x11  }
0xc2: {  	s0 =	sor.u32 s1, s0  }
0xc3: {  	s0 =	sadd.s32 $0x8F2B, s0  }
0xc4: {  	[sflag:s0] =	ssyncadd.remote.s32 $0x1  }
0xc5: {  	_ =	sfence.sel $0xFFFF  }
0xc6: {  	[dreg:$0x0] =	wrdreg $0xFFFFFFFF;
	(pc) =	sbr.abs _section_cstart, $3  }
0xc7: {  	[dreg:$0x1] =	wrdreg $0xFFFFFFFF  }
0xc8: {  	_ =	task.clear_ibuf [dreg:s8], $0x2FFFF;
	_ =	strace $0x9FFFFFFF  }
0xc9: {  	(tm) =	ssettm $0x7FFFFFFF  }
tec
execute0_lowered:
.L_overlay_start_1:
0x0: {  	(tag) =	ssettag $0x1  }
0x1: {  	s2 =	rddreg [dreg:$0x0]  }
0x2: {  	s0 =	rddreg [dreg:$0x1]  }
0x3: {  	s1 =	rddreg [dreg:$0x2]  }
0x4: {  	s10 =	stileid.u32;
	s4 =	srdreg.scid  }
0x5: {  	s3 =	simm.s32 $0x0;
	s20 =	simm.s32 $0x3;
	s11 =	simm.s32 $0x80  }
0x6: {  	s24 =	simm.s32 $0x1;
	s13 =	simm.s32 $0x3200;
	s15 =	simm.s32 $0x3A00  }
0x7: {  	s17 =	simm.s32 $0x4200;
	s19 =	simm.s32 $0x4A00;
	s21 =	simm.s32 $0x5200  }
0x8: {  	s22 =	simm.s32 $0x500;
	s23 =	simm.s32 $0x5A00;
	s25 =	simm.s32 $0x580  }
0x9: {  	s12 =	simm.s32 $0x6200;
	s14 =	simm.s32 $0x9200;
	s16 =	simm.s32 $0x9A00  }
0xa: {  	s18 =	simm.s32 $0xA200;
	s5 =	smul.u32 $0x280, s10;
	s4 =	sand.u32 $0x1, s4  }
0xb: {  	[smem:$0x7FF] =	sst s3;
	s6 =	smul.u32 $0x2800, s10;
	s28 =	sshll.u32 s10, $0x1  }
0xc: {  	s7 =	ssub.s32 $0x2, s4;
	_ =	strace $0x80000047;
	s9 =	smul.u32 $0x140, s4  }
0xd: {  	s29 =	smul.u32 $0x1400, s4;
	s31 =	sor.u32 s4, s28;
	s8 =	sshrl.u32 s7, $0x1  }
0xe: {  	s5 =	sadd.s32 s5, s0;
	s1 =	sadd.s32 s6, s1;
	[dreg:$0x9] =	wrdreg s31  }
0xf: {  	s7 =	ssub.s32 s7, s8;
	s5 =	sadd.s32 s9, s5;
	s1 =	sadd.s32 s29, s1  }
.Ltmp0:
0x10: {  	s7 =	smax.u32 s7, $0x1;
	[dreg:$0x7] =	wrdreg s1;
	(pc) =	sbr.rel .LBB2_1-.Ltmp0, $4  }
0x11: {  	s0 =	sadd.s32 s6, s0;
	s30 =	sadd.s32 $0x35800, s5;
	[dreg:$0x4] =	wrdreg s7  }
0x12: {  	s0 =	sadd.s32 s29, s0;
	s5 =	sadd.s32 $0x4A00, s5;
	[dreg:$0x5] =	wrdreg s30  }
0x13: {  	s8 =	simm.s32 $0x2200;
	s0 =	sadd.s32 $0x66600, s0;
	[dreg:$0x6] =	wrdreg s5  }
0x14: {  	[dreg:$0x8] =	wrdreg s0;
	s0 =	simm.s32 $0x0;
	s5 =	simm.s32 $0x2A00  }
.LBB2_5:
0x15: {  	s0 =	rddreg [dreg:$0xa]  }
0x16: {  	s26 =	rddreg [dreg:$0x4];
	s0 =	sadd.s32 $0x1, s0  }
0x17: {  	p0 =	sne.s32 s0, s26  }
.Ltmp1:
0x18: {  	_ = 	snop;
	(pc) =	sbr.rel @!p0 .LBB2_6-.Ltmp1, $1  }
0x19: {  	_ =	sdelay $0x3  }
.LBB2_1:
.Ltmp2:
0x1a: {  	(pc) =	sbr.rel .LBB2_2-.Ltmp2, $4  }
0x1b: {  	[dreg:$0xa] =	wrdreg s0  }
0x1c: {  	s26 =	rddreg [dreg:$0x9]  }
0x1d: {  	s28 =	rddreg [dreg:$0x8]  }
0x1e: {  	s29 =	rddreg [dreg:$0x7];
	s30 =	simm.s32 $0x0  }
.LBB2_4:
0x1f: {  	s30 =	sadd.s32 $0x2800, s30  }
0x20: {  	p0 =	sne.s32 s30, $0x32000  }
.Ltmp3:
0x21: {  	_ = 	snop;
	(pc) =	sbr.rel @!p0 .LBB2_5-.Ltmp3, $2  }
0x22: {  	_ =	sdelay $0x2  }
0x23: {  	s29 =	sadd.s32 $0x28000, s29;
	s28 =	sadd.s32 $0x28000, s28;
	s26 =	sadd.s32 $0x20, s26  }
.LBB2_2:
0x24: {  	p0 =	sgt.u32 s26, $0x270  }
.Ltmp4:
0x25: {  	_ = 	snop;
	(pc) =	sbr.rel @p0 .LBB2_4-.Ltmp4, $1  }
0x26: {  	_ =	sdelay $0x3  }
0x27: {  	s31 =	rddreg [dreg:$0x5]  }
0x28: {  	s0 =	simm.s32 $0x0;
	s31 =	sadd.s32 s30, s31  }
0x29: {  	[tilespmem:s0], [sflag:$0x3] =	stream.linear.gather [hbm4b:s31+s0], $0xA00, $0x38;
	[tilespmem:$0xAA00] =	vst v63  }
0x2a: {  	_ =	swait.ge [sflag:s20], $0xA00  }
0x2b: {  	[sflag:s20] =	ssyncset.done $0x0  }
0x2c: {  	s1 =	simm.s32 $0xA00;
	[sflag:s20] =	ssyncadd.s32 $0xFFFFF600  }
0x2d: {  	[tilespmem:s1], [sflag:$0x1] =	stream.indirect.gather [hbm4b:s2+s11], $0x10, s0, s11, $0xb8;
	[tilespmem:$0xAA00] =	vst v63  }
0x2e: {  	s7 =	simm.s32 $0x1200  }
0x2f: {  	[tilespmem:s7], [sflag:$0x1] =	stream.indirect.gather [hbm4b:s2+s11], $0x10, s11, s11, $0xb8;
	[tilespmem:$0xAA00] =	vst v63  }
0x30: {  	s9 =	simm.s32 $0x100;
	s4 =	simm.s32 $0x1A00  }
0x31: {  	[tilespmem:s4], [sflag:$0x1] =	stream.indirect.gather [hbm4b:s2+s11], $0x10, s9, s11, $0xb8;
	[tilespmem:$0xAA00] =	vst v63  }
0x32: {  	s10 =	simm.s32 $0x180  }
0x33: {  	[tilespmem:s8], [sflag:$0x1] =	stream.indirect.gather [hbm4b:s2+s11], $0x10, s10, s11, $0xb8;
	[tilespmem:$0xAA00] =	vst v63  }
0x34: {  	s31 =	simm.s32 $0x200  }
0x35: {  	[tilespmem:s5], [sflag:$0x1] =	stream.indirect.gather [hbm4b:s2+s11], $0x10, s31, s11, $0xb8;
	[tilespmem:$0xAA00] =	vst v63  }
0x36: {  	s3 =	simm.s32 $0x280  }
0x37: {  	[tilespmem:s13], [sflag:$0x1] =	stream.indirect.gather [hbm4b:s2+s11], $0x10, s3, s11, $0xb8;
	[tilespmem:$0xAA00] =	vst v63  }
0x38: {  	s6 =	simm.s32 $0x300  }
0x39: {  	[tilespmem:s15], [sflag:$0x1] =	stream.indirect.gather [hbm4b:s2+s11], $0x10, s6, s11, $0xb8;
	[tilespmem:$0xAA00] =	vst v63  }
0x3a: {  	s7 =	simm.s32 $0x380  }
0x3b: {  	[tilespmem:s17], [sflag:$0x1] =	stream.indirect.gather [hbm4b:s2+s11], $0x10, s7, s11, $0xb8;
	[tilespmem:$0xAA00] =	vst v63  }
0x3c: {  	s9 =	simm.s32 $0x400  }
0x3d: {  	[tilespmem:s19], [sflag:$0x1] =	stream.indirect.gather [hbm4b:s2+s11], $0x10, s9, s11, $0xb8;
	[tilespmem:$0xAA00] =	vst v63  }
0x3e: {  	s10 =	simm.s32 $0x480  }
0x3f: {  	[tilespmem:s21], [sflag:$0x1] =	stream.indirect.gather [hbm4b:s2+s11], $0x10, s10, s11, $0xb8;
	[tilespmem:$0xAA00] =	vst v63  }
0x40: {  	_ = 	snop  }
0x41: {  	[tilespmem:s23], [sflag:$0x1] =	stream.indirect.gather [hbm4b:s2+s11], $0x10, s22, s11, $0xb8;
	[tilespmem:$0xAA00] =	vst v63  }
0x42: {  	_ = 	snop  }
0x43: {  	[tilespmem:s12], [sflag:$0x1] =	stream.indirect.gather [hbm4b:s2+s11], $0x10, s25, s11, $0xb8;
	[tilespmem:$0xAA00] =	vst v63  }
0x44: {  	s1 =	simm.s32 $0x6A00;
	s3 =	simm.s32 $0x600  }
0x45: {  	[tilespmem:s1], [sflag:$0x1] =	stream.indirect.gather [hbm4b:s2+s11], $0x10, s3, s11, $0xb8;
	[tilespmem:$0xAA00] =	vst v63  }
0x46: {  	s6 =	simm.s32 $0x680;
	s3 =	simm.s32 $0x7200  }
0x47: {  	[tilespmem:s3], [sflag:$0x1] =	stream.indirect.gather [hbm4b:s2+s11], $0x10, s6, s11, $0xb8;
	[tilespmem:$0xAA00] =	vst v63  }
0x48: {  	s7 =	simm.s32 $0x700;
	s6 =	simm.s32 $0x7A00  }
0x49: {  	[tilespmem:s6], [sflag:$0x1] =	stream.indirect.gather [hbm4b:s2+s11], $0x10, s7, s11, $0xb8;
	[tilespmem:$0xAA00] =	vst v63  }
0x4a: {  	s9 =	simm.s32 $0x780;
	s7 =	simm.s32 $0x8200  }
0x4b: {  	[tilespmem:s7], [sflag:$0x1] =	stream.indirect.gather [hbm4b:s2+s11], $0x10, s9, s11, $0xb8;
	[tilespmem:$0xAA00] =	vst v63  }
0x4c: {  	s10 =	simm.s32 $0x800;
	s9 =	simm.s32 $0x8A00  }
0x4d: {  	[tilespmem:s9], [sflag:$0x1] =	stream.indirect.gather [hbm4b:s2+s11], $0x10, s10, s11, $0xb8;
	[tilespmem:$0xAA00] =	vst v63  }
0x4e: {  	s31 =	simm.s32 $0x880  }
0x4f: {  	[tilespmem:s14], [sflag:$0x1] =	stream.indirect.gather [hbm4b:s2+s11], $0x10, s31, s11, $0xb8;
	[tilespmem:$0xAA00] =	vst v63  }
0x50: {  	s31 =	simm.s32 $0x900  }
0x51: {  	[tilespmem:s16], [sflag:$0x1] =	stream.indirect.gather [hbm4b:s2+s11], $0x10, s31, s11, $0xb8;
	[tilespmem:$0xAA00] =	vst v63  }
0x52: {  	s31 =	simm.s32 $0x980  }
0x53: {  	[tilespmem:s18], [sflag:$0x1] =	stream.indirect.gather [hbm4b:s2+s11], $0x10, s31, s11, $0xb8;
	[tilespmem:$0xAA00] =	vst v63  }
0x54: {  	_ =	swait.ge [sflag:s24], $0x800  }
0x55: {  	[sflag:s24] =	ssyncset.done $0x0  }
0x56: {  	[sflag:s24] =	ssyncadd.s32 $0xFFFFF800  }
0x57: {  	_ =	swait.ge [sflag:s24], $0x800  }
0x58: {  	[sflag:s24] =	ssyncset.done $0x0  }
0x59: {  	[sflag:s24] =	ssyncadd.s32 $0xFFFFF800  }
0x5a: {  	_ =	swait.ge [sflag:s24], $0x800  }
0x5b: {  	[sflag:s24] =	ssyncset.done $0x0  }
0x5c: {  	[sflag:s24] =	ssyncadd.s32 $0xFFFFF800  }
0x5d: {  	_ =	swait.ge [sflag:s24], $0x800  }
0x5e: {  	[sflag:s24] =	ssyncset.done $0x0  }
0x5f: {  	[sflag:s24] =	ssyncadd.s32 $0xFFFFF800  }
0x60: {  	_ =	swait.ge [sflag:s24], $0x800  }
0x61: {  	[sflag:s24] =	ssyncset.done $0x0  }
0x62: {  	[sflag:s24] =	ssyncadd.s32 $0xFFFFF800  }
0x63: {  	_ =	swait.ge [sflag:s24], $0x800  }
0x64: {  	[sflag:s24] =	ssyncset.done $0x0  }
0x65: {  	[sflag:s24] =	ssyncadd.s32 $0xFFFFF800  }
0x66: {  	_ =	swait.ge [sflag:s24], $0x800  }
0x67: {  	[sflag:s24] =	ssyncset.done $0x0  }
0x68: {  	[sflag:s24] =	ssyncadd.s32 $0xFFFFF800  }
0x69: {  	_ =	swait.ge [sflag:s24], $0x800  }
0x6a: {  	[sflag:s24] =	ssyncset.done $0x0  }
0x6b: {  	[sflag:s24] =	ssyncadd.s32 $0xFFFFF800  }
0x6c: {  	_ =	swait.ge [sflag:s24], $0x800  }
0x6d: {  	[sflag:s24] =	ssyncset.done $0x0  }
0x6e: {  	[sflag:s24] =	ssyncadd.s32 $0xFFFFF800  }
0x6f: {  	_ =	swait.ge [sflag:s24], $0x800  }
0x70: {  	[sflag:s24] =	ssyncset.done $0x0  }
0x71: {  	[sflag:s24] =	ssyncadd.s32 $0xFFFFF800  }
0x72: {  	_ =	swait.ge [sflag:s24], $0x800  }
0x73: {  	[sflag:s24] =	ssyncset.done $0x0  }
0x74: {  	[sflag:s24] =	ssyncadd.s32 $0xFFFFF800  }
0x75: {  	_ =	swait.ge [sflag:s24], $0x800  }
0x76: {  	[sflag:s24] =	ssyncset.done $0x0  }
0x77: {  	[sflag:s24] =	ssyncadd.s32 $0xFFFFF800  }
0x78: {  	_ =	swait.ge [sflag:s24], $0x800  }
0x79: {  	[sflag:s24] =	ssyncset.done $0x0  }
0x7a: {  	[sflag:s24] =	ssyncadd.s32 $0xFFFFF800  }
0x7b: {  	_ =	swait.ge [sflag:s24], $0x800  }
0x7c: {  	[sflag:s24] =	ssyncset.done $0x0  }
0x7d: {  	[sflag:s24] =	ssyncadd.s32 $0xFFFFF800  }
0x7e: {  	_ =	swait.ge [sflag:s24], $0x800  }
0x7f: {  	[sflag:s24] =	ssyncset.done $0x0  }
0x80: {  	[sflag:s24] =	ssyncadd.s32 $0xFFFFF800  }
0x81: {  	_ =	swait.ge [sflag:s24], $0x800  }
0x82: {  	[sflag:s24] =	ssyncset.done $0x0  }
0x83: {  	[sflag:s24] =	ssyncadd.s32 $0xFFFFF800  }
0x84: {  	_ =	swait.ge [sflag:s24], $0x800  }
0x85: {  	[sflag:s24] =	ssyncset.done $0x0  }
0x86: {  	[sflag:s24] =	ssyncadd.s32 $0xFFFFF800  }
0x87: {  	_ =	swait.ge [sflag:s24], $0x800  }
0x88: {  	[sflag:s24] =	ssyncset.done $0x0  }
0x89: {  	[sflag:s24] =	ssyncadd.s32 $0xFFFFF800  }
0x8a: {  	_ =	swait.ge [sflag:s24], $0x800  }
0x8b: {  	[sflag:s24] =	ssyncset.done $0x0  }
0x8c: {  	[sflag:s24] =	ssyncadd.s32 $0xFFFFF800  }
0x8d: {  	_ =	swait.ge [sflag:s24], $0x800  }
0x8e: {  	[sflag:s24] =	ssyncset.done $0x0  }
0x8f: {  	s10 =	simm.s32 $0xA00;
	[sflag:s24] =	ssyncadd.s32 $0xFFFFF800  }
0x90: {  	[hbm4b:s29+s0] =	stream.linear.scatter [tilespmem:s10], [sflag:$0x3], $0xA000, $0x38;
	[tilespmem:$0xAA00] =	vst v63  }
0x91: {  	_ =	swait.ge [sflag:s20], $0xA000  }
0x92: {  	[sflag:s20] =	ssyncset.done $0x0;
	s31 =	rddreg [dreg:$0x6]  }
0x93: {  	[sflag:s20] =	ssyncadd.s32 $0xFFFF6000;
	s31 =	sadd.s32 s30, s31  }
0x94: {  	[tilespmem:s0], [sflag:$0x3] =	stream.linear.gather [hbm4b:s31+s0], $0xA00, $0x38;
	[tilespmem:$0xAA00] =	vst v63  }
0x95: {  	_ =	swait.ge [sflag:s20], $0xA00  }
0x96: {  	[sflag:s20] =	ssyncset.done $0x0  }
0x97: {  	[sflag:s20] =	ssyncadd.s32 $0xFFFFF600  }
0x98: {  	[tilespmem:s10], [sflag:$0x1] =	stream.indirect.gather [hbm4b:s2+s11], $0x10, s0, s11, $0xb8;
	[tilespmem:$0xAA00] =	vst v63  }
0x99: {  	s10 =	simm.s32 $0x1200  }
0x9a: {  	[tilespmem:s10], [sflag:$0x1] =	stream.indirect.gather [hbm4b:s2+s11], $0x10, s11, s11, $0xb8;
	[tilespmem:$0xAA00] =	vst v63  }
0x9b: {  	s10 =	simm.s32 $0x100  }
0x9c: {  	[tilespmem:s4], [sflag:$0x1] =	stream.indirect.gather [hbm4b:s2+s11], $0x10, s10, s11, $0xb8;
	[tilespmem:$0xAA00] =	vst v63  }
0x9d: {  	s10 =	simm.s32 $0x180  }
0x9e: {  	[tilespmem:s8], [sflag:$0x1] =	stream.indirect.gather [hbm4b:s2+s11], $0x10, s10, s11, $0xb8;
	[tilespmem:$0xAA00] =	vst v63  }
0x9f: {  	s10 =	simm.s32 $0x200  }
0xa0: {  	[tilespmem:s5], [sflag:$0x1] =	stream.indirect.gather [hbm4b:s2+s11], $0x10, s10, s11, $0xb8;
	[tilespmem:$0xAA00] =	vst v63  }
0xa1: {  	s10 =	simm.s32 $0x280  }
0xa2: {  	[tilespmem:s13], [sflag:$0x1] =	stream.indirect.gather [hbm4b:s2+s11], $0x10, s10, s11, $0xb8;
	[tilespmem:$0xAA00] =	vst v63  }
0xa3: {  	s10 =	simm.s32 $0x300  }
0xa4: {  	[tilespmem:s15], [sflag:$0x1] =	stream.indirect.gather [hbm4b:s2+s11], $0x10, s10, s11, $0xb8;
	[tilespmem:$0xAA00] =	vst v63  }
0xa5: {  	s10 =	simm.s32 $0x380  }
0xa6: {  	[tilespmem:s17], [sflag:$0x1] =	stream.indirect.gather [hbm4b:s2+s11], $0x10, s10, s11, $0xb8;
	[tilespmem:$0xAA00] =	vst v63  }
0xa7: {  	s10 =	simm.s32 $0x400  }
0xa8: {  	[tilespmem:s19], [sflag:$0x1] =	stream.indirect.gather [hbm4b:s2+s11], $0x10, s10, s11, $0xb8;
	[tilespmem:$0xAA00] =	vst v63  }
0xa9: {  	s10 =	simm.s32 $0x480  }
0xaa: {  	[tilespmem:s21], [sflag:$0x1] =	stream.indirect.gather [hbm4b:s2+s11], $0x10, s10, s11, $0xb8;
	[tilespmem:$0xAA00] =	vst v63  }
0xab: {  	_ = 	snop  }
0xac: {  	[tilespmem:s23], [sflag:$0x1] =	stream.indirect.gather [hbm4b:s2+s11], $0x10, s22, s11, $0xb8;
	[tilespmem:$0xAA00] =	vst v63  }
0xad: {  	_ = 	snop  }
0xae: {  	[tilespmem:s12], [sflag:$0x1] =	stream.indirect.gather [hbm4b:s2+s11], $0x10, s25, s11, $0xb8;
	[tilespmem:$0xAA00] =	vst v63  }
0xaf: {  	s10 =	simm.s32 $0x600  }
0xb0: {  	[tilespmem:s1], [sflag:$0x1] =	stream.indirect.gather [hbm4b:s2+s11], $0x10, s10, s11, $0xb8;
	[tilespmem:$0xAA00] =	vst v63  }
0xb1: {  	s10 =	simm.s32 $0x680  }
0xb2: {  	[tilespmem:s3], [sflag:$0x1] =	stream.indirect.gather [hbm4b:s2+s11], $0x10, s10, s11, $0xb8;
	[tilespmem:$0xAA00] =	vst v63  }
0xb3: {  	s3 =	simm.s32 $0x700  }
0xb4: {  	[tilespmem:s6], [sflag:$0x1] =	stream.indirect.gather [hbm4b:s2+s11], $0x10, s3, s11, $0xb8;
	[tilespmem:$0xAA00] =	vst v63  }
0xb5: {  	s4 =	simm.s32 $0x780  }
0xb6: {  	[tilespmem:s7], [sflag:$0x1] =	stream.indirect.gather [hbm4b:s2+s11], $0x10, s4, s11, $0xb8;
	[tilespmem:$0xAA00] =	vst v63  }
0xb7: {  	s6 =	simm.s32 $0x800  }
0xb8: {  	[tilespmem:s9], [sflag:$0x1] =	stream.indirect.gather [hbm4b:s2+s11], $0x10, s6, s11, $0xb8;
	[tilespmem:$0xAA00] =	vst v63  }
0xb9: {  	s7 =	simm.s32 $0x880  }
0xba: {  	[tilespmem:s14], [sflag:$0x1] =	stream.indirect.gather [hbm4b:s2+s11], $0x10, s7, s11, $0xb8;
	[tilespmem:$0xAA00] =	vst v63  }
0xbb: {  	s9 =	simm.s32 $0x900  }
0xbc: {  	[tilespmem:s16], [sflag:$0x1] =	stream.indirect.gather [hbm4b:s2+s11], $0x10, s9, s11, $0xb8;
	[tilespmem:$0xAA00] =	vst v63  }
0xbd: {  	s10 =	simm.s32 $0x980  }
0xbe: {  	[tilespmem:s18], [sflag:$0x1] =	stream.indirect.gather [hbm4b:s2+s11], $0x10, s10, s11, $0xb8;
	[tilespmem:$0xAA00] =	vst v63  }
0xbf: {  	_ =	swait.ge [sflag:s24], $0x800  }
0xc0: {  	[sflag:s24] =	ssyncset.done $0x0  }
0xc1: {  	[sflag:s24] =	ssyncadd.s32 $0xFFFFF800  }
0xc2: {  	_ =	swait.ge [sflag:s24], $0x800  }
0xc3: {  	[sflag:s24] =	ssyncset.done $0x0  }
0xc4: {  	[sflag:s24] =	ssyncadd.s32 $0xFFFFF800  }
0xc5: {  	_ =	swait.ge [sflag:s24], $0x800  }
0xc6: {  	[sflag:s24] =	ssyncset.done $0x0  }
0xc7: {  	[sflag:s24] =	ssyncadd.s32 $0xFFFFF800  }
0xc8: {  	_ =	swait.ge [sflag:s24], $0x800  }
0xc9: {  	[sflag:s24] =	ssyncset.done $0x0  }
0xca: {  	[sflag:s24] =	ssyncadd.s32 $0xFFFFF800  }
0xcb: {  	_ =	swait.ge [sflag:s24], $0x800  }
0xcc: {  	[sflag:s24] =	ssyncset.done $0x0  }
0xcd: {  	[sflag:s24] =	ssyncadd.s32 $0xFFFFF800  }
0xce: {  	_ =	swait.ge [sflag:s24], $0x800  }
0xcf: {  	[sflag:s24] =	ssyncset.done $0x0  }
0xd0: {  	[sflag:s24] =	ssyncadd.s32 $0xFFFFF800  }
0xd1: {  	_ =	swait.ge [sflag:s24], $0x800  }
0xd2: {  	[sflag:s24] =	ssyncset.done $0x0  }
0xd3: {  	[sflag:s24] =	ssyncadd.s32 $0xFFFFF800  }
0xd4: {  	_ =	swait.ge [sflag:s24], $0x800  }
0xd5: {  	[sflag:s24] =	ssyncset.done $0x0  }
0xd6: {  	[sflag:s24] =	ssyncadd.s32 $0xFFFFF800  }
0xd7: {  	_ =	swait.ge [sflag:s24], $0x800  }
0xd8: {  	[sflag:s24] =	ssyncset.done $0x0  }
0xd9: {  	[sflag:s24] =	ssyncadd.s32 $0xFFFFF800  }
0xda: {  	_ =	swait.ge [sflag:s24], $0x800  }
0xdb: {  	[sflag:s24] =	ssyncset.done $0x0  }
0xdc: {  	[sflag:s24] =	ssyncadd.s32 $0xFFFFF800  }
0xdd: {  	_ =	swait.ge [sflag:s24], $0x800  }
0xde: {  	[sflag:s24] =	ssyncset.done $0x0  }
0xdf: {  	[sflag:s24] =	ssyncadd.s32 $0xFFFFF800  }
0xe0: {  	_ =	swait.ge [sflag:s24], $0x800  }
0xe1: {  	[sflag:s24] =	ssyncset.done $0x0  }
0xe2: {  	[sflag:s24] =	ssyncadd.s32 $0xFFFFF800  }
0xe3: {  	_ =	swait.ge [sflag:s24], $0x800  }
0xe4: {  	[sflag:s24] =	ssyncset.done $0x0  }
0xe5: {  	[sflag:s24] =	ssyncadd.s32 $0xFFFFF800  }
0xe6: {  	_ =	swait.ge [sflag:s24], $0x800  }
0xe7: {  	[sflag:s24] =	ssyncset.done $0x0  }
0xe8: {  	[sflag:s24] =	ssyncadd.s32 $0xFFFFF800  }
0xe9: {  	_ =	swait.ge [sflag:s24], $0x800  }
0xea: {  	[sflag:s24] =	ssyncset.done $0x0  }
0xeb: {  	[sflag:s24] =	ssyncadd.s32 $0xFFFFF800  }
0xec: {  	_ =	swait.ge [sflag:s24], $0x800  }
0xed: {  	[sflag:s24] =	ssyncset.done $0x0  }
0xee: {  	[sflag:s24] =	ssyncadd.s32 $0xFFFFF800  }
0xef: {  	_ =	swait.ge [sflag:s24], $0x800  }
0xf0: {  	[sflag:s24] =	ssyncset.done $0x0  }
0xf1: {  	[sflag:s24] =	ssyncadd.s32 $0xFFFFF800  }
0xf2: {  	_ =	swait.ge [sflag:s24], $0x800  }
0xf3: {  	[sflag:s24] =	ssyncset.done $0x0  }
0xf4: {  	[sflag:s24] =	ssyncadd.s32 $0xFFFFF800  }
0xf5: {  	_ =	swait.ge [sflag:s24], $0x800  }
0xf6: {  	[sflag:s24] =	ssyncset.done $0x0  }
0xf7: {  	[sflag:s24] =	ssyncadd.s32 $0xFFFFF800  }
0xf8: {  	_ =	swait.ge [sflag:s24], $0x800  }
0xf9: {  	[sflag:s24] =	ssyncset.done $0x0  }
0xfa: {  	s31 =	simm.s32 $0xA00;
	[sflag:s24] =	ssyncadd.s32 $0xFFFFF800  }
0xfb: {  	[hbm4b:s28+s0] =	stream.linear.scatter [tilespmem:s31], [sflag:$0x2], $0xA000, $0x38;
	[tilespmem:$0xAA00] =	vst v63  }
.Ltmp5:
0xfc: {  	_ = 	snop;
	(pc) =	sbr.rel .LBB2_4-.Ltmp5, $4  }
0xfd: {  	s31 =	simm.s32 $0x2  }
0xfe: {  	_ =	swait.ge [sflag:s31], $0xA000  }
0xff: {  	[sflag:s31] =	ssyncset.done $0x0  }
0x100: {  	[sflag:s31] =	ssyncadd.s32 $0xFFFF6000  }
.LBB2_6:
0x101: {  	_ =	sfence.sel $0x180000  }
0x102: {  	[bflag:$0x0] =	sbarrier.arrive $0xFFFF  }
0x103: {  	_ =	strace $0x90000047  }
0x104: {  	s0 =	stileid.u32;
	[bflag:$0x2] =	sbarrier.arrive $0xFFFF  }
0x105: {  	p0 =	sne.s32 s0, $0x0;
	s0 =	rddreg [dreg:$0x3]  }
0x106: {  	s0 =	sadd.s32 @!p0 $0x100000, s0  }
0x107: {  	[sflag:s0] =	ssyncadd.tile.s32 @!p0 $0x1;
	_ =	shalt  }
.Lfunc_end2:
_tile_overlayer_lowered:
.L_overlay_start_2:
0x108: {  	(tag) =	ssettag $0x2  }
0x109: {  	s0 =	rddreg [dreg:$0x0];
	s2 =	stileid.u32  }
0x10a: {  	s1 =	rddreg [dreg:$0x1];
	p0 =	sne.s32 s2, $0x0  }
0x10b: {  	s3 =	rddreg [dreg:$0x2];
	[bflag:$0x3] =	sbarrier.arrive $0xFFFF;
	s2 =	simm.s32 @!p0 $0x1C02  }
0x10c: {  	[timem:s3], [sflag:s2] =	dma.local @!p0 [hbm:s0], s1  }
0x10d: {  	s0 =	simm.s32 @!p0 $0x2  }
0x10e: {  	_ =	swait.ge @!p0 [sflag:s0], s1  }
0x10f: {  	s1 =	ssub.s32 @!p0 $0x0, s1;
	[sflag:s0] =	ssyncset.done @!p0 $0x0  }
0x110: {  	[sflag:s0] =	ssyncadd.s32 @!p0 s1  }
0x111: {  	[bflag:$0x3] =	sbarrier.arrive $0xFFFF  }
0x112: {  	_ =	shalt  }

// kernel: kernel.9.cloned.1.call-start
scs
__scs_entry_jumppad:
0x0: {  	(pc) =	sbr.rel $0x88, $3  }
0x1: {  	(tag) =	ssettag $0x0;
	lr =	simm.s32 $0x1  }
0x2: {  	[smem:$0x3F91] =	sst lr;
	_ =	strace $0xD0000000  }
0x3: {  	_ = 	snop  }
0x4: {  	_ = 	snop  }
0x5: {  	_ = 	snop  }
0x6: {  	_ = 	snop  }
0x7: {  	_ = 	snop  }
__scs_overlays_trampoline_lowered:
0x8: {  	[smem:$0x3FA0] =	sst s0  }
0x9: {  	[smem:$0x3FA1] =	sst s1  }
0xa: {  	[smem:$0x3FA2] =	sst s2  }
0xb: {  	[smem:$0x3FA3] =	sst s3  }
0xc: {  	[smem:$0x3FA4] =	sst s4  }
0xd: {  	[smem:$0x3FA5] =	sst s5  }
0xe: {  	[smem:$0x3FA6] =	sst s6  }
0xf: {  	[smem:$0x3FA7] =	sst s7  }
0x10: {  	[smem:$0x3FA8] =	sst s8  }
0x11: {  	[smem:$0x3FA9] =	sst s9;
	s0 =	simm.s32 @!p0 $0x0  }
0x12: {  	s1 =	sld [smem:$0x3F8F];
	s0 =	simm.s32 @p0 $0x1  }
0x13: {  	[smem:$0x3FAA] =	sst s0;
	s0 =	simm.s32 @!p1 $0x0  }
0x14: {  	s2 =	sld [smem:$0x3F8E];
	s0 =	simm.s32 @p1 $0x1  }
0x15: {  	[smem:$0x3FAB] =	sst s0;
	s0 =	simm.s32 @!p2 $0x0  }
0x16: {  	s3 =	sld [smem:$0x3FDB];
	s0 =	simm.s32 @p2 $0x1  }
0x17: {  	s4 =	simm.s32 $0x1BF5;
	[smem:$0x3FAD] =	sst s0  }
0x18: {  	s0 =	sld [smem:$0x3F90];
	_ =	swait.ge [sflag:s4], $0x0  }
0x19: {  	s7 =	sld [smem:$0x3F91]  }
0x1a: {  	s8 =	sadd.s32 $0xFFFFE003, lr  }
0x1b: {  	s9 =	sadd.s32 $0xFFFFFEF7, lr;
	s5 =	simm.s32 $0xFFFFFFFF;
	p2 =	slt.u32 s8, $0xFFFFF086  }
0x1c: {  	p1 =	slt.u32 s9, $0xF7A;
	s5 =	simm.s32 @!p2 $0x0  }
0x1d: {  	s5 =	simm.s32 @p1 $0x1;
	p0 =	seq.s32 s7, s2  }
0x1e: {  	s7 =	smul.u32 @!p0 $0xF7A, s2;
	p2 =	seq.s32 @!p0 s5, $0x0  }
0x1f: {  	s9 =	smul.u32 $0xF7A, s1;
	s8 =	simm.s32 @!p0 $0x1BF5;
	p2 =	por !p2, p0  }
0x20: {  	[sflag:s8] =	ssyncset.s32 @!p0 $0xFFFFF086;
	s6 =	sadd.s32 @!p0 s3, s7;
	s7 =	simm.s32 @!p0 $0x108  }
0x21: {  	s3 =	sadd.s32 s3, s9;
	s6 =	sadd.s32 @!p0 $0x88, s6;
	s7 =	simm.s32 @p2 $0x1082  }
0x22: {  	[simem:s7], [sflag:s8] =	dma.local @!p0 [hbm:s6], $0xF7A  }
0x23: {  	s9 =	sor.u32 $0xD0000000, s2;
	s6 =	simm.s32 $0x108;
	_ =	swait.ge @!p0 [sflag:s8], $0x0  }
0x24: {  	s3 =	sadd.s32 $0x88, s3;
	s6 =	simm.s32 @!p1 $0x1082;
	[sflag:s4] =	ssyncset.s32 $0xFFFFF086  }
0x25: {  	[simem:s6], [sflag:s4] =	dma.local [hbm:s3], $0xF7A  }
0x26: {  	[smem:$0x3F91] =	sst s1;
	(tag) =	ssettag s2;
	_ =	strace s9  }
0x27: {  	s1 =	sld [smem:$0x3FA1]  }
0x28: {  	s2 =	sld [smem:$0x3FA2]  }
0x29: {  	s4 =	sld [smem:$0x3FA4]  }
0x2a: {  	p0 =	seq.s32 s5, $0x0;
	s5 =	sld [smem:$0x3FA5]  }
0x2b: {  	s6 =	sld [smem:$0x3FA6]  }
0x2c: {  	s7 =	sld [smem:$0x3FA7]  }
0x2d: {  	s3 =	simm.s32 $0x108;
	s8 =	sld [smem:$0x3FA8]  }
0x2e: {  	s3 =	simm.s32 @!p0 $0x1082;
	s9 =	sld [smem:$0x3FA9]  }
0x2f: {  	lr =	sadd.s32 s0, s3;
	s0 =	sld [smem:$0x3FA0]  }
0x30: {  	s3 =	sld [smem:$0x3FA3]  }
0x31: {  	[smem:$0x3FAC] =	sst s10  }
0x32: {  	s10 =	sld [smem:$0x3FAA];
	_ =	sdelay $0x3  }
0x33: {  	p0 =	seq.s32 s10, $0x1;
	s10 =	sld [smem:$0x3FAC];
	_ =	sdelay $0x3  }
0x34: {  	[smem:$0x3FAC] =	sst s10  }
0x35: {  	s10 =	sld [smem:$0x3FAB];
	_ =	sdelay $0x3  }
0x36: {  	p1 =	seq.s32 s10, $0x1;
	s10 =	sld [smem:$0x3FAC];
	_ =	sdelay $0x3  }
0x37: {  	[smem:$0x3FAC] =	sst s10  }
0x38: {  	s10 =	sld [smem:$0x3FAD]  }
0x39: {  	_ = 	snop;
	(pc) =	sbr.ind lr, $3  }
0x3a: {  	_ = 	snop  }
0x3b: {  	_ = 	snop  }
0x3c: {  	p2 =	seq.s32 s10, $0x1;
	s10 =	sld [smem:$0x3FAC]  }
0x3d: {  	_ =	shalt  }
0x3e: {  	_ =	shalt  }
0x3f: {  	_ =	shalt  }
0x40: {  	_ =	shalt  }
0x41: {  	_ =	shalt  }
0x42: {  	_ =	shalt  }
0x43: {  	_ =	shalt  }
0x44: {  	_ =	shalt  }
0x45: {  	_ =	shalt  }
0x46: {  	_ =	shalt  }
0x47: {  	_ =	shalt  }
0x48: {  	_ =	shalt  }
0x49: {  	_ =	shalt  }
0x4a: {  	_ =	shalt  }
0x4b: {  	_ =	shalt  }
0x4c: {  	_ =	shalt  }
0x4d: {  	_ =	shalt  }
0x4e: {  	_ =	shalt  }
0x4f: {  	_ =	shalt  }
0x50: {  	_ =	shalt  }
0x51: {  	_ =	shalt  }
0x52: {  	_ =	shalt  }
0x53: {  	_ =	shalt  }
0x54: {  	_ =	shalt  }
0x55: {  	_ =	shalt  }
0x56: {  	_ =	shalt  }
0x57: {  	_ =	shalt  }
0x58: {  	_ =	shalt  }
0x59: {  	_ =	shalt  }
0x5a: {  	_ =	shalt  }
0x5b: {  	_ =	shalt  }
0x5c: {  	_ =	shalt  }
0x5d: {  	_ =	shalt  }
0x5e: {  	_ =	shalt  }
0x5f: {  	_ =	shalt  }
0x60: {  	_ =	shalt  }
0x61: {  	_ =	shalt  }
0x62: {  	_ =	shalt  }
0x63: {  	_ =	shalt  }
0x64: {  	_ =	shalt  }
0x65: {  	_ =	shalt  }
0x66: {  	_ =	shalt  }
0x67: {  	_ =	shalt  }
0x68: {  	_ =	shalt  }
0x69: {  	_ =	shalt  }
0x6a: {  	_ =	shalt  }
0x6b: {  	_ =	shalt  }
0x6c: {  	_ =	shalt  }
0x6d: {  	_ =	shalt  }
0x6e: {  	_ =	shalt  }
0x6f: {  	_ =	shalt  }
0x70: {  	_ =	shalt  }
0x71: {  	_ =	shalt  }
0x72: {  	_ =	shalt  }
0x73: {  	_ =	shalt  }
0x74: {  	_ =	shalt  }
0x75: {  	_ =	shalt  }
0x76: {  	_ =	shalt  }
0x77: {  	_ =	shalt  }
0x78: {  	_ =	shalt  }
0x79: {  	_ =	shalt  }
0x7a: {  	_ =	shalt  }
0x7b: {  	_ =	shalt  }
0x7c: {  	_ =	shalt  }
0x7d: {  	_ =	shalt  }
0x7e: {  	_ =	shalt  }
0x7f: {  	_ =	shalt  }
0x80: {  	_ =	shalt  }
0x81: {  	_ =	shalt  }
0x82: {  	_ =	shalt  }
0x83: {  	_ =	shalt  }
0x84: {  	_ =	shalt  }
0x85: {  	_ =	shalt  }
0x86: {  	_ =	shalt  }
0x87: {  	_ =	shalt  }
.Lfunc_end0:
.L_simem_size_0:
called_computation.3_lowered:
.L_overlay_start_0:
0x88: {  	s2 =	sld [smem:$0x3FD9]  }
0x89: {  	s3 =	sld [smem:$0x3FFE];
	_ =	sdelay $0x1  }
0x8a: {  	s1 =	srdreg.scid  }
0x8b: {  	s0 =	sand.u32 $0x1, s1  }
0x8c: {  	s16 =	sshll.u32 s0, $0xA;
	s2 =	sadd.s32 s3, s2  }
0x8d: {  	s2 =	sadd.s32 s2, s16  }
0x8e: {  	[smem:$0x3FB8] =	sst s2  }
0x8f: {  	_ = 	snop  }
0x90: {  	(tm) =	ssettm $0x1  }
0x91: {  	s17 =	sld [smem:$0x3FFB];
	_ =	sdelay $0x3  }
0x92: {  	_ =	strace s17  }
0x93: {  	s2 =	sld [smem:$0x3FFC];
	_ =	sdelay $0x3  }
0x94: {  	_ =	strace s2  }
0x95: {  	s2 =	sld [smem:$0x3FFD];
	_ =	sdelay $0x3  }
0x96: {  	_ =	strace s2  }
0x97: {  	_ =	strace $0x8FFFFFFF  }
0x98: {  	s18 =	sld [smem:$0x3FDB];
	_ =	sdelay $0x1  }
0x99: {  	s19 =	simm.s32 $_scs_section_size  }
0x9a: {  	s4 =	simm.s32 $_size__tile_overlayer_lowered;
	s5 =	simm.s32 $_tile_overlayer_lowered  }
0x9b: {  	s22 =	simm.s32 $0x1BFF;
	s21 =	sshll.u32 s5, $0x1;
	s2 =	sadd.s32 s19, s18  }
0x9c: {  	s6 =	simm.s32 $0x0;
	s20 =	sshll.u32 s4, $0x1;
	s4 =	sadd.s32 s21, s2  }
0x9d: {  	[timem:s6], [sflag:s22] =	dma.local [hbm:s4], s20  }
0x9e: {  	_ =	swait.ge [sflag:s22], s20  }
0x9f: {  	s3 =	ssub.s32 $0x0, s20;
	[sflag:s22] =	ssyncset.done $0x0  }
0xa0: {  	[sflag:s22] =	ssyncadd.s32 s3;
	_ =	sdelay $0x1  }
0xa1: {  	s23 =	simm.s32 $0x1B8B  }
0xa2: {  	_ =	swait.ge [sflag:s23], $0x1  }
0xa3: {  	[sflag:s23] =	ssyncset.done $0x0  }
0xa4: {  	s25 =	simm.s32 $0x1B8E;
	s24 =	sld [smem:$0x3FFE];
	[sflag:s23] =	ssyncadd.s32 $0xFFFFFFFF  }
0xa5: {  	s26 =	simm.s32 $execute0_lowered;
	[smem:$0x3FD2] =	sst s25  }
0xa6: {  	s4 =	sshll.u32 s26, $0x1;
	_ =	strace $0x8000004C;
	[dreg:$0x1] =	wrdreg $0xFFFFFFFF  }
0xa7: {  	s28 =	simm.s32 $_size_execute0_lowered;
	s2 =	sadd.s32 s2, s4;
	[dreg:$0x0] =	wrdreg $0x0  }
0xa8: {  	s4 =	sshll.u32 s28, $0x1;
	[dreg:$0x2] =	wrdreg s2  }
0xa9: {  	[dreg:$0x3] =	wrdreg s4  }
0xaa: {  	[dreg:$0x4] =	wrdreg $0xC0  }
0xab: {  	_ =	task [dreg:s6], $0x5FFFF  }
0xac: {  	[dreg:$0x1] =	wrdreg $0xFFFFFFFF  }
0xad: {  	[dreg:$0x0] =	wrdreg $0x60  }
0xae: {  	[dreg:$0x2] =	wrdreg s24  }
0xaf: {  	[dreg:$0x3] =	wrdreg $0x0  }
0xb0: {  	[dreg:$0x4] =	wrdreg $0xA  }
0xb1: {  	_ =	task.clear_ibuf [dreg:s6], $0x5FFFF;
	_ =	strace $0x9000004C  }
0xb2: {  	s29 =	simm.s32 $0xA;
	_ =	strace $0x8000004E  }
0xb3: {  	_ =	swait.ge [sflag:s29], $0x1  }
0xb4: {  	[sflag:s29] =	ssyncadd.s32 $0xFFFFFFFF  }
0xb5: {  	_ =	strace $0x9000004E  }
0xb6: {  	_ =	sfence  }
0xb7: {  	s30 =	sld [smem:$0x0];
	_ =	sdelay $0x2  }
0xb8: {  	s31 =	sshll.u32 s1, $0xD;
	s1 =	sshrl.u32 s1, $0x2  }
0xb9: {  	s3 =	sand.u32 $0x4000, s31;
	s1 =	sadd.s32 s1, s30  }
0xba: {  	s0 =	sor.u32 s3, s0;
	s1 =	sshll.u32 s1, $0x11  }
0xbb: {  	s0 =	sor.u32 s1, s0  }
0xbc: {  	s0 =	sadd.s32 $0x8F2B, s0  }
0xbd: {  	[sflag:s0] =	ssyncadd.remote.s32 $0x1  }
0xbe: {  	_ =	sfence.sel $0xFFFF  }
0xbf: {  	[dreg:$0x0] =	wrdreg $0xFFFFFFFF;
	(pc) =	sbr.abs _section_cstart, $3  }
0xc0: {  	[dreg:$0x1] =	wrdreg $0xFFFFFFFF  }
0xc1: {  	_ =	task.clear_ibuf [dreg:s6], $0x2FFFF;
	_ =	strace $0x9FFFFFFF  }
0xc2: {  	(tm) =	ssettm $0x7FFFFFFF  }
0xc3: {  	_ =	shalt  }
tec
execute0_lowered:
.L_overlay_start_1:
0x0: {  	(tag) =	ssettag $0x1  }
0x1: {  	s4 =	rddreg [dreg:$0x0]  }
0x2: {  	s2 =	rddreg [dreg:$0x1];
	s1 =	stileid.u32  }
0x3: {  	s3 =	srdreg.scid;
	s6 =	smul.u32 $0xA000, s1  }
0x4: {  	s0 =	rddreg [dreg:$0x2];
	s7 =	smul.u32 $0x50, s1  }
0x5: {  	s14 =	simm.s32 $0x8;
	s15 =	simm.s32 $0x4;
	s9 =	smul.u32 $0x30D40, s1  }
0x6: {  	s5 =	sand.u32 $0x1, s3;
	s3 =	simm.s32 $0x0;
	s10 =	smul.u32 $0x186A0, s1  }
0x7: {  	s31 =	sshll.u32 s1, $0x6;
	s8 =	sshll.u32 s5, $0x5;
	[smem:$0x7FF] =	sst s3  }
0x8: {  	s5 =	ssub.s32 $0x2, s5;
	s6 =	sor.u32 s8, s6;
	_ =	strace $0x8000004D  }
0x9: {  	s11 =	sadd.s32 s7, s4;
	s25 =	sor.u32 s8, s9;
	s26 =	sshrl.u32 s10, $0x3  }
0xa: {  	s29 =	sshrl.u32 s5, $0x1;
	s13 =	sadd.s32 s10, s2;
	s6 =	sshrl.u32 s6, $0x3  }
0xb: {  	s7 =	sadd.s32 s26, s4;
	s30 =	ssub.s32 s5, s29;
	s5 =	sor.u32 $0x1C01, s31  }
0xc: {  	s9 =	sadd.s32 $0x35800, s11;
	s12 =	sadd.s32 s6, s4;
	s6 =	sshrl.u32 s25, $0x3  }
0xd: {  	s11 =	sadd.s32 $0x4A00, s11;
	s8 =	smax.u32 s30, $0x1;
	s28 =	sadd.s32 s6, s4  }
0xe: {  	s4 =	sadd.s32 $0xC9B800, s7;
	s10 =	sadd.s32 $0x66800, s12;
	s12 =	sshrl.u32 s13, $0x3  }
0xf: {  	s13 =	simm.s32 $0x1;
	s6 =	sadd.s32 $0xCCC600, s28;
	s7 =	sadd.s32 $0xD2E200, s28  }
.LBB2_1:
0x10: {  	[spmem:s12], [sflag:s5] =	dma.local [hbm:s4], $0x30D4  }
0x11: {  	s16 =	sadd.s32 $0x0, s1;
	_ =	swait.ge [sflag:s13], $0x30D4  }
0x12: {  	p0 =	sgt.u32 s16, $0x9C3;
	[sflag:s13] =	ssyncset.done $0x0  }
0x13: {  	s16 =	simm.s32 @!p0 $0x0;
	[sflag:s13] =	ssyncadd.s32 $0xFFFFCF2C  }
0x14: {  	s17 =	simm.s32 @!p0 $0x186A0;
	s18 =	simm.s32 @!p0 $0x2;
	[bflag:$0x0] =	sbarrier.arrive $0xFFFF  }
0x15: {  	[tilespmem:s17], [sflag:$0x2] =	stream.linear.gather @!p0 [hbm4b:s9+s16], $0x280, $0x38;
	[tilespmem:$0x1D920] =	vst v63  }
0x16: {  	_ =	swait.ge @!p0 [sflag:s18], $0x280;
	p0 =	por p0, p0  }
0x17: {  	[sflag:s18] =	ssyncset.done @!p0 $0x0;
	s16 =	simm.s32 @!p0 $0x18920  }
0x18: {  	s19 =	simm.s32 @!p0 $0x20;
	s20 =	simm.s32 @!p0 $0x40;
	[sflag:s18] =	ssyncadd.s32 @!p0 $0xFFFFFD80  }
0x19: {  	[tilespmem:s16], [sflag:$0x2] =	stream.strided.gather @!p0 [hbm4b:s10+s19], $0x5000, s20, s19, $0x38;
	[tilespmem:$0x1D920] =	vst v63  }
0x1a: {  	_ =	swait.ge @!p0 [sflag:s18], $0x5000  }
0x1b: {  	[sflag:s18] =	ssyncset.done @!p0 $0x0  }
0x1c: {  	s19 =	simm.s32 @!p0 $0x80;
	[sflag:s18] =	ssyncadd.s32 @!p0 $0xFFFFB000  }
0x1d: {  	[spmem:s2] =	stream.indirect.scatter.add.f32 @!p0 [tilespmem:s16], [sflag:$0x2], $0x20, s17, s19, $0xb8;
	[tilespmem:$0x1D920] =	vst v63  }
0x1e: {  	_ =	swait.ge @!p0 [sflag:s18], $0x1000  }
0x1f: {  	[sflag:s18] =	ssyncset.done @!p0 $0x0  }
0x20: {  	s16 =	simm.s32 @!p0 $0x18720;
	s17 =	simm.s32 @!p0 $0x19920;
	[sflag:s18] =	ssyncadd.s32 @!p0 $0xFFFFF000  }
0x21: {  	[spmem:s2] =	stream.indirect.scatter.add.f32 @!p0 [tilespmem:s17], [sflag:$0x2], $0x20, s16, s19, $0xb8;
	[tilespmem:$0x1D920] =	vst v63  }
0x22: {  	_ =	swait.ge @!p0 [sflag:s18], $0x1000  }
0x23: {  	[sflag:s18] =	ssyncset.done @!p0 $0x0  }
0x24: {  	s16 =	simm.s32 @!p0 $0x187A0;
	s17 =	simm.s32 @!p0 $0x1A920;
	[sflag:s18] =	ssyncadd.s32 @!p0 $0xFFFFF000  }
0x25: {  	[spmem:s2] =	stream.indirect.scatter.add.f32 @!p0 [tilespmem:s17], [sflag:$0x2], $0x20, s16, s19, $0xb8;
	[tilespmem:$0x1D920] =	vst v63  }
0x26: {  	_ =	swait.ge @!p0 [sflag:s18], $0x1000  }
0x27: {  	s31 =	sadd.s32 $0x10, s1;
	[sflag:s18] =	ssyncset.done @!p0 $0x0  }
0x28: {  	s16 =	simm.s32 @!p0 $0x18820;
	s17 =	simm.s32 @!p0 $0x1B920;
	[sflag:s18] =	ssyncadd.s32 @!p0 $0xFFFFF000  }
0x29: {  	[spmem:s2] =	stream.indirect.scatter.add.f32 @!p0 [tilespmem:s17], [sflag:$0x2], $0x20, s16, s19, $0xb8;
	[tilespmem:$0x1D920] =	vst v63  }
0x2a: {  	p2 =	sgt.u32 s31, $0x9C3;
	_ =	swait.ge @!p0 [sflag:s18], $0x1000  }
0x2b: {  	s21 =	simm.s32 @!p0 $0x1;
	s17 =	simm.s32 $0x20;
	[sflag:s18] =	ssyncset.done @!p0 $0x0  }
0x2c: {  	s16 =	simm.s32 @!p0 $0x188A0;
	[sflag:s18] =	ssyncadd.s32 @!p0 $0xFFFFF000;
	s18 =	simm.s32 @!p0 $0x1C920  }
0x2d: {  	[spmem:s2] =	stream.indirect.scatter.add.f32 @!p0 [tilespmem:s18], [sflag:$0x1], $0x20, s16, s19, $0xb8;
	[tilespmem:$0x1D920] =	vst v63  }
0x2e: {  	s16 =	sadd.s32 $0x14000, s10;
	s18 =	sadd.s32 $0x500, s9;
	_ =	swait.ge @!p0 [sflag:s21], $0x1000  }
.LBB2_2:
0x2f: {  	s22 =	simm.s32 @!p2 $0x0  }
0x30: {  	s23 =	simm.s32 @!p2 $0x186A0;
	[sflag:s21] =	ssyncset.done @!p0 $0x0;
	s20 =	smov.u32 s17  }
0x31: {  	s17 =	sadd.s32 $0x10, s17;
	s19 =	simm.s32 @!p2 $0x2;
	[sflag:s21] =	ssyncadd.s32 @!p0 $0xFFFFF000  }
0x32: {  	[tilespmem:s23], [sflag:$0x2] =	stream.linear.gather @!p2 [hbm4b:s18+s22], $0x280, $0x38;
	[tilespmem:$0x1D920] =	vst v63  }
0x33: {  	p1 =	sne.s32 s17, $0x9D0;
	p0 =	por p2, p2;
	_ =	swait.ge @!p2 [sflag:s19], $0x280  }
0x34: {  	s21 =	simm.s32 @!p0 $0x18920;
	[sflag:s19] =	ssyncset.done @!p0 $0x0  }
0x35: {  	s22 =	simm.s32 @!p0 $0x20;
	s24 =	simm.s32 @!p0 $0x40;
	[sflag:s19] =	ssyncadd.s32 @!p0 $0xFFFFFD80  }
0x36: {  	[tilespmem:s21], [sflag:$0x2] =	stream.strided.gather @!p0 [hbm4b:s16+s22], $0x5000, s24, s22, $0x38;
	[tilespmem:$0x1D920] =	vst v63  }
0x37: {  	_ =	swait.ge @!p0 [sflag:s19], $0x5000  }
0x38: {  	[sflag:s19] =	ssyncset.done @!p0 $0x0  }
0x39: {  	s22 =	simm.s32 @!p0 $0x80;
	[sflag:s19] =	ssyncadd.s32 @!p0 $0xFFFFB000  }
0x3a: {  	[spmem:s2] =	stream.indirect.scatter.add.f32 @!p0 [tilespmem:s21], [sflag:$0x2], $0x20, s23, s22, $0xb8;
	[tilespmem:$0x1D920] =	vst v63  }
0x3b: {  	_ =	swait.ge @!p0 [sflag:s19], $0x1000  }
0x3c: {  	[sflag:s19] =	ssyncset.done @!p0 $0x0  }
0x3d: {  	s21 =	simm.s32 @!p0 $0x18720;
	s23 =	simm.s32 @!p0 $0x19920;
	[sflag:s19] =	ssyncadd.s32 @!p0 $0xFFFFF000  }
0x3e: {  	[spmem:s2] =	stream.indirect.scatter.add.f32 @!p0 [tilespmem:s23], [sflag:$0x2], $0x20, s21, s22, $0xb8;
	[tilespmem:$0x1D920] =	vst v63  }
0x3f: {  	_ =	swait.ge @!p0 [sflag:s19], $0x1000  }
0x40: {  	[sflag:s19] =	ssyncset.done @!p0 $0x0  }
0x41: {  	s21 =	simm.s32 @!p0 $0x187A0;
	s23 =	simm.s32 @!p0 $0x1A920;
	[sflag:s19] =	ssyncadd.s32 @!p0 $0xFFFFF000  }
0x42: {  	[spmem:s2] =	stream.indirect.scatter.add.f32 @!p0 [tilespmem:s23], [sflag:$0x2], $0x20, s21, s22, $0xb8;
	[tilespmem:$0x1D920] =	vst v63  }
0x43: {  	_ =	swait.ge @!p0 [sflag:s19], $0x1000  }
0x44: {  	[sflag:s19] =	ssyncset.done @!p0 $0x0  }
0x45: {  	s21 =	simm.s32 @!p0 $0x18820;
	s23 =	simm.s32 @!p0 $0x1B920;
	[sflag:s19] =	ssyncadd.s32 @!p0 $0xFFFFF000  }
0x46: {  	[spmem:s2] =	stream.indirect.scatter.add.f32 @!p0 [tilespmem:s23], [sflag:$0x2], $0x20, s21, s22, $0xb8;
	[tilespmem:$0x1D920] =	vst v63  }
.Ltmp0:
0x47: {  	s16 =	sadd.s32 $0x14000, s16;
	_ =	swait.ge @!p0 [sflag:s19], $0x1000;
	(pc) =	sbr.rel @p1 .LBB2_2-.Ltmp0, $4  }
0x48: {  	s20 =	sadd.s32 s20, s1;
	s21 =	simm.s32 @!p0 $0x1;
	[sflag:s19] =	ssyncset.done @!p0 $0x0  }
0x49: {  	s23 =	simm.s32 @!p0 $0x1C920;
	[sflag:s19] =	ssyncadd.s32 @!p0 $0xFFFFF000;
	s19 =	simm.s32 @!p0 $0x188A0  }
0x4a: {  	[spmem:s2] =	stream.indirect.scatter.add.f32 @!p0 [tilespmem:s23], [sflag:$0x1], $0x20, s19, s22, $0xb8;
	[tilespmem:$0x1D920] =	vst v63  }
0x4b: {  	s18 =	sadd.s32 $0x500, s18;
	p2 =	sgt.u32 s20, $0x9C3;
	_ =	swait.ge @!p0 [sflag:s21], $0x1000  }
0x4c: {  	s17 =	simm.s32 @!p2 $0x0;
	[sflag:s21] =	ssyncset.done @!p0 $0x0  }
0x4d: {  	s19 =	simm.s32 @!p2 $0x186A0;
	s20 =	simm.s32 @!p2 $0x2;
	[sflag:s21] =	ssyncadd.s32 @!p0 $0xFFFFF000  }
0x4e: {  	[tilespmem:s19], [sflag:$0x2] =	stream.linear.gather @!p2 [hbm4b:s18+s17], $0x280, $0x38;
	[tilespmem:$0x1D920] =	vst v63  }
0x4f: {  	p0 =	por p2, p2;
	_ =	swait.ge @!p2 [sflag:s20], $0x280  }
0x50: {  	s17 =	simm.s32 @!p0 $0x18920;
	[sflag:s20] =	ssyncset.done @!p0 $0x0  }
0x51: {  	s18 =	simm.s32 @!p0 $0x20;
	s21 =	simm.s32 @!p0 $0x40;
	[sflag:s20] =	ssyncadd.s32 @!p0 $0xFFFFFD80  }
0x52: {  	[tilespmem:s17], [sflag:$0x2] =	stream.strided.gather @!p0 [hbm4b:s16+s18], $0x5000, s21, s18, $0x38;
	[tilespmem:$0x1D920] =	vst v63  }
0x53: {  	_ =	swait.ge @!p0 [sflag:s20], $0x5000  }
0x54: {  	[sflag:s20] =	ssyncset.done @!p0 $0x0  }
0x55: {  	s16 =	simm.s32 @!p0 $0x80;
	[sflag:s20] =	ssyncadd.s32 @!p0 $0xFFFFB000  }
0x56: {  	[spmem:s2] =	stream.indirect.scatter.add.f32 @!p0 [tilespmem:s17], [sflag:$0x2], $0x20, s19, s16, $0xb8;
	[tilespmem:$0x1D920] =	vst v63  }
0x57: {  	_ =	swait.ge @!p0 [sflag:s20], $0x1000  }
0x58: {  	[sflag:s20] =	ssyncset.done @!p0 $0x0  }
0x59: {  	s18 =	simm.s32 @!p0 $0x19920;
	s17 =	simm.s32 @!p0 $0x18720;
	[sflag:s20] =	ssyncadd.s32 @!p0 $0xFFFFF000  }
0x5a: {  	[spmem:s2] =	stream.indirect.scatter.add.f32 @!p0 [tilespmem:s18], [sflag:$0x2], $0x20, s17, s16, $0xb8;
	[tilespmem:$0x1D920] =	vst v63  }
0x5b: {  	_ =	swait.ge @!p0 [sflag:s20], $0x1000  }
0x5c: {  	[sflag:s20] =	ssyncset.done @!p0 $0x0  }
0x5d: {  	s17 =	simm.s32 @!p0 $0x187A0;
	s18 =	simm.s32 @!p0 $0x1A920;
	[sflag:s20] =	ssyncadd.s32 @!p0 $0xFFFFF000  }
0x5e: {  	[spmem:s2] =	stream.indirect.scatter.add.f32 @!p0 [tilespmem:s18], [sflag:$0x2], $0x20, s17, s16, $0xb8;
	[tilespmem:$0x1D920] =	vst v63  }
0x5f: {  	_ =	swait.ge @!p0 [sflag:s20], $0x1000  }
0x60: {  	[sflag:s20] =	ssyncset.done @!p0 $0x0  }
0x61: {  	s17 =	simm.s32 @!p0 $0x18820;
	s18 =	simm.s32 @!p0 $0x1B920;
	[sflag:s20] =	ssyncadd.s32 @!p0 $0xFFFFF000  }
0x62: {  	[spmem:s2] =	stream.indirect.scatter.add.f32 @!p0 [tilespmem:s18], [sflag:$0x2], $0x20, s17, s16, $0xb8;
	[tilespmem:$0x1D920] =	vst v63  }
0x63: {  	_ =	swait.ge @!p0 [sflag:s20], $0x1000  }
0x64: {  	s19 =	simm.s32 @!p0 $0x1C920;
	[sflag:s20] =	ssyncset.done @!p0 $0x0  }
0x65: {  	s17 =	simm.s32 @!p0 $0x1;
	s18 =	simm.s32 @!p0 $0x188A0;
	[sflag:s20] =	ssyncadd.s32 @!p0 $0xFFFFF000  }
0x66: {  	[spmem:s2] =	stream.indirect.scatter.add.f32 @!p0 [tilespmem:s19], [sflag:$0x1], $0x20, s18, s16, $0xb8;
	[tilespmem:$0x1D920] =	vst v63  }
0x67: {  	_ =	swait.ge @!p0 [sflag:s17], $0x1000  }
0x68: {  	[sflag:s17] =	ssyncset.done @!p0 $0x0  }
0x69: {  	[sflag:s17] =	ssyncadd.s32 @!p0 $0xFFFFF000  }
0x6a: {  	[bflag:$0x0] =	sbarrier.arrive $0xFFFF  }
0x6b: {  	[hbm:s6@s14], [sflag:s5] =	dma.strided [spmem:s12@s15], $0x30D4, s13, $0x4   }
0x6c: {  	_ =	swait.ge [sflag:s13], $0x30D4  }
0x6d: {  	[sflag:s13] =	ssyncset.done $0x0  }
0x6e: {  	[sflag:s13] =	ssyncadd.s32 $0xFFFFCF2C  }
0x6f: {  	[bflag:$0x0] =	sbarrier.arrive $0xFFFF  }
0x70: {  	[spmem:s12], [sflag:s5] =	dma.local [hbm:s4], $0x30D4  }
0x71: {  	s30 =	sadd.s32 $0x0, s1;
	_ =	swait.ge [sflag:s13], $0x30D4  }
0x72: {  	p0 =	sgt.u32 s30, $0x9C3;
	[sflag:s13] =	ssyncset.done $0x0  }
0x73: {  	s16 =	simm.s32 @!p0 $0x0;
	[sflag:s13] =	ssyncadd.s32 $0xFFFFCF2C  }
0x74: {  	s17 =	simm.s32 @!p0 $0x186A0;
	s18 =	simm.s32 @!p0 $0x2;
	[bflag:$0x0] =	sbarrier.arrive $0xFFFF  }
0x75: {  	[tilespmem:s17], [sflag:$0x2] =	stream.linear.gather @!p0 [hbm4b:s11+s16], $0x280, $0x38;
	[tilespmem:$0x1D920] =	vst v63  }
0x76: {  	_ =	swait.ge @!p0 [sflag:s18], $0x280;
	p0 =	por p0, p0  }
0x77: {  	[sflag:s18] =	ssyncset.done @!p0 $0x0;
	s16 =	simm.s32 @!p0 $0x18920  }
0x78: {  	s19 =	simm.s32 @!p0 $0x20;
	s20 =	simm.s32 @!p0 $0x40;
	[sflag:s18] =	ssyncadd.s32 @!p0 $0xFFFFFD80  }
0x79: {  	[tilespmem:s16], [sflag:$0x2] =	stream.strided.gather @!p0 [hbm4b:s10+s19], $0x5000, s20, s19, $0x38;
	[tilespmem:$0x1D920] =	vst v63  }
0x7a: {  	_ =	swait.ge @!p0 [sflag:s18], $0x5000  }
0x7b: {  	[sflag:s18] =	ssyncset.done @!p0 $0x0  }
0x7c: {  	s19 =	simm.s32 @!p0 $0x80;
	[sflag:s18] =	ssyncadd.s32 @!p0 $0xFFFFB000  }
0x7d: {  	[spmem:s2] =	stream.indirect.scatter.add.f32 @!p0 [tilespmem:s16], [sflag:$0x2], $0x20, s17, s19, $0xb8;
	[tilespmem:$0x1D920] =	vst v63  }
0x7e: {  	_ =	swait.ge @!p0 [sflag:s18], $0x1000  }
0x7f: {  	[sflag:s18] =	ssyncset.done @!p0 $0x0  }
0x80: {  	s16 =	simm.s32 @!p0 $0x18720;
	s17 =	simm.s32 @!p0 $0x19920;
	[sflag:s18] =	ssyncadd.s32 @!p0 $0xFFFFF000  }
0x81: {  	[spmem:s2] =	stream.indirect.scatter.add.f32 @!p0 [tilespmem:s17], [sflag:$0x2], $0x20, s16, s19, $0xb8;
	[tilespmem:$0x1D920] =	vst v63  }
0x82: {  	_ =	swait.ge @!p0 [sflag:s18], $0x1000  }
0x83: {  	[sflag:s18] =	ssyncset.done @!p0 $0x0  }
0x84: {  	s16 =	simm.s32 @!p0 $0x187A0;
	s17 =	simm.s32 @!p0 $0x1A920;
	[sflag:s18] =	ssyncadd.s32 @!p0 $0xFFFFF000  }
0x85: {  	[spmem:s2] =	stream.indirect.scatter.add.f32 @!p0 [tilespmem:s17], [sflag:$0x2], $0x20, s16, s19, $0xb8;
	[tilespmem:$0x1D920] =	vst v63  }
0x86: {  	_ =	swait.ge @!p0 [sflag:s18], $0x1000  }
0x87: {  	s31 =	sadd.s32 $0x10, s1;
	[sflag:s18] =	ssyncset.done @!p0 $0x0  }
0x88: {  	s16 =	simm.s32 @!p0 $0x18820;
	s17 =	simm.s32 @!p0 $0x1B920;
	[sflag:s18] =	ssyncadd.s32 @!p0 $0xFFFFF000  }
0x89: {  	[spmem:s2] =	stream.indirect.scatter.add.f32 @!p0 [tilespmem:s17], [sflag:$0x2], $0x20, s16, s19, $0xb8;
	[tilespmem:$0x1D920] =	vst v63  }
0x8a: {  	p2 =	sgt.u32 s31, $0x9C3;
	_ =	swait.ge @!p0 [sflag:s18], $0x1000  }
0x8b: {  	s21 =	simm.s32 @!p0 $0x1;
	s17 =	simm.s32 $0x20;
	[sflag:s18] =	ssyncset.done @!p0 $0x0  }
0x8c: {  	s16 =	simm.s32 @!p0 $0x188A0;
	[sflag:s18] =	ssyncadd.s32 @!p0 $0xFFFFF000;
	s18 =	simm.s32 @!p0 $0x1C920  }
0x8d: {  	[spmem:s2] =	stream.indirect.scatter.add.f32 @!p0 [tilespmem:s18], [sflag:$0x1], $0x20, s16, s19, $0xb8;
	[tilespmem:$0x1D920] =	vst v63  }
0x8e: {  	s16 =	sadd.s32 $0x14000, s10;
	s18 =	sadd.s32 $0x500, s11;
	_ =	swait.ge @!p0 [sflag:s21], $0x1000  }
.LBB2_4:
0x8f: {  	s22 =	simm.s32 @!p2 $0x0  }
0x90: {  	s23 =	simm.s32 @!p2 $0x186A0;
	[sflag:s21] =	ssyncset.done @!p0 $0x0;
	s20 =	smov.u32 s17  }
0x91: {  	s17 =	sadd.s32 $0x10, s17;
	s19 =	simm.s32 @!p2 $0x2;
	[sflag:s21] =	ssyncadd.s32 @!p0 $0xFFFFF000  }
0x92: {  	[tilespmem:s23], [sflag:$0x2] =	stream.linear.gather @!p2 [hbm4b:s18+s22], $0x280, $0x38;
	[tilespmem:$0x1D920] =	vst v63  }
0x93: {  	p1 =	sne.s32 s17, $0x9D0;
	p0 =	por p2, p2;
	_ =	swait.ge @!p2 [sflag:s19], $0x280  }
0x94: {  	s21 =	simm.s32 @!p0 $0x18920;
	[sflag:s19] =	ssyncset.done @!p0 $0x0  }
0x95: {  	s22 =	simm.s32 @!p0 $0x20;
	s24 =	simm.s32 @!p0 $0x40;
	[sflag:s19] =	ssyncadd.s32 @!p0 $0xFFFFFD80  }
0x96: {  	[tilespmem:s21], [sflag:$0x2] =	stream.strided.gather @!p0 [hbm4b:s16+s22], $0x5000, s24, s22, $0x38;
	[tilespmem:$0x1D920] =	vst v63  }
0x97: {  	_ =	swait.ge @!p0 [sflag:s19], $0x5000  }
0x98: {  	[sflag:s19] =	ssyncset.done @!p0 $0x0  }
0x99: {  	s22 =	simm.s32 @!p0 $0x80;
	[sflag:s19] =	ssyncadd.s32 @!p0 $0xFFFFB000  }
0x9a: {  	[spmem:s2] =	stream.indirect.scatter.add.f32 @!p0 [tilespmem:s21], [sflag:$0x2], $0x20, s23, s22, $0xb8;
	[tilespmem:$0x1D920] =	vst v63  }
0x9b: {  	_ =	swait.ge @!p0 [sflag:s19], $0x1000  }
0x9c: {  	[sflag:s19] =	ssyncset.done @!p0 $0x0  }
0x9d: {  	s21 =	simm.s32 @!p0 $0x18720;
	s23 =	simm.s32 @!p0 $0x19920;
	[sflag:s19] =	ssyncadd.s32 @!p0 $0xFFFFF000  }
0x9e: {  	[spmem:s2] =	stream.indirect.scatter.add.f32 @!p0 [tilespmem:s23], [sflag:$0x2], $0x20, s21, s22, $0xb8;
	[tilespmem:$0x1D920] =	vst v63  }
0x9f: {  	_ =	swait.ge @!p0 [sflag:s19], $0x1000  }
0xa0: {  	[sflag:s19] =	ssyncset.done @!p0 $0x0  }
0xa1: {  	s21 =	simm.s32 @!p0 $0x187A0;
	s23 =	simm.s32 @!p0 $0x1A920;
	[sflag:s19] =	ssyncadd.s32 @!p0 $0xFFFFF000  }
0xa2: {  	[spmem:s2] =	stream.indirect.scatter.add.f32 @!p0 [tilespmem:s23], [sflag:$0x2], $0x20, s21, s22, $0xb8;
	[tilespmem:$0x1D920] =	vst v63  }
0xa3: {  	_ =	swait.ge @!p0 [sflag:s19], $0x1000  }
0xa4: {  	[sflag:s19] =	ssyncset.done @!p0 $0x0  }
0xa5: {  	s21 =	simm.s32 @!p0 $0x18820;
	s23 =	simm.s32 @!p0 $0x1B920;
	[sflag:s19] =	ssyncadd.s32 @!p0 $0xFFFFF000  }
0xa6: {  	[spmem:s2] =	stream.indirect.scatter.add.f32 @!p0 [tilespmem:s23], [sflag:$0x2], $0x20, s21, s22, $0xb8;
	[tilespmem:$0x1D920] =	vst v63  }
.Ltmp1:
0xa7: {  	s16 =	sadd.s32 $0x14000, s16;
	_ =	swait.ge @!p0 [sflag:s19], $0x1000;
	(pc) =	sbr.rel @p1 .LBB2_4-.Ltmp1, $4  }
0xa8: {  	s20 =	sadd.s32 s20, s1;
	s21 =	simm.s32 @!p0 $0x1;
	[sflag:s19] =	ssyncset.done @!p0 $0x0  }
0xa9: {  	s23 =	simm.s32 @!p0 $0x1C920;
	[sflag:s19] =	ssyncadd.s32 @!p0 $0xFFFFF000;
	s19 =	simm.s32 @!p0 $0x188A0  }
0xaa: {  	[spmem:s2] =	stream.indirect.scatter.add.f32 @!p0 [tilespmem:s23], [sflag:$0x1], $0x20, s19, s22, $0xb8;
	[tilespmem:$0x1D920] =	vst v63  }
0xab: {  	s18 =	sadd.s32 $0x500, s18;
	p2 =	sgt.u32 s20, $0x9C3;
	_ =	swait.ge @!p0 [sflag:s21], $0x1000  }
0xac: {  	s17 =	simm.s32 @!p2 $0x0;
	[sflag:s21] =	ssyncset.done @!p0 $0x0  }
0xad: {  	s19 =	simm.s32 @!p2 $0x186A0;
	s20 =	simm.s32 @!p2 $0x2;
	[sflag:s21] =	ssyncadd.s32 @!p0 $0xFFFFF000  }
0xae: {  	[tilespmem:s19], [sflag:$0x2] =	stream.linear.gather @!p2 [hbm4b:s18+s17], $0x280, $0x38;
	[tilespmem:$0x1D920] =	vst v63  }
0xaf: {  	p0 =	por p2, p2;
	_ =	swait.ge @!p2 [sflag:s20], $0x280  }
0xb0: {  	s17 =	simm.s32 @!p0 $0x18920;
	[sflag:s20] =	ssyncset.done @!p0 $0x0  }
0xb1: {  	s18 =	simm.s32 @!p0 $0x20;
	s21 =	simm.s32 @!p0 $0x40;
	[sflag:s20] =	ssyncadd.s32 @!p0 $0xFFFFFD80  }
0xb2: {  	[tilespmem:s17], [sflag:$0x2] =	stream.strided.gather @!p0 [hbm4b:s16+s18], $0x5000, s21, s18, $0x38;
	[tilespmem:$0x1D920] =	vst v63  }
0xb3: {  	_ =	swait.ge @!p0 [sflag:s20], $0x5000  }
0xb4: {  	[sflag:s20] =	ssyncset.done @!p0 $0x0  }
0xb5: {  	s16 =	simm.s32 @!p0 $0x80;
	[sflag:s20] =	ssyncadd.s32 @!p0 $0xFFFFB000  }
0xb6: {  	[spmem:s2] =	stream.indirect.scatter.add.f32 @!p0 [tilespmem:s17], [sflag:$0x2], $0x20, s19, s16, $0xb8;
	[tilespmem:$0x1D920] =	vst v63  }
0xb7: {  	_ =	swait.ge @!p0 [sflag:s20], $0x1000  }
0xb8: {  	[sflag:s20] =	ssyncset.done @!p0 $0x0  }
0xb9: {  	s18 =	simm.s32 @!p0 $0x19920;
	s17 =	simm.s32 @!p0 $0x18720;
	[sflag:s20] =	ssyncadd.s32 @!p0 $0xFFFFF000  }
0xba: {  	[spmem:s2] =	stream.indirect.scatter.add.f32 @!p0 [tilespmem:s18], [sflag:$0x2], $0x20, s17, s16, $0xb8;
	[tilespmem:$0x1D920] =	vst v63  }
0xbb: {  	_ =	swait.ge @!p0 [sflag:s20], $0x1000  }
0xbc: {  	[sflag:s20] =	ssyncset.done @!p0 $0x0  }
0xbd: {  	s17 =	simm.s32 @!p0 $0x187A0;
	s18 =	simm.s32 @!p0 $0x1A920;
	[sflag:s20] =	ssyncadd.s32 @!p0 $0xFFFFF000  }
0xbe: {  	[spmem:s2] =	stream.indirect.scatter.add.f32 @!p0 [tilespmem:s18], [sflag:$0x2], $0x20, s17, s16, $0xb8;
	[tilespmem:$0x1D920] =	vst v63  }
0xbf: {  	_ =	swait.ge @!p0 [sflag:s20], $0x1000  }
0xc0: {  	[sflag:s20] =	ssyncset.done @!p0 $0x0  }
0xc1: {  	s17 =	simm.s32 @!p0 $0x18820;
	s18 =	simm.s32 @!p0 $0x1B920;
	[sflag:s20] =	ssyncadd.s32 @!p0 $0xFFFFF000  }
0xc2: {  	[spmem:s2] =	stream.indirect.scatter.add.f32 @!p0 [tilespmem:s18], [sflag:$0x2], $0x20, s17, s16, $0xb8;
	[tilespmem:$0x1D920] =	vst v63  }
0xc3: {  	_ =	swait.ge @!p0 [sflag:s20], $0x1000  }
0xc4: {  	s19 =	simm.s32 @!p0 $0x1C920;
	[sflag:s20] =	ssyncset.done @!p0 $0x0  }
0xc5: {  	s17 =	simm.s32 @!p0 $0x1;
	s18 =	simm.s32 @!p0 $0x188A0;
	[sflag:s20] =	ssyncadd.s32 @!p0 $0xFFFFF000  }
0xc6: {  	[spmem:s2] =	stream.indirect.scatter.add.f32 @!p0 [tilespmem:s19], [sflag:$0x1], $0x20, s18, s16, $0xb8;
	[tilespmem:$0x1D920] =	vst v63  }
0xc7: {  	_ =	swait.ge @!p0 [sflag:s17], $0x1000  }
0xc8: {  	[sflag:s17] =	ssyncset.done @!p0 $0x0  }
0xc9: {  	s3 =	sadd.s32 $0x1, s3;
	[sflag:s17] =	ssyncadd.s32 @!p0 $0xFFFFF000  }
0xca: {  	p0 =	sne.s32 s3, s8;
	[bflag:$0x0] =	sbarrier.arrive $0xFFFF  }
0xcb: {  	[hbm:s7@s14], [sflag:s5] =	dma.strided [spmem:s12@s15], $0x30D4, s13, $0x4   }
.Ltmp2:
0xcc: {  	_ =	swait.ge [sflag:s13], $0x30D4;
	(pc) =	sbr.rel @p0 .LBB2_1-.Ltmp2, $3  }
0xcd: {  	[sflag:s13] =	ssyncset.done $0x0  }
0xce: {  	[sflag:s13] =	ssyncadd.s32 $0xFFFFCF2C  }
0xcf: {  	[bflag:$0x0] =	sbarrier.arrive $0xFFFF;
	_ =	sdelay $0x1  }
0xd0: {  	_ =	sfence.sel $0x180000  }
0xd1: {  	[bflag:$0x0] =	sbarrier.arrive $0xFFFF  }
0xd2: {  	p0 =	sne.s32 s1, $0x0;
	_ =	strace $0x9000004D  }
0xd3: {  	s0 =	sadd.s32 @!p0 $0x100000, s0;
	[bflag:$0x2] =	sbarrier.arrive $0xFFFF  }
0xd4: {  	[sflag:s0] =	ssyncadd.tile.s32 @!p0 $0x1;
	_ =	shalt  }
.Lfunc_end2:
_tile_overlayer_lowered:
.L_overlay_start_2:
0xd5: {  	(tag) =	ssettag $0x2  }
0xd6: {  	s0 =	rddreg [dreg:$0x0];
	s2 =	stileid.u32  }
0xd7: {  	s1 =	rddreg [dreg:$0x1];
	p0 =	sne.s32 s2, $0x0  }
0xd8: {  	s3 =	rddreg [dreg:$0x2];
	[bflag:$0x3] =	sbarrier.arrive $0xFFFF;
	s2 =	simm.s32 @!p0 $0x1C01  }
0xd9: {  	[timem:s3], [sflag:s2] =	dma.local @!p0 [hbm:s0], s1  }
0xda: {  	s0 =	simm.s32 @!p0 $0x1  }
0xdb: {  	_ =	swait.ge @!p0 [sflag:s0], s1  }
0xdc: {  	s1 =	ssub.s32 @!p0 $0x0, s1;
	[sflag:s0] =	ssyncset.done @!p0 $0x0  }
0xdd: {  	[sflag:s0] =	ssyncadd.s32 @!p0 s1  }
0xde: {  	[bflag:$0x3] =	sbarrier.arrive $0xFFFF  }
0xdf: {  	_ =	shalt  }

// kernel: sparse-core-data-format-call.1.cloned.1.call-start
scs
called_computation.1_lowered:
.L_overlay_start_0:
0x0: {  	s2 =	sld [smem:$0x3FD9]  }
0x1: {  	s3 =	sld [smem:$0x3FFE];
	_ =	sdelay $0x1  }
0x2: {  	s1 =	srdreg.scid  }
0x3: {  	s0 =	sand.u32 $0x1, s1  }
0x4: {  	s16 =	sshll.u32 s0, $0xA;
	s2 =	sadd.s32 s3, s2  }
0x5: {  	s2 =	sadd.s32 s2, s16  }
0x6: {  	[smem:$0x3FB8] =	sst s2  }
0x7: {  	_ = 	snop  }
0x8: {  	s2 =	sld [smem:$0x3FD0];
	_ =	sdelay $0x2  }
0x9: {  	s17 =	simm.s32 $0xB;
	s4 =	simm.s32 $0x10  }
0xa: {  	[smem:s4], [sflag:s17] =	dma.local [hbm:s2], $0x1  }
0xb: {  	_ =	swait.eq [sflag:s17], $0x1  }
0xc: {  	[sflag:s17] =	ssyncset.done $0x0  }
0xd: {  	[sflag:s17] =	ssyncadd.s32 $0xFFFFFFFF  }
0xe: {  	s18 =	sld [smem:$0x10];
	(tm) =	ssettm $0x1  }
0xf: {  	s19 =	sld [smem:$0x3FFB];
	_ =	sdelay $0x3  }
0x10: {  	_ =	strace s19  }
0x11: {  	s2 =	sld [smem:$0x3FFC];
	_ =	sdelay $0x3  }
0x12: {  	_ =	strace s2  }
0x13: {  	s2 =	sld [smem:$0x3FFD];
	_ =	sdelay $0x3  }
0x14: {  	_ =	strace s2  }
0x15: {  	_ =	strace $0x8FFFFFFF  }
0x16: {  	s20 =	sld [smem:$0x3FDB];
	_ =	sdelay $0x1  }
0x17: {  	s21 =	simm.s32 $_scs_section_size  }
0x18: {  	s5 =	simm.s32 $_size__tile_overlayer_lowered;
	s6 =	simm.s32 $_tile_overlayer_lowered  }
0x19: {  	s7 =	simm.s32 $0x1BFF;
	s22 =	sshll.u32 s6, $0x1;
	s4 =	sadd.s32 s21, s20  }
0x1a: {  	s23 =	simm.s32 $0x0;
	s5 =	sshll.u32 s5, $0x1;
	s6 =	sadd.s32 s22, s4  }
0x1b: {  	[timem:s23], [sflag:s7] =	dma.local [hbm:s6], s5  }
0x1c: {  	_ =	swait.ge [sflag:s7], s5  }
0x1d: {  	s5 =	ssub.s32 $0x0, s5;
	[sflag:s7] =	ssyncset.done $0x0  }
0x1e: {  	[sflag:s7] =	ssyncadd.s32 s5;
	_ =	sdelay $0x1  }
0x1f: {  	s24 =	simm.s32 $0x1B8B  }
0x20: {  	_ =	swait.ge [sflag:s24], $0x1  }
0x21: {  	[sflag:s24] =	ssyncset.done $0x0  }
0x22: {  	[sflag:s24] =	ssyncadd.s32 $0xFFFFFFFF  }
0x23: {  	s5 =	sld [smem:$0x0]  }
0x24: {  	s6 =	sand.u32 $0xFFFFFFFE, s1  }
0x25: {  	p0 =	sne.s32 s1, s6  }
0x26: {  	s6 =	sshll.u32 @p0 s6, $0xE  }
0x27: {  	s6 =	sadd.s32 @p0 $0x11B8D, s6;
	s7 =	sshll.u32 @p0 s5, $0x11  }
0x28: {  	s6 =	sor.u32 @p0 s7, s6  }
0x29: {  	[sflag:s6] =	ssyncadd.remote.s32 @p0 $0x1;
	_ =	sdelay $0x1  }
0x2a: {  	s6 =	simm.s32 @p0 $0x1B8D  }
0x2b: {  	_ =	swait.eq @p0 [sflag:s6], $0x1  }
0x2c: {  	[sflag:s6] =	ssyncadd.s32 @p0 $0xFFFFFFFF  }
0x2d: {  	s7 =	sshll.u32 @!p0 s1, $0xE  }
0x2e: {  	s7 =	sor.u32 @!p0 $0x4000, s7;
	s6 =	simm.s32 @!p0 $0x1B8D  }
0x2f: {  	s5 =	sshll.u32 @!p0 s5, $0x11;
	s7 =	sadd.s32 @!p0 $0x11B8D, s7;
	_ =	swait.eq @!p0 [sflag:s6], $0x1  }
0x30: {  	s5 =	sor.u32 @!p0 s5, s7;
	[sflag:s6] =	ssyncadd.s32 @!p0 $0xFFFFFFFF  }
0x31: {  	s26 =	simm.s32 $0x1B8E;
	s25 =	sld [smem:$0x3FFE];
	[sflag:s5] =	ssyncadd.remote.s32 @!p0 $0x1  }
0x32: {  	s27 =	simm.s32 $execute0_lowered;
	[smem:$0x3FD2] =	sst s26  }
0x33: {  	s6 =	sshll.u32 s27, $0x1;
	_ =	strace $0x8000004F;
	[dreg:$0x1] =	wrdreg $0xFFFFFFFF  }
0x34: {  	s28 =	simm.s32 $_size_execute0_lowered;
	s4 =	sadd.s32 s4, s6;
	[dreg:$0x0] =	wrdreg $0x0  }
0x35: {  	s6 =	sshll.u32 s28, $0x1;
	[dreg:$0x2] =	wrdreg s4  }
0x36: {  	[dreg:$0x3] =	wrdreg s6  }
0x37: {  	[dreg:$0x4] =	wrdreg $0xC0  }
0x38: {  	_ =	task [dreg:s23], $0x5FFFF  }
0x39: {  	[dreg:$0x1] =	wrdreg $0xFFFFFFFF  }
0x3a: {  	[dreg:$0x0] =	wrdreg $0x60  }
0x3b: {  	[dreg:$0x2] =	wrdreg s25  }
0x3c: {  	[dreg:$0x3] =	wrdreg s18  }
0x3d: {  	[dreg:$0x4] =	wrdreg $0x9  }
0x3e: {  	_ =	task.clear_ibuf [dreg:s23], $0x5FFFF;
	_ =	strace $0x9000004F  }
0x3f: {  	s29 =	simm.s32 $0x9;
	_ =	strace $0x80000051  }
0x40: {  	_ =	swait.ge [sflag:s29], $0x1  }
0x41: {  	[sflag:s29] =	ssyncadd.s32 $0xFFFFFFFF  }
0x42: {  	_ =	strace $0x90000051  }
0x43: {  	_ =	sfence  }
0x44: {  	s30 =	sld [smem:$0x0];
	_ =	sdelay $0x2  }
0x45: {  	s31 =	sshll.u32 s1, $0xD;
	s1 =	sshrl.u32 s1, $0x2  }
0x46: {  	s4 =	sand.u32 $0x4000, s31;
	s1 =	sadd.s32 s1, s30  }
0x47: {  	s0 =	sor.u32 s4, s0;
	s1 =	sshll.u32 s1, $0x11  }
0x48: {  	s0 =	sor.u32 s1, s0  }
0x49: {  	s0 =	sadd.s32 $0x8F2B, s0  }
0x4a: {  	[sflag:s0] =	ssyncadd.remote.s32 $0x1  }
0x4b: {  	_ =	sfence.sel $0xFFFF  }
0x4c: {  	[dreg:$0x0] =	wrdreg $0xFFFFFFFF;
	(pc) =	sbr.abs _section_cstart, $3  }
0x4d: {  	[dreg:$0x1] =	wrdreg $0xFFFFFFFF  }
0x4e: {  	_ =	task.clear_ibuf [dreg:s23], $0x2FFFF;
	_ =	strace $0x9FFFFFFF  }
0x4f: {  	(tm) =	ssettm $0x7FFFFFFF  }
tec
execute0_lowered:
.L_overlay_start_1:
0x0: {  	(tag) =	ssettag $0x1  }
0x1: {  	s0 =	srdreg.scid  }
0x2: {  	s1 =	sshll.u32 s0, $0x4  }
0x3: {  	s4 =	rddreg [dreg:$0x0];
	s0 =	stileid.u32;
	s1 =	sand.u32 $0x10, s1  }
0x4: {  	s2 =	rddreg [dreg:$0x1];
	s7 =	simm.s32 $0x1;
	s1 =	sor.u32 s0, s1  }
0x5: {  	s8 =	simm.s32 $0x2;
	s11 =	simm.s32 $0x0;
	s3 =	sshll.u32 s1, $0x7  }
0x6: {  	s10 =	simm.s32 $0x0;
	s4 =	sadd.s32 $0xD8FE00, s4;
	s6 =	ssub.s32 $0x186A00, s3  }
.Ltmp0:
0x7: {  	s1 =	rddreg [dreg:$0x2];
	s5 =	sand.u32 $0xF80, s6;
	(pc) =	sbr.rel .LBB1_1-.Ltmp0, $4  }
0x8: {  	_ =	strace $0x80000050;
	s9 =	smov.u32 s3;
	p0 =	sne.s32 s5, $0x0  }
0x9: {  	s6 =	sshrl.u32 s6, $0xC;
	s5 =	simm.s32 $0x1;
	s7 =	simm.s32 @!p0 $0x0  }
0xa: {  	[sflag:s5] =	ssyncpa.u1 $0x0;
	p0 =	por $0x0, $0x0;
	s6 =	sadd.s32 s7, s6  }
0xb: {  	[sflag:s8] =	ssyncpa.u1 $0x0;
	s8 =	simm.s32 $0xC35000;
	s7 =	sadd.s32 $0x1, s6  }
.LBB1_4:
0xc: {  	s14 =	sshll.u32 s11, $0x3  }
0xd: {  	s14 =	sand.u32 $0xFFFFFC00, s14  }
0xe: {  	s15 =	sshrl.u32 s14, $0x9  }
0xf: {  	s15 =	smulhi.u32 $0xA7C5AD, s15;
	_ =	sdelay $0x1  }
0x10: {  	s15 =	sshrl.u32 s15, $0x3  }
0x11: {  	s28 =	sand.u32 $0x7F, s11;
	s16 =	smul.u32 $0x186A00, s15  }
0x12: {  	s11 =	sor.u32 s28, s14  }
0x13: {  	s29 =	sand.u32 $0x3F, s15;
	s11 =	ssub.s32 s11, s16  }
0x14: {  	[tilespmem:s13+$0x810 ss:$0x81] =	vst.msk $0xffff, v2;
	s14 =	smul.u32 $0x30D40, s29;
	s30 =	sshrl.u32 s11, $0x3;
	s11 =	sand.u32 $0x7, s11  }
0x15: {  	[tilespmem:s13+$0x1020 ss:$0x81] =	vst.msk $0xffff, v0;
	s15 =	sadd.s32 s2, s30;
	s11 =	sshll.u32 s11, $0x12  }
0x16: {  	[tilespmem:s13+$0x0 ss:$0x81] =	vst.msk $0xffff, v1;
	s31 =	sadd.s32 s14, s15;
	s11 =	sor.u32 $0x400, s11  }
0x17: {  	[hbm4b:s31+s11] =	stream.strided.scatter [tilespmem:s12], [sflag:$0x2], $0x2000, s8, s11, $0x20;
	[tilespmem:$0x8080] =	vst v63  }
.LBB1_5:
0x18: {  	s13 =	sadd.s32 $0x1000, s9  }
0x19: {  	p2 =	sgt.s32 s13, $0x1869FF  }
0x1a: {  	s13 =	smov.u32 @p2 s3;
	p2 =	sne.s32 s10, s7  }
.Ltmp1:
0x1b: {  	p1 =	slt.u32 s10, $0x2;
	(pc) =	sbr.rel @!p2 .LBB1_6-.Ltmp1, $4  }
0x1c: {  	s12 =	simm.s32 @!p1 $0x2  }
0x1d: {  	s14 =	sadd.s32 $0x1, s10;
	_ =	swait.ge @!p1 [sflag:s12], $0x2000  }
0x1e: {  	s11 =	smov.u32 s9;
	p0 =	por !p0, !p0;
	[sflag:s12] =	ssyncset.done @!p1 $0x0  }
0x1f: {  	s10 =	smov.u32 s14;
	s9 =	smov.u32 s13;
	[sflag:s12] =	ssyncadd.s32 @!p1 $0xFFFFE000  }
.LBB1_1:
0x20: {  	p1 =	sge.u32 s10, s6  }
0x21: {  	s12 =	sand.u32 @!p1 $0x1FFFFFF, s9  }
0x22: {  	s13 =	smulhi.u32 @!p1 $0x14F8B59, s12;
	_ =	sdelay $0x1  }
0x23: {  	s13 =	sshrl.u32 @!p1 s13, $0xD  }
0x24: {  	s13 =	smul.u32 @!p1 $0x186A00, s13;
	_ =	sdelay $0x1  }
0x25: {  	s31 =	sadd.s32 $0xFFFFFFFF, s10;
	s14 =	sxor.u32 @!p1 $0xFFFFFFFF, s10;
	s12 =	ssub.s32 @!p1 s12, s13  }
0x26: {  	s15 =	simm.s32 @!p1 $0x80;
	s14 =	sshll.u32 @!p1 s14, $0xD;
	s12 =	sshll.u32 @!p1 s12, $0x4  }
0x27: {  	s13 =	sand.u32 @!p1 $0x2000, s14;
	s14 =	simm.s32 @!p1 $0x40;
	s12 =	sadd.s32 @!p1 s4, s12  }
0x28: {  	[tilespmem:s13], [sflag:$0x1] =	stream.strided.gather @!p1 [hbm4b:s12+s14], $0x2000, s15, s14, $0x38;
	[tilespmem:$0x8080] =	vst v63  }
0x29: {  	p1 =	sge.u32 s31, s6  }
.Ltmp2:
0x2a: {  	_ = 	snop;
	(pc) =	sbr.rel @p1 .LBB1_5-.Ltmp2, $1  }
0x2b: {  	_ =	sdelay $0x3  }
0x2c: {  	s12 =	simm.s32 $0x1  }
0x2d: {  	_ =	swait.ge [sflag:s5], $0x2000;
	s12 =	simm.s32 @!p0 $0x0  }
0x2e: {  	[sflag:s5] =	ssyncset.done $0x0;
	s13 =	sshll.u32 s12, $0xD  }
0x2f: {  	[sflag:s5] =	ssyncadd.s32 $0xFFFFE000;
	s16 =	sor.u32 $0x20, s13  }
0x30: {  	s12 =	smul.u32 $0x8100, s12;
	v3 =	vld [tilespmem:s16+$0x10]  }
0x31: {  	s30 =	sand.u32 $0x1, s10;
	v2 =	vld [tilespmem:s16+$0xFFFFFFF0]  }
0x32: {  	s13 =	smul.u32 $0x8100, s30;
	s12 =	sshrl.u32 s12, $0x2;
	v0 =	vld [tilespmem:s16+$0x0]  }
0x33: {  	v1 =	vld [tilespmem:s16+$0xFFFFFFE0];
	s14 =	sor.u32 $0x4000, s12  }
0x34: {  	s31 =	sshrl.u32 s13, $0x2;
	s13 =	sadd.s32 $0x0, s14  }
0x35: {  	s15 =	simm.s32 $0x4;
	s16 =	sadd.s32 $0x40, s16;
	s12 =	sor.u32 $0x4000, s31;
	[tilespmem:s13+$0x1830 ss:$0x81] =	vst.msk $0xffff, v3  }
.LBB1_3:
0x36: {  	v3 =	vld [tilespmem:s16+$0x10];
	p1 =	sne.s32 s15, $0x1FC;
	[tilespmem:s13+$0x810 ss:$0x81] =	vst.msk $0xffff, v2;
	s17 =	smov.u32 s15;
	s15 =	sadd.s32 $0x4, s15  }
.Ltmp3:
0x37: {  	v2 =	vld [tilespmem:s16+$0xFFFFFFF0];
	[tilespmem:s13+$0x1020 ss:$0x81] =	vst.msk $0xffff, v0;
	(pc) =	sbr.rel @p1 .LBB1_3-.Ltmp3, $4  }
0x38: {  	v0 =	vld [tilespmem:s16+$0x0];
	[tilespmem:s13+$0x0 ss:$0x81] =	vst.msk $0xffff, v1  }
0x39: {  	s13 =	sshra.s32 s17, $0x2;
	v1 =	vld [tilespmem:s16+$0xFFFFFFE0]  }
0x3a: {  	s13 =	sadd.s32 s13, s14  }
0x3b: {  	s16 =	sadd.s32 $0x40, s16;
	[tilespmem:s13+$0x1830 ss:$0x81] =	vst.msk $0xffff, v3  }
.Ltmp4:
0x3c: {  	_ = 	snop;
	(pc) =	sbr.rel .LBB1_4-.Ltmp4, $1  }
0x3d: {  	_ =	sdelay $0x3  }
.LBB1_6:
0x3e: {  	_ =	sfence.sel $0x180000  }
0x3f: {  	s2 =	simm.s32 $0x1;
	[bflag:$0x0] =	sbarrier.arrive $0xFFFF  }
0x40: {  	s31 =	simm.s32 $0x2;
	[sflag:s2] =	ssyncpa.u1 $0x1  }
0x41: {  	[sflag:s31] =	ssyncpa.u1 $0x1  }
0x42: {  	p0 =	sne.s32 s0, $0x0;
	_ =	strace $0x90000050  }
0x43: {  	s0 =	sadd.s32 @!p0 $0x100000, s1;
	[bflag:$0x2] =	sbarrier.arrive $0xFFFF  }
0x44: {  	[sflag:s0] =	ssyncadd.tile.s32 @!p0 $0x1;
	_ =	shalt  }
.Lfunc_end1:
_tile_overlayer_lowered:
.L_overlay_start_2:
0x45: {  	(tag) =	ssettag $0x2  }
0x46: {  	s0 =	rddreg [dreg:$0x0];
	s2 =	stileid.u32  }
0x47: {  	s1 =	rddreg [dreg:$0x1];
	p0 =	sne.s32 s2, $0x0  }
0x48: {  	s3 =	rddreg [dreg:$0x2];
	[bflag:$0x3] =	sbarrier.arrive $0xFFFF;
	s2 =	simm.s32 @!p0 $0x1C01  }
0x49: {  	[timem:s3], [sflag:s2] =	dma.local @!p0 [hbm:s0], s1  }
0x4a: {  	s0 =	simm.s32 @!p0 $0x1  }
0x4b: {  	_ =	swait.ge @!p0 [sflag:s0], s1  }
0x4c: {  	s1 =	ssub.s32 @!p0 $0x0, s1;
	[sflag:s0] =	ssyncset.done @!p0 $0x0  }
0x4d: {  	[sflag:s0] =	ssyncadd.s32 @!p0 s1  }
0x4e: {  	[bflag:$0x3] =	sbarrier.arrive $0xFFFF  }
0x4f: {  	_ =	shalt  }

// kernel: sparse-core-data-format-call.cloned.1.call-start
scs
called_computation_lowered:
.L_overlay_start_0:
0x0: {  	s2 =	sld [smem:$0x3FD9]  }
0x1: {  	s3 =	sld [smem:$0x3FFE];
	_ =	sdelay $0x1  }
0x2: {  	s1 =	srdreg.scid  }
0x3: {  	s0 =	sand.u32 $0x1, s1  }
0x4: {  	s15 =	sshll.u32 s0, $0xA;
	s2 =	sadd.s32 s3, s2  }
0x5: {  	s2 =	sadd.s32 s2, s15  }
0x6: {  	[smem:$0x3FB8] =	sst s2  }
0x7: {  	_ = 	snop  }
0x8: {  	s2 =	sld [smem:$0x3FD0];
	_ =	sdelay $0x2  }
0x9: {  	s16 =	simm.s32 $0xB;
	s4 =	simm.s32 $0x10  }
0xa: {  	[smem:s4], [sflag:s16] =	dma.local [hbm:s2], $0x1  }
0xb: {  	_ =	swait.eq [sflag:s16], $0x1  }
0xc: {  	[sflag:s16] =	ssyncset.done $0x0  }
0xd: {  	[sflag:s16] =	ssyncadd.s32 $0xFFFFFFFF  }
0xe: {  	s17 =	sld [smem:$0x10];
	(tm) =	ssettm $0x1  }
0xf: {  	s18 =	sld [smem:$0x3FFB];
	_ =	sdelay $0x3  }
0x10: {  	_ =	strace s18  }
0x11: {  	s3 =	sld [smem:$0x3FFC];
	_ =	sdelay $0x3  }
0x12: {  	_ =	strace s3  }
0x13: {  	s3 =	sld [smem:$0x3FFD];
	_ =	sdelay $0x3  }
0x14: {  	_ =	strace s3  }
0x15: {  	_ =	strace $0x8FFFFFFF  }
0x16: {  	s19 =	sld [smem:$0x3FDB];
	_ =	sdelay $0x1  }
0x17: {  	s20 =	simm.s32 $_scs_section_size  }
0x18: {  	s5 =	simm.s32 $_size__tile_overlayer_lowered;
	s6 =	simm.s32 $_tile_overlayer_lowered  }
0x19: {  	s23 =	simm.s32 $0x1BFF;
	s22 =	sshll.u32 s6, $0x1;
	s3 =	sadd.s32 s20, s19  }
0x1a: {  	s7 =	simm.s32 $0x0;
	s21 =	sshll.u32 s5, $0x1;
	s5 =	sadd.s32 s22, s3  }
0x1b: {  	[timem:s7], [sflag:s23] =	dma.local [hbm:s5], s21  }
0x1c: {  	_ =	swait.ge [sflag:s23], s21  }
0x1d: {  	s4 =	ssub.s32 $0x0, s21;
	[sflag:s23] =	ssyncset.done $0x0  }
0x1e: {  	[sflag:s23] =	ssyncadd.s32 s4;
	_ =	sdelay $0x1  }
0x1f: {  	s24 =	simm.s32 $0x1B8B  }
0x20: {  	_ =	swait.ge [sflag:s24], $0x1  }
0x21: {  	[sflag:s24] =	ssyncset.done $0x0  }
0x22: {  	s26 =	simm.s32 $0x1B8E;
	s25 =	sld [smem:$0x3FFE];
	[sflag:s24] =	ssyncadd.s32 $0xFFFFFFFF  }
0x23: {  	s27 =	simm.s32 $execute0_lowered;
	[smem:$0x3FD2] =	sst s26  }
0x24: {  	s5 =	sshll.u32 s27, $0x1;
	_ =	strace $0x80000049;
	[dreg:$0x1] =	wrdreg $0xFFFFFFFF  }
0x25: {  	s28 =	simm.s32 $_size_execute0_lowered;
	s3 =	sadd.s32 s3, s5;
	[dreg:$0x0] =	wrdreg $0x0  }
0x26: {  	s5 =	sshll.u32 s28, $0x1;
	[dreg:$0x2] =	wrdreg s3  }
0x27: {  	[dreg:$0x3] =	wrdreg s5  }
0x28: {  	[dreg:$0x4] =	wrdreg $0xC0  }
0x29: {  	_ =	task [dreg:s7], $0x5FFFF  }
0x2a: {  	[dreg:$0x1] =	wrdreg $0xFFFFFFFF  }
0x2b: {  	[dreg:$0x0] =	wrdreg $0x60  }
0x2c: {  	[dreg:$0x2] =	wrdreg s17  }
0x2d: {  	[dreg:$0x3] =	wrdreg s25  }
0x2e: {  	[dreg:$0x4] =	wrdreg $0x9  }
0x2f: {  	_ =	task.clear_ibuf [dreg:s7], $0x5FFFF;
	_ =	strace $0x90000049  }
0x30: {  	s29 =	simm.s32 $0x9;
	_ =	strace $0x8000004B  }
0x31: {  	_ =	swait.ge [sflag:s29], $0x1  }
0x32: {  	[sflag:s29] =	ssyncadd.s32 $0xFFFFFFFF  }
0x33: {  	_ =	strace $0x9000004B  }
0x34: {  	_ =	sfence  }
0x35: {  	s30 =	sld [smem:$0x0];
	_ =	sdelay $0x2  }
0x36: {  	s31 =	sshll.u32 s1, $0xD;
	s1 =	sshrl.u32 s1, $0x2  }
0x37: {  	s3 =	sand.u32 $0x4000, s31;
	s1 =	sadd.s32 s1, s30  }
0x38: {  	s0 =	sor.u32 s3, s0;
	s1 =	sshll.u32 s1, $0x11  }
0x39: {  	s0 =	sor.u32 s1, s0  }
0x3a: {  	s0 =	sadd.s32 $0x8F2B, s0  }
0x3b: {  	[sflag:s0] =	ssyncadd.remote.s32 $0x1  }
0x3c: {  	_ =	sfence.sel $0xFFFF  }
0x3d: {  	[dreg:$0x0] =	wrdreg $0xFFFFFFFF;
	(pc) =	sbr.abs _section_cstart, $3  }
0x3e: {  	[dreg:$0x1] =	wrdreg $0xFFFFFFFF  }
0x3f: {  	_ =	task.clear_ibuf [dreg:s7], $0x2FFFF;
	_ =	strace $0x9FFFFFFF  }
0x40: {  	(tm) =	ssettm $0x7FFFFFFF  }
0x41: {  	_ =	shalt  }
tec
execute0_lowered:
.L_overlay_start_1:
0x0: {  	(tag) =	ssettag $0x1  }
0x1: {  	s0 =	srdreg.scid  }
0x2: {  	s1 =	sshll.u32 s0, $0x4  }
0x3: {  	s2 =	rddreg [dreg:$0x0];
	s0 =	stileid.u32;
	s1 =	sand.u32 $0x10, s1  }
0x4: {  	s4 =	rddreg [dreg:$0x1];
	s7 =	simm.s32 $0x1;
	s1 =	sor.u32 s0, s1  }
0x5: {  	s8 =	simm.s32 $0x2;
	s9 =	simm.s32 $0x0;
	s3 =	sshll.u32 s1, $0x3  }
0x6: {  	s12 =	simm.s32 $0x0;
	s11 =	simm.s32 $0x0;
	s6 =	ssub.s32 $0xC350, s3  }
.Ltmp0:
0x7: {  	s4 =	sadd.s32 $0x66800, s4;
	s5 =	sand.u32 $0xF8, s6;
	(pc) =	sbr.rel .LBB1_1-.Ltmp0, $4  }
0x8: {  	s1 =	rddreg [dreg:$0x2];
	_ =	strace $0x8000004A;
	p0 =	sne.s32 s5, $0x0  }
0x9: {  	s6 =	sshrl.u32 s6, $0x8;
	s5 =	simm.s32 $0x1;
	s7 =	simm.s32 @!p0 $0x0  }
0xa: {  	s10 =	smov.u32 s3;
	[sflag:s5] =	ssyncpa.u1 $0x0;
	s6 =	sadd.s32 s7, s6  }
0xb: {  	[sflag:s8] =	ssyncpa.u1 $0x0;
	s8 =	simm.s32 $0x0;
	s7 =	sadd.s32 $0x1, s6  }
.LBB1_9:
0xc: {  	s14 =	sadd.s32 $0x100, s10  }
0xd: {  	p1 =	sgt.s32 s14, $0xC34F  }
0xe: {  	s14 =	smov.u32 @p1 s3;
	p1 =	sne.s32 s11, s7  }
.Ltmp1:
0xf: {  	p0 =	slt.u32 s11, $0x2;
	(pc) =	sbr.rel @!p1 .LBB1_10-.Ltmp1, $4  }
0x10: {  	s13 =	simm.s32 @!p0 $0x2  }
0x11: {  	s15 =	sadd.s32 $0x1, s11;
	_ =	swait.ge @!p0 [sflag:s13], $0x4000  }
0x12: {  	s12 =	smov.u32 s10;
	s9 =	sadd.s32 $0x4000, s9;
	[sflag:s13] =	ssyncset.done @!p0 $0x0  }
0x13: {  	s11 =	smov.u32 s15;
	s10 =	smov.u32 s14;
	[sflag:s13] =	ssyncadd.s32 @!p0 $0xFFFFC000  }
.LBB1_1:
0x14: {  	p0 =	sge.u32 s11, s6  }
0x15: {  	s13 =	sxor.u32 @!p0 $0xFFFFFFFF, s11  }
0x16: {  	s31 =	sadd.s32 $0xFFFFFFFF, s11;
	s14 =	sshll.u32 @!p0 s10, $0x8;
	s13 =	sshll.u32 @!p0 s13, $0xE  }
0x17: {  	s15 =	simm.s32 @!p0 $0x0;
	s14 =	sadd.s32 @!p0 s2, s14;
	s13 =	sand.u32 @!p0 $0x4000, s13  }
0x18: {  	[tilespmem:s13], [sflag:$0x1] =	stream.linear.gather @!p0 [hbm4b:s14+s15], $0x4000, $0x38;
	[tilespmem:$0x10000] =	vst v63  }
0x19: {  	p0 =	sge.u32 s31, s6  }
.Ltmp2:
0x1a: {  	_ = 	snop;
	(pc) =	sbr.rel @p0 .LBB1_9-.Ltmp2, $1  }
0x1b: {  	_ =	sdelay $0x3  }
0x1c: {  	s13 =	sshll.u32 s9, $0x2;
	_ =	swait.ge [sflag:s5], $0x4000;
	s14 =	sshll.u32 s11, $0xE  }
0x1d: {  	s16 =	simm.s32 $0x0;
	s17 =	simm.s32 $0x0;
	s15 =	sand.u32 $0x10000, s13  }
0x1e: {  	[sflag:s5] =	ssyncset.done $0x0;
	s31 =	sand.u32 $0x4000, s14;
	s14 =	sshrl.u32 s15, $0x2  }
0x1f: {  	[sflag:s5] =	ssyncadd.s32 $0xFFFFC000;
	s13 =	sor.u32 $0x8000, s31;
	s15 =	sor.u32 $0x8000, s14  }
.LBB1_3:
0x20: {  	s18 =	sshra.s32 s16, $0x2  }
0x21: {  	v0 =	vmov s18;
	_ =	sdelay $0x3  }
0x22: {  	p1 =	por $0x1, $0x1;
	s18 =	simm.s32 $0x0  }
.LBB1_4:
0x23: {  	_ = 	snop  }
0x24: {  	s19 =	sshll.u32 s18, $0xA  }
0x25: {  	s19 =	sand.u32 $0x3FFFFC00, s19  }
0x26: {  	s19 =	sadd.s32 s19, s14  }
0x27: {  	v5 =	vld.idx.msk [tilespmem:v0+s19+$0x70 ss:$0x1], $0xffff  }
0x28: {  	v6 =	vld.idx.msk [tilespmem:v0+s19+$0x10 ss:$0x1], $0xffff  }
0x29: {  	v7 =	vld.idx.msk [tilespmem:v0+s19+$0x20 ss:$0x1], $0xffff  }
0x2a: {  	s31 =	sshll.u32 s18, $0x7;
	v1 =	vld.idx.msk [tilespmem:v0+s19+$0x30 ss:$0x1], $0xffff  }
0x2b: {  	s18 =	sand.u32 $0x3FFFFF80, s31;
	v2 =	vld.idx.msk [tilespmem:v0+s19+$0x40 ss:$0x1], $0xffff  }
0x2c: {  	s18 =	sadd.s32 s18, s15;
	v3 =	vld.idx.msk [tilespmem:v0+s19+$0x50 ss:$0x1], $0xffff  }
0x2d: {  	v4 =	vld.idx.msk [tilespmem:v0+s19+$0x60 ss:$0x1], $0xffff;
	[tilespmem:v0+s18+$0x70 ss:$0x1] =	vst.idx.msk $0xffff, v5  }
0x2e: {  	v5 =	vld.idx.msk [tilespmem:v0+s19+$0x0 ss:$0x1], $0xffff;
	[tilespmem:v0+s18+$0x10 ss:$0x1] =	vst.idx.msk $0xffff, v6;
	s19 =	sadd.s32 $0x80, s19  }
0x2f: {  	p0 =	por p1, p1;
	s20 =	simm.s32 $0x6;
	[tilespmem:v0+s18+$0x20 ss:$0x1] =	vst.idx.msk $0xffff, v7;
	v6 =	vld.idx.msk [tilespmem:v0+s19+$0x70 ss:$0x1], $0xffff  }
.LBB1_5:
0x30: {  	p1 =	sne.s32 s20, $0x1;
	v7 =	vld.idx.msk [tilespmem:v0+s19+$0x10 ss:$0x1], $0xffff;
	[tilespmem:v0+s18+$0x30 ss:$0x1] =	vst.idx.msk $0xffff, v1  }
0x31: {  	v8 =	vld.idx.msk [tilespmem:v0+s19+$0x20 ss:$0x1], $0xffff;
	[tilespmem:v0+s18+$0x40 ss:$0x1] =	vst.idx.msk $0xffff, v2  }
0x32: {  	v1 =	vld.idx.msk [tilespmem:v0+s19+$0x30 ss:$0x1], $0xffff;
	[tilespmem:v0+s18+$0x50 ss:$0x1] =	vst.idx.msk $0xffff, v3  }
.Ltmp3:
0x33: {  	v2 =	vld.idx.msk [tilespmem:v0+s19+$0x40 ss:$0x1], $0xffff;
	[tilespmem:v0+s18+$0x60 ss:$0x1] =	vst.idx.msk $0xffff, v4;
	(pc) =	sbr.rel @p1 .LBB1_5-.Ltmp3, $4  }
0x34: {  	v3 =	vld.idx.msk [tilespmem:v0+s19+$0x50 ss:$0x1], $0xffff;
	[tilespmem:v0+s18+$0x0 ss:$0x1] =	vst.idx.msk $0xffff, v5;
	s18 =	sadd.s32 $0x100, s18  }
0x35: {  	v4 =	vld.idx.msk [tilespmem:v0+s19+$0x60 ss:$0x1], $0xffff;
	[tilespmem:v0+s18+$0x70 ss:$0x1] =	vst.idx.msk $0xffff, v6  }
0x36: {  	v5 =	vld.idx.msk [tilespmem:v0+s19+$0x0 ss:$0x1], $0xffff;
	[tilespmem:v0+s18+$0x10 ss:$0x1] =	vst.idx.msk $0xffff, v7;
	s19 =	sadd.s32 $0x80, s19  }
0x37: {  	s20 =	sadd.s32 $0xFFFFFFFF, s20;
	v6 =	vld.idx.msk [tilespmem:v0+s19+$0x70 ss:$0x1], $0xffff;
	[tilespmem:v0+s18+$0x20 ss:$0x1] =	vst.idx.msk $0xffff, v8  }
0x38: {  	_ =	sdelay $0x3  }
0x39: {  	[tilespmem:v0+s18+$0x30 ss:$0x1] =	vst.idx.msk $0xffff, v1  }
0x3a: {  	v1 =	vld.idx.msk [tilespmem:v0+s19+$0x10 ss:$0x1], $0xffff;
	[tilespmem:v0+s18+$0x40 ss:$0x1] =	vst.idx.msk $0xffff, v2  }
0x3b: {  	v2 =	vld.idx.msk [tilespmem:v0+s19+$0x20 ss:$0x1], $0xffff;
	[tilespmem:v0+s18+$0x50 ss:$0x1] =	vst.idx.msk $0xffff, v3  }
0x3c: {  	v61 =	vld.idx.msk [tilespmem:v0+s19+$0x40 ss:$0x1], $0xffff;
	[tilespmem:v0+s18+$0x60 ss:$0x1] =	vst.idx.msk $0xffff, v4  }
0x3d: {  	s31 =	sadd.s32 $0x100, s18;
	v62 =	vld.idx.msk [tilespmem:v0+s19+$0x50 ss:$0x1], $0xffff;
	[tilespmem:v0+s18+$0x0 ss:$0x1] =	vst.idx.msk $0xffff, v5  }
0x3e: {  	v63 =	vld.idx.msk [tilespmem:v0+s19+$0x60 ss:$0x1], $0xffff;
	[tilespmem:v0+s31+$0x70 ss:$0x1] =	vst.idx.msk $0xffff, v6  }
0x3f: {  	v3 =	vld.idx.msk [tilespmem:v0+s19+$0x30 ss:$0x1], $0xffff;
	[tilespmem:v0+s31+$0x10 ss:$0x1] =	vst.idx.msk $0xffff, v1  }
0x40: {  	v1 =	vld.idx.msk [tilespmem:v0+s19+$0x0 ss:$0x1], $0xffff;
	[tilespmem:v0+s31+$0x20 ss:$0x1] =	vst.idx.msk $0xffff, v2  }
.Ltmp4:
0x41: {  	[tilespmem:v0+s31+$0x40 ss:$0x1] =	vst.idx.msk $0xffff, v61;
	(pc) =	sbr.rel @p0 .LBB1_4-.Ltmp4, $4  }
0x42: {  	[tilespmem:v0+s31+$0x50 ss:$0x1] =	vst.idx.msk $0xffff, v62  }
0x43: {  	[tilespmem:v0+s31+$0x60 ss:$0x1] =	vst.idx.msk $0xffff, v63  }
0x44: {  	[tilespmem:v0+s31+$0x30 ss:$0x1] =	vst.idx.msk $0xffff, v3  }
0x45: {  	p1 =	por $0x0, $0x0;
	s18 =	simm.s32 $0x1;
	[tilespmem:v0+s31+$0x0 ss:$0x1] =	vst.idx.msk $0xffff, v1  }
0x46: {  	s17 =	sadd.s32 $0x1, s17  }
0x47: {  	p0 =	sne.s32 s17, $0x8  }
.Ltmp5:
0x48: {  	_ = 	snop;
	(pc) =	sbr.rel @p0 .LBB1_3-.Ltmp5, $2  }
0x49: {  	_ =	sdelay $0x2  }
0x4a: {  	s16 =	sadd.s32 $0x2000, s16  }
.Ltmp6:
0x4b: {  	(pc) =	sbr.rel .LBB1_9-.Ltmp6, $4  }
0x4c: {  	_ = 	snop  }
0x4d: {  	s12 =	sshll.u32 s12, $0x8  }
0x4e: {  	s12 =	sadd.s32 s4, s12  }
0x4f: {  	[hbm4b:s12+s8] =	stream.linear.scatter [tilespmem:s13], [sflag:$0x2], $0x4000, $0x38;
	[tilespmem:$0x10000] =	vst v63  }
.LBB1_10:
0x50: {  	_ =	sfence.sel $0x180000  }
0x51: {  	s2 =	simm.s32 $0x1;
	[bflag:$0x0] =	sbarrier.arrive $0xFFFF  }
0x52: {  	s31 =	simm.s32 $0x2;
	[sflag:s2] =	ssyncpa.u1 $0x1  }
0x53: {  	[sflag:s31] =	ssyncpa.u1 $0x1  }
0x54: {  	p0 =	sne.s32 s0, $0x0;
	_ =	strace $0x9000004A  }
0x55: {  	s0 =	sadd.s32 @!p0 $0x100000, s1;
	[bflag:$0x2] =	sbarrier.arrive $0xFFFF  }
0x56: {  	[sflag:s0] =	ssyncadd.tile.s32 @!p0 $0x1;
	_ =	shalt  }
.Lfunc_end1:
_tile_overlayer_lowered:
.L_overlay_start_2:
0x57: {  	(tag) =	ssettag $0x2  }
0x58: {  	s0 =	rddreg [dreg:$0x0];
	s2 =	stileid.u32  }
0x59: {  	s1 =	rddreg [dreg:$0x1];
	p0 =	sne.s32 s2, $0x0  }
0x5a: {  	s3 =	rddreg [dreg:$0x2];
	[bflag:$0x3] =	sbarrier.arrive $0xFFFF;
	s2 =	simm.s32 @!p0 $0x1C01  }
0x5b: {  	[timem:s3], [sflag:s2] =	dma.local @!p0 [hbm:s0], s1  }
0x5c: {  	s0 =	simm.s32 @!p0 $0x1  }
0x5d: {  	_ =	swait.ge @!p0 [sflag:s0], s1  }
0x5e: {  	s1 =	ssub.s32 @!p0 $0x0, s1;
	[sflag:s0] =	ssyncset.done @!p0 $0x0  }
0x5f: {  	[sflag:s0] =	ssyncadd.s32 @!p0 s1  }
0x60: {  	[bflag:$0x3] =	sbarrier.arrive $0xFFFF  }
0x61: {  	_ =	shalt  }

</sc_bundles>
